<compile_context>
chip_gen: v7x
topology: tpu7x:2x2x1
jax: 0.10.2.dev20260603
libtpu: 0.0.44.dev20260713+nightly
codegen_flags: <defaults>
</compile_context>

<pallas_src>
import functools

import jax
import jax.numpy as jnp
from jax import lax
from jax.experimental import pallas as pl
from jax.experimental.pallas import tpu as pltpu
from jax.experimental.pallas import tpu_sc as plsc


def kernel(labels, token_embedding, tokenized_prompts, ctx):
    B = labels.shape[0]
    C, T = tokenized_prompts.shape
    V, D = token_embedding.shape
    n_ctx = ctx.shape[0]

    info = plsc.get_sparse_core_info()
    NC, NS = info.num_cores, info.num_subcores
    NW = NC * NS
    rows_per_w = B // NW

    W = ((T + 7) // 8) * 8
    toks_tab = jnp.concatenate(
        [tokenized_prompts,
         jnp.broadcast_to(tokenized_prompts[:, T - 1 : T], (C, W - T))],
        axis=1)
    toks_tab = toks_tab.at[:, 1 : 1 + n_ctx].set(
        jnp.broadcast_to(tokenized_prompts[:, 0:1], (C, n_ctx)))

    mesh = plsc.VectorSubcoreMesh(core_axis_name="c", subcore_axis_name="s")

    @functools.partial(
        pl.kernel,
        mesh=mesh,
        out_type=jax.ShapeDtypeStruct((B, T, D), jnp.float32),
        compiler_params=pltpu.CompilerParams(use_tc_tiling_on_sc=False),
        scratch_types=[
            pltpu.VMEM((rows_per_w,), jnp.int32),
            pltpu.VMEM((rows_per_w, W), jnp.int32),
            pltpu.VMEM((n_ctx, D), jnp.float32),
            pltpu.VMEM((2, W, D), jnp.float32),
            pltpu.SemaphoreType.DMA,
            pltpu.SemaphoreType.DMA,
            pltpu.SemaphoreType.DMA,
            pltpu.SemaphoreType.DMA,
        ],
    )
    def _prompt_gather(labels_hbm, emb_hbm, toks_hbm, ctx_hbm, out_hbm,
                       labels_v, toks_v, ctx_v, buf,
                       gsem0, gsem1, wsem0, wsem1):
        wid = lax.axis_index("s") * NC + lax.axis_index("c")
        base = wid * rows_per_w
        gsems = (gsem0, gsem1)
        wsems = (wsem0, wsem1)

        pltpu.sync_copy(labels_hbm.at[pl.ds(base, rows_per_w)], labels_v)
        pltpu.sync_copy(ctx_hbm, ctx_v)
        pltpu.async_copy(toks_hbm.at[labels_v], toks_v, gsem0).wait()

        def gather_copy(i, s):
            return pltpu.make_async_copy(
                emb_hbm.at[toks_v.at[i]], buf.at[s], gsems[s])

        def write_copy(i, s):
            return pltpu.make_async_copy(
                buf.at[s, pl.ds(0, T)], out_hbm.at[base + i], wsems[s])

        def patch_ctx(s):
            def prow(r, carry):
                for j in range(D // 16):
                    buf[s, 1 + r, pl.ds(16 * j, 16)] = \
                        ctx_v[r, pl.ds(16 * j, 16)]
                return carry
            lax.fori_loop(0, n_ctx, prow, 0)

        def step(i, s, first, last):
            if not first:
                write_copy(i - 1, 1 - s).wait()
            if not last:
                gather_copy(i + 1, 1 - s).start()
            gather_copy(i, s).wait()
            patch_ctx(s)
            write_copy(i, s).start()

        gather_copy(0, 0).start()
        step(0, 0, True, False)

        def body(k, carry):
            step(2 * k + 1, 1, False, False)
            step(2 * k + 2, 0, False, False)
            return carry

        lax.fori_loop(0, (rows_per_w - 2) // 2, body, 0)
        step(rows_per_w - 1, 1, False, True)
        write_copy(rows_per_w - 1, 1).wait()

    return _prompt_gather(labels, token_embedding, toks_tab, ctx)

# --- scband reference (transcript-rebuilt; emitter-appended) ---
"""Pipeline reference for scband-prompt-learner-644245094858 (READ-ONLY COPY).

The authoritative reference and input builder live on the scoring server;
editing this copy changes nothing except your own understanding.
"""

import jax, jax.numpy as jnp
import numpy as np

B = 4096
NUM_CLASSES = 1000
VOCAB = 49408
CTX_DIM = 512
CTX_LEN = 77
N_CTX = 8


def setup_inputs(seed: int = 0) -> dict:
    key = jax.random.key(seed)
    k1, k2, k3, k4 = jax.random.split(key, 4)
    labels = jax.random.randint(k1, (B,), 0, NUM_CLASSES, dtype=jnp.int32)
    token_embedding = jax.random.normal(k2, (VOCAB, CTX_DIM), dtype=jnp.float32) * 0.02
    tokenized_prompts = jax.random.randint(k3, (NUM_CLASSES, CTX_LEN), 0, VOCAB, dtype=jnp.int32)
    ctx = jax.random.uniform(k4, (N_CTX, CTX_DIM), dtype=jnp.float32, minval=-0.02, maxval=0.02)
    return {
        "labels": labels,
        "token_embedding": token_embedding,
        "tokenized_prompts": tokenized_prompts,
        "ctx": ctx,
    }


def reference(labels, token_embedding, tokenized_prompts, ctx):
    n_ctx = ctx.shape[0]
    b = labels.shape[0]
    # tokenized_prompts[labels] -> [B, CTX_LEN]
    toks = jnp.take(tokenized_prompts, labels, axis=0)
    # token_embedding lookup -> [B, CTX_LEN, CTX_DIM]
    token_embeds = jnp.take(token_embedding, toks, axis=0)
    prefix = token_embeds[:, :1, :]
    suffix = token_embeds[:, 1 + n_ctx:, :]
    ctx_b = jnp.broadcast_to(ctx[None, :, :], (b, n_ctx, ctx.shape[1]))
    prompts_embedded = jnp.concatenate([prefix, ctx_b, suffix], axis=1)
    return prompts_embedded

if __name__ == "__main__":
    import jax
    _d = setup_inputs()
    print(jax.jit(kernel)(*tuple(_d.values())))

</pallas_src>

<mosaic_0001>
#map = affine_map<(d0, d1) -> (0)>
#map1 = affine_map<(d0, d1) -> (0, 0)>
#map2 = affine_map<(d0, d1) -> (0, 0, 0)>
module attributes {stable_mosaic.version = 14 : i64} {
  func.func @_prompt_gather(%arg0: i32, %arg1: i32, %arg2: memref<4096xi32, #tpu.memory_space<hbm>>, %arg3: memref<49408x512xf32, #tpu.memory_space<hbm>>, %arg4: memref<1000x80xi32, #tpu.memory_space<hbm>>, %arg5: memref<8x512xf32, #tpu.memory_space<hbm>>, %arg6: memref<4096x77x512xf32, #tpu.memory_space<hbm>>, %arg7: memref<128xi32, #tpu.memory_space<vmem>>, %arg8: memref<128x80xi32, #tpu.memory_space<vmem>>, %arg9: memref<8x512xf32, #tpu.memory_space<vmem>>, %arg10: memref<2x80x512xf32, #tpu.memory_space<vmem>>, %arg11: memref<!tpu.dma_semaphore, #tpu.memory_space<semaphore_mem>>, %arg12: memref<!tpu.dma_semaphore, #tpu.memory_space<semaphore_mem>>, %arg13: memref<!tpu.dma_semaphore, #tpu.memory_space<semaphore_mem>>, %arg14: memref<!tpu.dma_semaphore, #tpu.memory_space<semaphore_mem>>) attributes {dimension_semantics = [#tpu.dimension_semantics<core_parallel>, #tpu.dimension_semantics<subcore_parallel>], iteration_bounds = array<i64: 2, 16>, scalar_prefetch = 0 : i64, scratch_operands = 8 : i64, tpu.core_type = #tpu.core_type<sc_vector_subcore>, window_params = [{transform_indices = #map}, {transform_indices = #map1}, {transform_indices = #map1}, {transform_indices = #map1}, {transform_indices = #map2}]} {
    %mul3A = arith.constant 2 : i32
    %mul3A_0 = arith.muli %arg1, %mul3A : i32
    %add3A = arith.addi %mul3A_0, %arg0 : i32
    %mul3A_1 = arith.constant 128 : i32
    %mul3A_2 = arith.muli %add3A, %mul3A_1 : i32
    "tpu.region"() ({
      %run_scoped3A = tpu.sem_alloc : memref<!tpu.dma_semaphore, #tpu.memory_space<semaphore_mem>>
      %dma_start3A_148 = tpu.memref_slice %arg2[%mul3A_2] : memref<4096xi32, #tpu.memory_space<hbm>> -> memref<128xi32, #tpu.memory_space<hbm>>
      %dma_start3A_149 = tpu.memref_slice %arg2[%mul3A_2] : memref<4096xi32, #tpu.memory_space<hbm>> -> memref<128xi32, #tpu.memory_space<hbm>>
      tpu.enqueue_dma source(%dma_start3A_149 : memref<128xi32, #tpu.memory_space<hbm>>) target(%arg7 : memref<128xi32, #tpu.memory_space<vmem>>) target_semaphore(%run_scoped3A : memref<!tpu.dma_semaphore, #tpu.memory_space<semaphore_mem>>)
      %dma_wait3A_150 = tpu.memref_slice %arg2[%mul3A_2] : memref<4096xi32, #tpu.memory_space<hbm>> -> memref<128xi32, #tpu.memory_space<hbm>>
      %dma_wait3A_151 = tpu.memref_slice %arg2[%mul3A_2] : memref<4096xi32, #tpu.memory_space<hbm>> -> memref<128xi32, #tpu.memory_space<hbm>>
      tpu.wait_dma2 semaphore(%run_scoped3A : memref<!tpu.dma_semaphore, #tpu.memory_space<semaphore_mem>>) src(%dma_wait3A_151 : memref<128xi32, #tpu.memory_space<hbm>>) dst(%arg7 : memref<128xi32, #tpu.memory_space<vmem>>)
      tpu.yield
    }) : () -> ()
    "tpu.region"() ({
      %run_scoped3A = tpu.sem_alloc : memref<!tpu.dma_semaphore, #tpu.memory_space<semaphore_mem>>
      tpu.enqueue_dma source(%arg5 : memref<8x512xf32, #tpu.memory_space<hbm>>) target(%arg9 : memref<8x512xf32, #tpu.memory_space<vmem>>) target_semaphore(%run_scoped3A : memref<!tpu.dma_semaphore, #tpu.memory_space<semaphore_mem>>)
      tpu.wait_dma2 semaphore(%run_scoped3A : memref<!tpu.dma_semaphore, #tpu.memory_space<semaphore_mem>>) src(%arg5 : memref<8x512xf32, #tpu.memory_space<hbm>>) dst(%arg9 : memref<8x512xf32, #tpu.memory_space<vmem>>)
      tpu.yield
    }) : () -> ()
    %dma_start3A = arith.constant 0 : i32
    %dma_start3A_3 = arith.constant 0 : i32
    %dma_start3A_4 = tpu.memref_slice %arg4[%dma_start3A, %dma_start3A_3] : memref<1000x80xi32, #tpu.memory_space<hbm>> -> memref<1000x80xi32, #tpu.memory_space<hbm>>
    tpu.enqueue_indirect_dma source(%dma_start3A_4 : memref<1000x80xi32, #tpu.memory_space<hbm>>) target(%arg8 : memref<128x80xi32, #tpu.memory_space<vmem>>) offsets(%arg7 : memref<128xi32, #tpu.memory_space<vmem>>) semaphore(%arg11 : memref<!tpu.dma_semaphore, #tpu.memory_space<semaphore_mem>>)
    %dma_wait3A = arith.constant 0 : i32
    %dma_wait3A_5 = arith.constant 0 : i32
    %dma_wait3A_6 = tpu.memref_slice %arg4[%dma_wait3A, %dma_wait3A_5] : memref<1000x80xi32, #tpu.memory_space<hbm>> -> memref<1000x80xi32, #tpu.memory_space<hbm>>
    tpu.wait_indirect_dma semaphore(%arg11 : memref<!tpu.dma_semaphore, #tpu.memory_space<semaphore_mem>>) src(%dma_wait3A_6 : memref<1000x80xi32, #tpu.memory_space<hbm>>) dst(%arg8 : memref<128x80xi32, #tpu.memory_space<vmem>>)
    %dma_start3A_7 = arith.constant 0 : i32
    %dma_start3A_8 = arith.constant 0 : i32
    %dma_start3A_9 = arith.constant 0 : i32
    %dma_start3A_10 = arith.constant 0 : i32
    %dma_start3A_11 = tpu.memref_slice %arg10[%dma_start3A_8, %dma_start3A_9, %dma_start3A_10] : memref<2x80x512xf32, #tpu.memory_space<vmem>> -> memref<1x80x512xf32, #tpu.memory_space<vmem>>
    %dma_start3A_12 = tpu.memref_squeeze %dma_start3A_11 : memref<1x80x512xf32, #tpu.memory_space<vmem>> -> memref<80x512xf32, #tpu.memory_space<vmem>>
    %dma_start3A_13 = arith.constant 0 : i32
    %dma_start3A_14 = tpu.memref_slice %arg8[%dma_start3A_7, %dma_start3A_13] : memref<128x80xi32, #tpu.memory_space<vmem>> -> memref<1x80xi32, #tpu.memory_space<vmem>>
    %dma_start3A_15 = tpu.memref_squeeze %dma_start3A_14 : memref<1x80xi32, #tpu.memory_space<vmem>> -> memref<80xi32, #tpu.memory_space<vmem>>
    %dma_start3A_16 = arith.constant 0 : i32
    %dma_start3A_17 = arith.constant 0 : i32
    %dma_start3A_18 = tpu.memref_slice %arg3[%dma_start3A_16, %dma_start3A_17] : memref<49408x512xf32, #tpu.memory_space<hbm>> -> memref<49408x512xf32, #tpu.memory_space<hbm>>
    tpu.enqueue_indirect_dma source(%dma_start3A_18 : memref<49408x512xf32, #tpu.memory_space<hbm>>) target(%dma_start3A_12 : memref<80x512xf32, #tpu.memory_space<vmem>>) offsets(%dma_start3A_15 : memref<80xi32, #tpu.memory_space<vmem>>) semaphore(%arg11 : memref<!tpu.dma_semaphore, #tpu.memory_space<semaphore_mem>>)
    %dma_start3A_19 = arith.constant 1 : i32
    %dma_start3A_20 = arith.constant 1 : i32
    %dma_start3A_21 = arith.constant 0 : i32
    %dma_start3A_22 = arith.constant 0 : i32
    %dma_start3A_23 = tpu.memref_slice %arg10[%dma_start3A_20, %dma_start3A_21, %dma_start3A_22] : memref<2x80x512xf32, #tpu.memory_space<vmem>> -> memref<1x80x512xf32, #tpu.memory_space<vmem>>
    %dma_start3A_24 = tpu.memref_squeeze %dma_start3A_23 : memref<1x80x512xf32, #tpu.memory_space<vmem>> -> memref<80x512xf32, #tpu.memory_space<vmem>>
    %dma_start3A_25 = arith.constant 0 : i32
    %dma_start3A_26 = tpu.memref_slice %arg8[%dma_start3A_19, %dma_start3A_25] : memref<128x80xi32, #tpu.memory_space<vmem>> -> memref<1x80xi32, #tpu.memory_space<vmem>>
    %dma_start3A_27 = tpu.memref_squeeze %dma_start3A_26 : memref<1x80xi32, #tpu.memory_space<vmem>> -> memref<80xi32, #tpu.memory_space<vmem>>
    %dma_start3A_28 = arith.constant 0 : i32
    %dma_start3A_29 = arith.constant 0 : i32
    %dma_start3A_30 = tpu.memref_slice %arg3[%dma_start3A_28, %dma_start3A_29] : memref<49408x512xf32, #tpu.memory_space<hbm>> -> memref<49408x512xf32, #tpu.memory_space<hbm>>
    tpu.enqueue_indirect_dma source(%dma_start3A_30 : memref<49408x512xf32, #tpu.memory_space<hbm>>) target(%dma_start3A_24 : memref<80x512xf32, #tpu.memory_space<vmem>>) offsets(%dma_start3A_27 : memref<80xi32, #tpu.memory_space<vmem>>) semaphore(%arg12 : memref<!tpu.dma_semaphore, #tpu.memory_space<semaphore_mem>>)
    %dma_wait3A_31 = arith.constant 0 : i32
    %dma_wait3A_32 = arith.constant 0 : i32
    %dma_wait3A_33 = arith.constant 0 : i32
    %dma_wait3A_34 = arith.constant 0 : i32
    %dma_wait3A_35 = tpu.memref_slice %arg10[%dma_wait3A_32, %dma_wait3A_33, %dma_wait3A_34] : memref<2x80x512xf32, #tpu.memory_space<vmem>> -> memref<1x80x512xf32, #tpu.memory_space<vmem>>
    %dma_wait3A_36 = tpu.memref_squeeze %dma_wait3A_35 : memref<1x80x512xf32, #tpu.memory_space<vmem>> -> memref<80x512xf32, #tpu.memory_space<vmem>>
    %dma_wait3A_37 = arith.constant 0 : i32
    %dma_wait3A_38 = tpu.memref_slice %arg8[%dma_wait3A_31, %dma_wait3A_37] : memref<128x80xi32, #tpu.memory_space<vmem>> -> memref<1x80xi32, #tpu.memory_space<vmem>>
    %dma_wait3A_39 = tpu.memref_squeeze %dma_wait3A_38 : memref<1x80xi32, #tpu.memory_space<vmem>> -> memref<80xi32, #tpu.memory_space<vmem>>
    %dma_wait3A_40 = arith.constant 0 : i32
    %dma_wait3A_41 = arith.constant 0 : i32
    %dma_wait3A_42 = tpu.memref_slice %arg3[%dma_wait3A_40, %dma_wait3A_41] : memref<49408x512xf32, #tpu.memory_space<hbm>> -> memref<49408x512xf32, #tpu.memory_space<hbm>>
    tpu.wait_indirect_dma semaphore(%arg11 : memref<!tpu.dma_semaphore, #tpu.memory_space<semaphore_mem>>) src(%dma_wait3A_42 : memref<49408x512xf32, #tpu.memory_space<hbm>>) dst(%dma_wait3A_36 : memref<80x512xf32, #tpu.memory_space<vmem>>)
    %scan3A = arith.constant 0 : i32
    %scan3A_43 = arith.constant 0 : i32
    %scan3A_44 = arith.constant 8 : i32
    %scan3A_45 = arith.addi %scan3A_43, %scan3A_44 : i32
    %scan3A_46 = arith.constant 1 : i32
    scf.for %scan3A_148 = %scan3A_43 to %scan3A_45 step %scan3A_46  : i32 {
      %get3A = arith.index_cast %scan3A_148 : i32 to index
      %get3A_149 = arith.constant 0 : index
      %get3A_150 = tpu.vector_load %arg9[%get3A, %get3A_149] {strides = array<i32>} : memref<8x512xf32, #tpu.memory_space<vmem>>, vector<1x16xf32>,
      %get3A_151 = vector.shape_cast %get3A_150 : vector<1x16xf32> to vector<16xf32>
      %add3A_152 = arith.constant 1 : i32
      %add3A_153 = arith.addi %add3A_152, %scan3A_148 : i32
      %swap3A = arith.constant 0 : i32
      %swap3A_154 = arith.index_cast %swap3A : i32 to index
      %swap3A_155 = arith.index_cast %add3A_153 : i32 to index
      %swap3A_156 = arith.constant 0 : index
      %swap3A_157 = tpu.vector_load %arg10[%swap3A_154, %swap3A_155, %swap3A_156] {strides = array<i32>} : memref<2x80x512xf32, #tpu.memory_space<vmem>>, vector<1x1x16xf32>,
      %swap3A_158 = vector.shape_cast %swap3A_157 : vector<1x1x16xf32> to vector<16xf32>
      %swap3A_159 = vector.shape_cast %get3A_151 : vector<16xf32> to vector<1x1x16xf32>
      tpu.vector_store %arg10[%swap3A_154, %swap3A_155, %swap3A_156], %swap3A_159 {strides = array<i32>} : memref<2x80x512xf32, #tpu.memory_space<vmem>>, vector<1x1x16xf32>,
      %get3A_160 = arith.index_cast %scan3A_148 : i32 to index
      %get3A_161 = arith.constant 16 : index
      %get3A_162 = tpu.vector_load %arg9[%get3A_160, %get3A_161] {strides = array<i32>} : memref<8x512xf32, #tpu.memory_space<vmem>>, vector<1x16xf32>,
      %get3A_163 = vector.shape_cast %get3A_162 : vector<1x16xf32> to vector<16xf32>
      %add3A_164 = arith.constant 1 : i32
      %add3A_165 = arith.addi %add3A_164, %scan3A_148 : i32
      %swap3A_166 = arith.constant 0 : i32
      %swap3A_167 = arith.index_cast %swap3A_166 : i32 to index
      %swap3A_168 = arith.index_cast %add3A_165 : i32 to index
      %swap3A_169 = arith.constant 16 : index
      %swap3A_170 = tpu.vector_load %arg10[%swap3A_167, %swap3A_168, %swap3A_169] {strides = array<i32>} : memref<2x80x512xf32, #tpu.memory_space<vmem>>, vector<1x1x16xf32>,
      %swap3A_171 = vector.shape_cast %swap3A_170 : vector<1x1x16xf32> to vector<16xf32>
      %swap3A_172 = vector.shape_cast %get3A_163 : vector<16xf32> to vector<1x1x16xf32>
      tpu.vector_store %arg10[%swap3A_167, %swap3A_168, %swap3A_169], %swap3A_172 {strides = array<i32>} : memref<2x80x512xf32, #tpu.memory_space<vmem>>, vector<1x1x16xf32>,
      %get3A_173 = arith.index_cast %scan3A_148 : i32 to index
      %get3A_174 = arith.constant 32 : index
      %get3A_175 = tpu.vector_load %arg9[%get3A_173, %get3A_174] {strides = array<i32>} : memref<8x512xf32, #tpu.memory_space<vmem>>, vector<1x16xf32>,
      %get3A_176 = vector.shape_cast %get3A_175 : vector<1x16xf32> to vector<16xf32>
      %add3A_177 = arith.constant 1 : i32
      %add3A_178 = arith.addi %add3A_177, %scan3A_148 : i32
      %swap3A_179 = arith.constant 0 : i32
      %swap3A_180 = arith.index_cast %swap3A_179 : i32 to index
      %swap3A_181 = arith.index_cast %add3A_178 : i32 to index
      %swap3A_182 = arith.constant 32 : index
      %swap3A_183 = tpu.vector_load %arg10[%swap3A_180, %swap3A_181, %swap3A_182] {strides = array<i32>} : memref<2x80x512xf32, #tpu.memory_space<vmem>>, vector<1x1x16xf32>,
      %swap3A_184 = vector.shape_cast %swap3A_183 : vector<1x1x16xf32> to vector<16xf32>
      %swap3A_185 = vector.shape_cast %get3A_176 : vector<16xf32> to vector<1x1x16xf32>
      tpu.vector_store %arg10[%swap3A_180, %swap3A_181, %swap3A_182], %swap3A_185 {strides = array<i32>} : memref<2x80x512xf32, #tpu.memory_space<vmem>>, vector<1x1x16xf32>,
      %get3A_186 = arith.index_cast %scan3A_148 : i32 to index
      %get3A_187 = arith.constant 48 : index
      %get3A_188 = tpu.vector_load %arg9[%get3A_186, %get3A_187] {strides = array<i32>} : memref<8x512xf32, #tpu.memory_space<vmem>>, vector<1x16xf32>,
      %get3A_189 = vector.shape_cast %get3A_188 : vector<1x16xf32> to vector<16xf32>
      %add3A_190 = arith.constant 1 : i32
      %add3A_191 = arith.addi %add3A_190, %scan3A_148 : i32
      %swap3A_192 = arith.constant 0 : i32
      %swap3A_193 = arith.index_cast %swap3A_192 : i32 to index
      %swap3A_194 = arith.index_cast %add3A_191 : i32 to index
      %swap3A_195 = arith.constant 48 : index
      %swap3A_196 = tpu.vector_load %arg10[%swap3A_193, %swap3A_194, %swap3A_195] {strides = array<i32>} : memref<2x80x512xf32, #tpu.memory_space<vmem>>, vector<1x1x16xf32>,
      %swap3A_197 = vector.shape_cast %swap3A_196 : vector<1x1x16xf32> to vector<16xf32>
      %swap3A_198 = vector.shape_cast %get3A_189 : vector<16xf32> to vector<1x1x16xf32>
      tpu.vector_store %arg10[%swap3A_193, %swap3A_194, %swap3A_195], %swap3A_198 {strides = array<i32>} : memref<2x80x512xf32, #tpu.memory_space<vmem>>, vector<1x1x16xf32>,
      %get3A_199 = arith.index_cast %scan3A_148 : i32 to index
      %get3A_200 = arith.constant 64 : index
      %get3A_201 = tpu.vector_load %arg9[%get3A_199, %get3A_200] {strides = array<i32>} : memref<8x512xf32, #tpu.memory_space<vmem>>, vector<1x16xf32>,
      %get3A_202 = vector.shape_cast %get3A_201 : vector<1x16xf32> to vector<16xf32>
      %add3A_203 = arith.constant 1 : i32
      %add3A_204 = arith.addi %add3A_203, %scan3A_148 : i32
      %swap3A_205 = arith.constant 0 : i32
      %swap3A_206 = arith.index_cast %swap3A_205 : i32 to index
      %swap3A_207 = arith.index_cast %add3A_204 : i32 to index
      %swap3A_208 = arith.constant 64 : index
      %swap3A_209 = tpu.vector_load %arg10[%swap3A_206, %swap3A_207, %swap3A_208] {strides = array<i32>} : memref<2x80x512xf32, #tpu.memory_space<vmem>>, vector<1x1x16xf32>,
      %swap3A_210 = vector.shape_cast %swap3A_209 : vector<1x1x16xf32> to vector<16xf32>
      %swap3A_211 = vector.shape_cast %get3A_202 : vector<16xf32> to vector<1x1x16xf32>
      tpu.vector_store %arg10[%swap3A_206, %swap3A_207, %swap3A_208], %swap3A_211 {strides = array<i32>} : memref<2x80x512xf32, #tpu.memory_space<vmem>>, vector<1x1x16xf32>,
      %get3A_212 = arith.index_cast %scan3A_148 : i32 to index
      %get3A_213 = arith.constant 80 : index
      %get3A_214 = tpu.vector_load %arg9[%get3A_212, %get3A_213] {strides = array<i32>} : memref<8x512xf32, #tpu.memory_space<vmem>>, vector<1x16xf32>,
      %get3A_215 = vector.shape_cast %get3A_214 : vector<1x16xf32> to vector<16xf32>
      %add3A_216 = arith.constant 1 : i32
      %add3A_217 = arith.addi %add3A_216, %scan3A_148 : i32
      %swap3A_218 = arith.constant 0 : i32
      %swap3A_219 = arith.index_cast %swap3A_218 : i32 to index
      %swap3A_220 = arith.index_cast %add3A_217 : i32 to index
      %swap3A_221 = arith.constant 80 : index
      %swap3A_222 = tpu.vector_load %arg10[%swap3A_219, %swap3A_220, %swap3A_221] {strides = array<i32>} : memref<2x80x512xf32, #tpu.memory_space<vmem>>, vector<1x1x16xf32>,
      %swap3A_223 = vector.shape_cast %swap3A_222 : vector<1x1x16xf32> to vector<16xf32>
      %swap3A_224 = vector.shape_cast %get3A_215 : vector<16xf32> to vector<1x1x16xf32>
      tpu.vector_store %arg10[%swap3A_219, %swap3A_220, %swap3A_221], %swap3A_224 {strides = array<i32>} : memref<2x80x512xf32, #tpu.memory_space<vmem>>, vector<1x1x16xf32>,
      %get3A_225 = arith.index_cast %scan3A_148 : i32 to index
      %get3A_226 = arith.constant 96 : index
      %get3A_227 = tpu.vector_load %arg9[%get3A_225, %get3A_226] {strides = array<i32>} : memref<8x512xf32, #tpu.memory_space<vmem>>, vector<1x16xf32>,
      %get3A_228 = vector.shape_cast %get3A_227 : vector<1x16xf32> to vector<16xf32>
      %add3A_229 = arith.constant 1 : i32
      %add3A_230 = arith.addi %add3A_229, %scan3A_148 : i32
      %swap3A_231 = arith.constant 0 : i32
      %swap3A_232 = arith.index_cast %swap3A_231 : i32 to index
      %swap3A_233 = arith.index_cast %add3A_230 : i32 to index
      %swap3A_234 = arith.constant 96 : index
      %swap3A_235 = tpu.vector_load %arg10[%swap3A_232, %swap3A_233, %swap3A_234] {strides = array<i32>} : memref<2x80x512xf32, #tpu.memory_space<vmem>>, vector<1x1x16xf32>,
      %swap3A_236 = vector.shape_cast %swap3A_235 : vector<1x1x16xf32> to vector<16xf32>
      %swap3A_237 = vector.shape_cast %get3A_228 : vector<16xf32> to vector<1x1x16xf32>
      tpu.vector_store %arg10[%swap3A_232, %swap3A_233, %swap3A_234], %swap3A_237 {strides = array<i32>} : memref<2x80x512xf32, #tpu.memory_space<vmem>>, vector<1x1x16xf32>,
      %get3A_238 = arith.index_cast %scan3A_148 : i32 to index
      %get3A_239 = arith.constant 112 : index
      %get3A_240 = tpu.vector_load %arg9[%get3A_238, %get3A_239] {strides = array<i32>} : memref<8x512xf32, #tpu.memory_space<vmem>>, vector<1x16xf32>,
      %get3A_241 = vector.shape_cast %get3A_240 : vector<1x16xf32> to vector<16xf32>
      %add3A_242 = arith.constant 1 : i32
      %add3A_243 = arith.addi %add3A_242, %scan3A_148 : i32
      %swap3A_244 = arith.constant 0 : i32
      %swap3A_245 = arith.index_cast %swap3A_244 : i32 to index
      %swap3A_246 = arith.index_cast %add3A_243 : i32 to index
      %swap3A_247 = arith.constant 112 : index
      %swap3A_248 = tpu.vector_load %arg10[%swap3A_245, %swap3A_246, %swap3A_247] {strides = array<i32>} : memref<2x80x512xf32, #tpu.memory_space<vmem>>, vector<1x1x16xf32>,
      %swap3A_249 = vector.shape_cast %swap3A_248 : vector<1x1x16xf32> to vector<16xf32>
      %swap3A_250 = vector.shape_cast %get3A_241 : vector<16xf32> to vector<1x1x16xf32>
      tpu.vector_store %arg10[%swap3A_245, %swap3A_246, %swap3A_247], %swap3A_250 {strides = array<i32>} : memref<2x80x512xf32, #tpu.memory_space<vmem>>, vector<1x1x16xf32>,
      %get3A_251 = arith.index_cast %scan3A_148 : i32 to index
      %get3A_252 = arith.constant 128 : index
      %get3A_253 = tpu.vector_load %arg9[%get3A_251, %get3A_252] {strides = array<i32>} : memref<8x512xf32, #tpu.memory_space<vmem>>, vector<1x16xf32>,
      %get3A_254 = vector.shape_cast %get3A_253 : vector<1x16xf32> to vector<16xf32>
      %add3A_255 = arith.constant 1 : i32
      %add3A_256 = arith.addi %add3A_255, %scan3A_148 : i32
      %swap3A_257 = arith.constant 0 : i32
      %swap3A_258 = arith.index_cast %swap3A_257 : i32 to index
      %swap3A_259 = arith.index_cast %add3A_256 : i32 to index
      %swap3A_260 = arith.constant 128 : index
      %swap3A_261 = tpu.vector_load %arg10[%swap3A_258, %swap3A_259, %swap3A_260] {strides = array<i32>} : memref<2x80x512xf32, #tpu.memory_space<vmem>>, vector<1x1x16xf32>,
      %swap3A_262 = vector.shape_cast %swap3A_261 : vector<1x1x16xf32> to vector<16xf32>
      %swap3A_263 = vector.shape_cast %get3A_254 : vector<16xf32> to vector<1x1x16xf32>
      tpu.vector_store %arg10[%swap3A_258, %swap3A_259, %swap3A_260], %swap3A_263 {strides = array<i32>} : memref<2x80x512xf32, #tpu.memory_space<vmem>>, vector<1x1x16xf32>,
      %get3A_264 = arith.index_cast %scan3A_148 : i32 to index
      %get3A_265 = arith.constant 144 : index
      %get3A_266 = tpu.vector_load %arg9[%get3A_264, %get3A_265] {strides = array<i32>} : memref<8x512xf32, #tpu.memory_space<vmem>>, vector<1x16xf32>,
      %get3A_267 = vector.shape_cast %get3A_266 : vector<1x16xf32> to vector<16xf32>
      %add3A_268 = arith.constant 1 : i32
      %add3A_269 = arith.addi %add3A_268, %scan3A_148 : i32
      %swap3A_270 = arith.constant 0 : i32
      %swap3A_271 = arith.index_cast %swap3A_270 : i32 to index
      %swap3A_272 = arith.index_cast %add3A_269 : i32 to index
      %swap3A_273 = arith.constant 144 : index
      %swap3A_274 = tpu.vector_load %arg10[%swap3A_271, %swap3A_272, %swap3A_273] {strides = array<i32>} : memref<2x80x512xf32, #tpu.memory_space<vmem>>, vector<1x1x16xf32>,
      %swap3A_275 = vector.shape_cast %swap3A_274 : vector<1x1x16xf32> to vector<16xf32>
      %swap3A_276 = vector.shape_cast %get3A_267 : vector<16xf32> to vector<1x1x16xf32>
      tpu.vector_store %arg10[%swap3A_271, %swap3A_272, %swap3A_273], %swap3A_276 {strides = array<i32>} : memref<2x80x512xf32, #tpu.memory_space<vmem>>, vector<1x1x16xf32>,
      %get3A_277 = arith.index_cast %scan3A_148 : i32 to index
      %get3A_278 = arith.constant 160 : index
      %get3A_279 = tpu.vector_load %arg9[%get3A_277, %get3A_278] {strides = array<i32>} : memref<8x512xf32, #tpu.memory_space<vmem>>, vector<1x16xf32>,
      %get3A_280 = vector.shape_cast %get3A_279 : vector<1x16xf32> to vector<16xf32>
      %add3A_281 = arith.constant 1 : i32
      %add3A_282 = arith.addi %add3A_281, %scan3A_148 : i32
      %swap3A_283 = arith.constant 0 : i32
      %swap3A_284 = arith.index_cast %swap3A_283 : i32 to index
      %swap3A_285 = arith.index_cast %add3A_282 : i32 to index
      %swap3A_286 = arith.constant 160 : index
      %swap3A_287 = tpu.vector_load %arg10[%swap3A_284, %swap3A_285, %swap3A_286] {strides = array<i32>} : memref<2x80x512xf32, #tpu.memory_space<vmem>>, vector<1x1x16xf32>,
      %swap3A_288 = vector.shape_cast %swap3A_287 : vector<1x1x16xf32> to vector<16xf32>
      %swap3A_289 = vector.shape_cast %get3A_280 : vector<16xf32> to vector<1x1x16xf32>
      tpu.vector_store %arg10[%swap3A_284, %swap3A_285, %swap3A_286], %swap3A_289 {strides = array<i32>} : memref<2x80x512xf32, #tpu.memory_space<vmem>>, vector<1x1x16xf32>,
      %get3A_290 = arith.index_cast %scan3A_148 : i32 to index
      %get3A_291 = arith.constant 176 : index
      %get3A_292 = tpu.vector_load %arg9[%get3A_290, %get3A_291] {strides = array<i32>} : memref<8x512xf32, #tpu.memory_space<vmem>>, vector<1x16xf32>,
      %get3A_293 = vector.shape_cast %get3A_292 : vector<1x16xf32> to vector<16xf32>
      %add3A_294 = arith.constant 1 : i32
      %add3A_295 = arith.addi %add3A_294, %scan3A_148 : i32
      %swap3A_296 = arith.constant 0 : i32
      %swap3A_297 = arith.index_cast %swap3A_296 : i32 to index
      %swap3A_298 = arith.index_cast %add3A_295 : i32 to index
      %swap3A_299 = arith.constant 176 : index
      %swap3A_300 = tpu.vector_load %arg10[%swap3A_297, %swap3A_298, %swap3A_299] {strides = array<i32>} : memref<2x80x512xf32, #tpu.memory_space<vmem>>, vector<1x1x16xf32>,
      %swap3A_301 = vector.shape_cast %swap3A_300 : vector<1x1x16xf32> to vector<16xf32>
      %swap3A_302 = vector.shape_cast %get3A_293 : vector<16xf32> to vector<1x1x16xf32>
      tpu.vector_store %arg10[%swap3A_297, %swap3A_298, %swap3A_299], %swap3A_302 {strides = array<i32>} : memref<2x80x512xf32, #tpu.memory_space<vmem>>, vector<1x1x16xf32>,
      %get3A_303 = arith.index_cast %scan3A_148 : i32 to index
      %get3A_304 = arith.constant 192 : index
      %get3A_305 = tpu.vector_load %arg9[%get3A_303, %get3A_304] {strides = array<i32>} : memref<8x512xf32, #tpu.memory_space<vmem>>, vector<1x16xf32>,
      %get3A_306 = vector.shape_cast %get3A_305 : vector<1x16xf32> to vector<16xf32>
      %add3A_307 = arith.constant 1 : i32
      %add3A_308 = arith.addi %add3A_307, %scan3A_148 : i32
      %swap3A_309 = arith.constant 0 : i32
      %swap3A_310 = arith.index_cast %swap3A_309 : i32 to index
      %swap3A_311 = arith.index_cast %add3A_308 : i32 to index
      %swap3A_312 = arith.constant 192 : index
      %swap3A_313 = tpu.vector_load %arg10[%swap3A_310, %swap3A_311, %swap3A_312] {strides = array<i32>} : memref<2x80x512xf32, #tpu.memory_space<vmem>>, vector<1x1x16xf32>,
      %swap3A_314 = vector.shape_cast %swap3A_313 : vector<1x1x16xf32> to vector<16xf32>
      %swap3A_315 = vector.shape_cast %get3A_306 : vector<16xf32> to vector<1x1x16xf32>
      tpu.vector_store %arg10[%swap3A_310, %swap3A_311, %swap3A_312], %swap3A_315 {strides = array<i32>} : memref<2x80x512xf32, #tpu.memory_space<vmem>>, vector<1x1x16xf32>,
      %get3A_316 = arith.index_cast %scan3A_148 : i32 to index
      %get3A_317 = arith.constant 208 : index
      %get3A_318 = tpu.vector_load %arg9[%get3A_316, %get3A_317] {strides = array<i32>} : memref<8x512xf32, #tpu.memory_space<vmem>>, vector<1x16xf32>,
      %get3A_319 = vector.shape_cast %get3A_318 : vector<1x16xf32> to vector<16xf32>
      %add3A_320 = arith.constant 1 : i32
      %add3A_321 = arith.addi %add3A_320, %scan3A_148 : i32
      %swap3A_322 = arith.constant 0 : i32
      %swap3A_323 = arith.index_cast %swap3A_322 : i32 to index
      %swap3A_324 = arith.index_cast %add3A_321 : i32 to index
      %swap3A_325 = arith.constant 208 : index
      %swap3A_326 = tpu.vector_load %arg10[%swap3A_323, %swap3A_324, %swap3A_325] {strides = array<i32>} : memref<2x80x512xf32, #tpu.memory_space<vmem>>, vector<1x1x16xf32>,
      %swap3A_327 = vector.shape_cast %swap3A_326 : vector<1x1x16xf32> to vector<16xf32>
      %swap3A_328 = vector.shape_cast %get3A_319 : vector<16xf32> to vector<1x1x16xf32>
      tpu.vector_store %arg10[%swap3A_323, %swap3A_324, %swap3A_325], %swap3A_328 {strides = array<i32>} : memref<2x80x512xf32, #tpu.memory_space<vmem>>, vector<1x1x16xf32>,
      %get3A_329 = arith.index_cast %scan3A_148 : i32 to index
      %get3A_330 = arith.constant 224 : index
      %get3A_331 = tpu.vector_load %arg9[%get3A_329, %get3A_330] {strides = array<i32>} : memref<8x512xf32, #tpu.memory_space<vmem>>, vector<1x16xf32>,
      %get3A_332 = vector.shape_cast %get3A_331 : vector<1x16xf32> to vector<16xf32>
      %add3A_333 = arith.constant 1 : i32
      %add3A_334 = arith.addi %add3A_333, %scan3A_148 : i32
      %swap3A_335 = arith.constant 0 : i32
      %swap3A_336 = arith.index_cast %swap3A_335 : i32 to index
      %swap3A_337 = arith.index_cast %add3A_334 : i32 to index
      %swap3A_338 = arith.constant 224 : index
      %swap3A_339 = tpu.vector_load %arg10[%swap3A_336, %swap3A_337, %swap3A_338] {strides = array<i32>} : memref<2x80x512xf32, #tpu.memory_space<vmem>>, vector<1x1x16xf32>,
      %swap3A_340 = vector.shape_cast %swap3A_339 : vector<1x1x16xf32> to vector<16xf32>
      %swap3A_341 = vector.shape_cast %get3A_332 : vector<16xf32> to vector<1x1x16xf32>
      tpu.vector_store %arg10[%swap3A_336, %swap3A_337, %swap3A_338], %swap3A_341 {strides = array<i32>} : memref<2x80x512xf32, #tpu.memory_space<vmem>>, vector<1x1x16xf32>,
      %get3A_342 = arith.index_cast %scan3A_148 : i32 to index
      %get3A_343 = arith.constant 240 : index
      %get3A_344 = tpu.vector_load %arg9[%get3A_342, %get3A_343] {strides = array<i32>} : memref<8x512xf32, #tpu.memory_space<vmem>>, vector<1x16xf32>,
      %get3A_345 = vector.shape_cast %get3A_344 : vector<1x16xf32> to vector<16xf32>
      %add3A_346 = arith.constant 1 : i32
      %add3A_347 = arith.addi %add3A_346, %scan3A_148 : i32
      %swap3A_348 = arith.constant 0 : i32
      %swap3A_349 = arith.index_cast %swap3A_348 : i32 to index
      %swap3A_350 = arith.index_cast %add3A_347 : i32 to index
      %swap3A_351 = arith.constant 240 : index
      %swap3A_352 = tpu.vector_load %arg10[%swap3A_349, %swap3A_350, %swap3A_351] {strides = array<i32>} : memref<2x80x512xf32, #tpu.memory_space<vmem>>, vector<1x1x16xf32>,
      %swap3A_353 = vector.shape_cast %swap3A_352 : vector<1x1x16xf32> to vector<16xf32>
      %swap3A_354 = vector.shape_cast %get3A_345 : vector<16xf32> to vector<1x1x16xf32>
      tpu.vector_store %arg10[%swap3A_349, %swap3A_350, %swap3A_351], %swap3A_354 {strides = array<i32>} : memref<2x80x512xf32, #tpu.memory_space<vmem>>, vector<1x1x16xf32>,
      %get3A_355 = arith.index_cast %scan3A_148 : i32 to index
      %get3A_356 = arith.constant 256 : index
      %get3A_357 = tpu.vector_load %arg9[%get3A_355, %get3A_356] {strides = array<i32>} : memref<8x512xf32, #tpu.memory_space<vmem>>, vector<1x16xf32>,
      %get3A_358 = vector.shape_cast %get3A_357 : vector<1x16xf32> to vector<16xf32>
      %add3A_359 = arith.constant 1 : i32
      %add3A_360 = arith.addi %add3A_359, %scan3A_148 : i32
      %swap3A_361 = arith.constant 0 : i32
      %swap3A_362 = arith.index_cast %swap3A_361 : i32 to index
      %swap3A_363 = arith.index_cast %add3A_360 : i32 to index
      %swap3A_364 = arith.constant 256 : index
      %swap3A_365 = tpu.vector_load %arg10[%swap3A_362, %swap3A_363, %swap3A_364] {strides = array<i32>} : memref<2x80x512xf32, #tpu.memory_space<vmem>>, vector<1x1x16xf32>,
      %swap3A_366 = vector.shape_cast %swap3A_365 : vector<1x1x16xf32> to vector<16xf32>
      %swap3A_367 = vector.shape_cast %get3A_358 : vector<16xf32> to vector<1x1x16xf32>
      tpu.vector_store %arg10[%swap3A_362, %swap3A_363, %swap3A_364], %swap3A_367 {strides = array<i32>} : memref<2x80x512xf32, #tpu.memory_space<vmem>>, vector<1x1x16xf32>,
      %get3A_368 = arith.index_cast %scan3A_148 : i32 to index
      %get3A_369 = arith.constant 272 : index
      %get3A_370 = tpu.vector_load %arg9[%get3A_368, %get3A_369] {strides = array<i32>} : memref<8x512xf32, #tpu.memory_space<vmem>>, vector<1x16xf32>,
      %get3A_371 = vector.shape_cast %get3A_370 : vector<1x16xf32> to vector<16xf32>
      %add3A_372 = arith.constant 1 : i32
      %add3A_373 = arith.addi %add3A_372, %scan3A_148 : i32
      %swap3A_374 = arith.constant 0 : i32
      %swap3A_375 = arith.index_cast %swap3A_374 : i32 to index
      %swap3A_376 = arith.index_cast %add3A_373 : i32 to index
      %swap3A_377 = arith.constant 272 : index
      %swap3A_378 = tpu.vector_load %arg10[%swap3A_375, %swap3A_376, %swap3A_377] {strides = array<i32>} : memref<2x80x512xf32, #tpu.memory_space<vmem>>, vector<1x1x16xf32>,
      %swap3A_379 = vector.shape_cast %swap3A_378 : vector<1x1x16xf32> to vector<16xf32>
      %swap3A_380 = vector.shape_cast %get3A_371 : vector<16xf32> to vector<1x1x16xf32>
      tpu.vector_store %arg10[%swap3A_375, %swap3A_376, %swap3A_377], %swap3A_380 {strides = array<i32>} : memref<2x80x512xf32, #tpu.memory_space<vmem>>, vector<1x1x16xf32>,
      %get3A_381 = arith.index_cast %scan3A_148 : i32 to index
      %get3A_382 = arith.constant 288 : index
      %get3A_383 = tpu.vector_load %arg9[%get3A_381, %get3A_382] {strides = array<i32>} : memref<8x512xf32, #tpu.memory_space<vmem>>, vector<1x16xf32>,
      %get3A_384 = vector.shape_cast %get3A_383 : vector<1x16xf32> to vector<16xf32>
      %add3A_385 = arith.constant 1 : i32
      %add3A_386 = arith.addi %add3A_385, %scan3A_148 : i32
      %swap3A_387 = arith.constant 0 : i32
      %swap3A_388 = arith.index_cast %swap3A_387 : i32 to index
      %swap3A_389 = arith.index_cast %add3A_386 : i32 to index
      %swap3A_390 = arith.constant 288 : index
      %swap3A_391 = tpu.vector_load %arg10[%swap3A_388, %swap3A_389, %swap3A_390] {strides = array<i32>} : memref<2x80x512xf32, #tpu.memory_space<vmem>>, vector<1x1x16xf32>,
      %swap3A_392 = vector.shape_cast %swap3A_391 : vector<1x1x16xf32> to vector<16xf32>
      %swap3A_393 = vector.shape_cast %get3A_384 : vector<16xf32> to vector<1x1x16xf32>
      tpu.vector_store %arg10[%swap3A_388, %swap3A_389, %swap3A_390], %swap3A_393 {strides = array<i32>} : memref<2x80x512xf32, #tpu.memory_space<vmem>>, vector<1x1x16xf32>,
      %get3A_394 = arith.index_cast %scan3A_148 : i32 to index
      %get3A_395 = arith.constant 304 : index
      %get3A_396 = tpu.vector_load %arg9[%get3A_394, %get3A_395] {strides = array<i32>} : memref<8x512xf32, #tpu.memory_space<vmem>>, vector<1x16xf32>,
      %get3A_397 = vector.shape_cast %get3A_396 : vector<1x16xf32> to vector<16xf32>
      %add3A_398 = arith.constant 1 : i32
      %add3A_399 = arith.addi %add3A_398, %scan3A_148 : i32
      %swap3A_400 = arith.constant 0 : i32
      %swap3A_401 = arith.index_cast %swap3A_400 : i32 to index
      %swap3A_402 = arith.index_cast %add3A_399 : i32 to index
      %swap3A_403 = arith.constant 304 : index
      %swap3A_404 = tpu.vector_load %arg10[%swap3A_401, %swap3A_402, %swap3A_403] {strides = array<i32>} : memref<2x80x512xf32, #tpu.memory_space<vmem>>, vector<1x1x16xf32>,
      %swap3A_405 = vector.shape_cast %swap3A_404 : vector<1x1x16xf32> to vector<16xf32>
      %swap3A_406 = vector.shape_cast %get3A_397 : vector<16xf32> to vector<1x1x16xf32>
      tpu.vector_store %arg10[%swap3A_401, %swap3A_402, %swap3A_403], %swap3A_406 {strides = array<i32>} : memref<2x80x512xf32, #tpu.memory_space<vmem>>, vector<1x1x16xf32>,
      %get3A_407 = arith.index_cast %scan3A_148 : i32 to index
      %get3A_408 = arith.constant 320 : index
      %get3A_409 = tpu.vector_load %arg9[%get3A_407, %get3A_408] {strides = array<i32>} : memref<8x512xf32, #tpu.memory_space<vmem>>, vector<1x16xf32>,
      %get3A_410 = vector.shape_cast %get3A_409 : vector<1x16xf32> to vector<16xf32>
      %add3A_411 = arith.constant 1 : i32
      %add3A_412 = arith.addi %add3A_411, %scan3A_148 : i32
      %swap3A_413 = arith.constant 0 : i32
      %swap3A_414 = arith.index_cast %swap3A_413 : i32 to index
      %swap3A_415 = arith.index_cast %add3A_412 : i32 to index
      %swap3A_416 = arith.constant 320 : index
      %swap3A_417 = tpu.vector_load %arg10[%swap3A_414, %swap3A_415, %swap3A_416] {strides = array<i32>} : memref<2x80x512xf32, #tpu.memory_space<vmem>>, vector<1x1x16xf32>,
      %swap3A_418 = vector.shape_cast %swap3A_417 : vector<1x1x16xf32> to vector<16xf32>
      %swap3A_419 = vector.shape_cast %get3A_410 : vector<16xf32> to vector<1x1x16xf32>
      tpu.vector_store %arg10[%swap3A_414, %swap3A_415, %swap3A_416], %swap3A_419 {strides = array<i32>} : memref<2x80x512xf32, #tpu.memory_space<vmem>>, vector<1x1x16xf32>,
      %get3A_420 = arith.index_cast %scan3A_148 : i32 to index
      %get3A_421 = arith.constant 336 : index
      %get3A_422 = tpu.vector_load %arg9[%get3A_420, %get3A_421] {strides = array<i32>} : memref<8x512xf32, #tpu.memory_space<vmem>>, vector<1x16xf32>,
      %get3A_423 = vector.shape_cast %get3A_422 : vector<1x16xf32> to vector<16xf32>
      %add3A_424 = arith.constant 1 : i32
      %add3A_425 = arith.addi %add3A_424, %scan3A_148 : i32
      %swap3A_426 = arith.constant 0 : i32
      %swap3A_427 = arith.index_cast %swap3A_426 : i32 to index
      %swap3A_428 = arith.index_cast %add3A_425 : i32 to index
      %swap3A_429 = arith.constant 336 : index
      %swap3A_430 = tpu.vector_load %arg10[%swap3A_427, %swap3A_428, %swap3A_429] {strides = array<i32>} : memref<2x80x512xf32, #tpu.memory_space<vmem>>, vector<1x1x16xf32>,
      %swap3A_431 = vector.shape_cast %swap3A_430 : vector<1x1x16xf32> to vector<16xf32>
      %swap3A_432 = vector.shape_cast %get3A_423 : vector<16xf32> to vector<1x1x16xf32>
      tpu.vector_store %arg10[%swap3A_427, %swap3A_428, %swap3A_429], %swap3A_432 {strides = array<i32>} : memref<2x80x512xf32, #tpu.memory_space<vmem>>, vector<1x1x16xf32>,
      %get3A_433 = arith.index_cast %scan3A_148 : i32 to index
      %get3A_434 = arith.constant 352 : index
      %get3A_435 = tpu.vector_load %arg9[%get3A_433, %get3A_434] {strides = array<i32>} : memref<8x512xf32, #tpu.memory_space<vmem>>, vector<1x16xf32>,
      %get3A_436 = vector.shape_cast %get3A_435 : vector<1x16xf32> to vector<16xf32>
      %add3A_437 = arith.constant 1 : i32
      %add3A_438 = arith.addi %add3A_437, %scan3A_148 : i32
      %swap3A_439 = arith.constant 0 : i32
      %swap3A_440 = arith.index_cast %swap3A_439 : i32 to index
      %swap3A_441 = arith.index_cast %add3A_438 : i32 to index
      %swap3A_442 = arith.constant 352 : index
      %swap3A_443 = tpu.vector_load %arg10[%swap3A_440, %swap3A_441, %swap3A_442] {strides = array<i32>} : memref<2x80x512xf32, #tpu.memory_space<vmem>>, vector<1x1x16xf32>,
      %swap3A_444 = vector.shape_cast %swap3A_443 : vector<1x1x16xf32> to vector<16xf32>
      %swap3A_445 = vector.shape_cast %get3A_436 : vector<16xf32> to vector<1x1x16xf32>
      tpu.vector_store %arg10[%swap3A_440, %swap3A_441, %swap3A_442], %swap3A_445 {strides = array<i32>} : memref<2x80x512xf32, #tpu.memory_space<vmem>>, vector<1x1x16xf32>,
      %get3A_446 = arith.index_cast %scan3A_148 : i32 to index
      %get3A_447 = arith.constant 368 : index
      %get3A_448 = tpu.vector_load %arg9[%get3A_446, %get3A_447] {strides = array<i32>} : memref<8x512xf32, #tpu.memory_space<vmem>>, vector<1x16xf32>,
      %get3A_449 = vector.shape_cast %get3A_448 : vector<1x16xf32> to vector<16xf32>
      %add3A_450 = arith.constant 1 : i32
      %add3A_451 = arith.addi %add3A_450, %scan3A_148 : i32
      %swap3A_452 = arith.constant 0 : i32
      %swap3A_453 = arith.index_cast %swap3A_452 : i32 to index
      %swap3A_454 = arith.index_cast %add3A_451 : i32 to index
      %swap3A_455 = arith.constant 368 : index
      %swap3A_456 = tpu.vector_load %arg10[%swap3A_453, %swap3A_454, %swap3A_455] {strides = array<i32>} : memref<2x80x512xf32, #tpu.memory_space<vmem>>, vector<1x1x16xf32>,
      %swap3A_457 = vector.shape_cast %swap3A_456 : vector<1x1x16xf32> to vector<16xf32>
      %swap3A_458 = vector.shape_cast %get3A_449 : vector<16xf32> to vector<1x1x16xf32>
      tpu.vector_store %arg10[%swap3A_453, %swap3A_454, %swap3A_455], %swap3A_458 {strides = array<i32>} : memref<2x80x512xf32, #tpu.memory_space<vmem>>, vector<1x1x16xf32>,
      %get3A_459 = arith.index_cast %scan3A_148 : i32 to index
      %get3A_460 = arith.constant 384 : index
      %get3A_461 = tpu.vector_load %arg9[%get3A_459, %get3A_460] {strides = array<i32>} : memref<8x512xf32, #tpu.memory_space<vmem>>, vector<1x16xf32>,
      %get3A_462 = vector.shape_cast %get3A_461 : vector<1x16xf32> to vector<16xf32>
      %add3A_463 = arith.constant 1 : i32
      %add3A_464 = arith.addi %add3A_463, %scan3A_148 : i32
      %swap3A_465 = arith.constant 0 : i32
      %swap3A_466 = arith.index_cast %swap3A_465 : i32 to index
      %swap3A_467 = arith.index_cast %add3A_464 : i32 to index
      %swap3A_468 = arith.constant 384 : index
      %swap3A_469 = tpu.vector_load %arg10[%swap3A_466, %swap3A_467, %swap3A_468] {strides = array<i32>} : memref<2x80x512xf32, #tpu.memory_space<vmem>>, vector<1x1x16xf32>,
      %swap3A_470 = vector.shape_cast %swap3A_469 : vector<1x1x16xf32> to vector<16xf32>
      %swap3A_471 = vector.shape_cast %get3A_462 : vector<16xf32> to vector<1x1x16xf32>
      tpu.vector_store %arg10[%swap3A_466, %swap3A_467, %swap3A_468], %swap3A_471 {strides = array<i32>} : memref<2x80x512xf32, #tpu.memory_space<vmem>>, vector<1x1x16xf32>,
      %get3A_472 = arith.index_cast %scan3A_148 : i32 to index
      %get3A_473 = arith.constant 400 : index
      %get3A_474 = tpu.vector_load %arg9[%get3A_472, %get3A_473] {strides = array<i32>} : memref<8x512xf32, #tpu.memory_space<vmem>>, vector<1x16xf32>,
      %get3A_475 = vector.shape_cast %get3A_474 : vector<1x16xf32> to vector<16xf32>
      %add3A_476 = arith.constant 1 : i32
      %add3A_477 = arith.addi %add3A_476, %scan3A_148 : i32
      %swap3A_478 = arith.constant 0 : i32
      %swap3A_479 = arith.index_cast %swap3A_478 : i32 to index
      %swap3A_480 = arith.index_cast %add3A_477 : i32 to index
      %swap3A_481 = arith.constant 400 : index
      %swap3A_482 = tpu.vector_load %arg10[%swap3A_479, %swap3A_480, %swap3A_481] {strides = array<i32>} : memref<2x80x512xf32, #tpu.memory_space<vmem>>, vector<1x1x16xf32>,
      %swap3A_483 = vector.shape_cast %swap3A_482 : vector<1x1x16xf32> to vector<16xf32>
      %swap3A_484 = vector.shape_cast %get3A_475 : vector<16xf32> to vector<1x1x16xf32>
      tpu.vector_store %arg10[%swap3A_479, %swap3A_480, %swap3A_481], %swap3A_484 {strides = array<i32>} : memref<2x80x512xf32, #tpu.memory_space<vmem>>, vector<1x1x16xf32>,
      %get3A_485 = arith.index_cast %scan3A_148 : i32 to index
      %get3A_486 = arith.constant 416 : index
      %get3A_487 = tpu.vector_load %arg9[%get3A_485, %get3A_486] {strides = array<i32>} : memref<8x512xf32, #tpu.memory_space<vmem>>, vector<1x16xf32>,
      %get3A_488 = vector.shape_cast %get3A_487 : vector<1x16xf32> to vector<16xf32>
      %add3A_489 = arith.constant 1 : i32
      %add3A_490 = arith.addi %add3A_489, %scan3A_148 : i32
      %swap3A_491 = arith.constant 0 : i32
      %swap3A_492 = arith.index_cast %swap3A_491 : i32 to index
      %swap3A_493 = arith.index_cast %add3A_490 : i32 to index
      %swap3A_494 = arith.constant 416 : index
      %swap3A_495 = tpu.vector_load %arg10[%swap3A_492, %swap3A_493, %swap3A_494] {strides = array<i32>} : memref<2x80x512xf32, #tpu.memory_space<vmem>>, vector<1x1x16xf32>,
      %swap3A_496 = vector.shape_cast %swap3A_495 : vector<1x1x16xf32> to vector<16xf32>
      %swap3A_497 = vector.shape_cast %get3A_488 : vector<16xf32> to vector<1x1x16xf32>
      tpu.vector_store %arg10[%swap3A_492, %swap3A_493, %swap3A_494], %swap3A_497 {strides = array<i32>} : memref<2x80x512xf32, #tpu.memory_space<vmem>>, vector<1x1x16xf32>,
      %get3A_498 = arith.index_cast %scan3A_148 : i32 to index
      %get3A_499 = arith.constant 432 : index
      %get3A_500 = tpu.vector_load %arg9[%get3A_498, %get3A_499] {strides = array<i32>} : memref<8x512xf32, #tpu.memory_space<vmem>>, vector<1x16xf32>,
      %get3A_501 = vector.shape_cast %get3A_500 : vector<1x16xf32> to vector<16xf32>
      %add3A_502 = arith.constant 1 : i32
      %add3A_503 = arith.addi %add3A_502, %scan3A_148 : i32
      %swap3A_504 = arith.constant 0 : i32
      %swap3A_505 = arith.index_cast %swap3A_504 : i32 to index
      %swap3A_506 = arith.index_cast %add3A_503 : i32 to index
      %swap3A_507 = arith.constant 432 : index
      %swap3A_508 = tpu.vector_load %arg10[%swap3A_505, %swap3A_506, %swap3A_507] {strides = array<i32>} : memref<2x80x512xf32, #tpu.memory_space<vmem>>, vector<1x1x16xf32>,
      %swap3A_509 = vector.shape_cast %swap3A_508 : vector<1x1x16xf32> to vector<16xf32>
      %swap3A_510 = vector.shape_cast %get3A_501 : vector<16xf32> to vector<1x1x16xf32>
      tpu.vector_store %arg10[%swap3A_505, %swap3A_506, %swap3A_507], %swap3A_510 {strides = array<i32>} : memref<2x80x512xf32, #tpu.memory_space<vmem>>, vector<1x1x16xf32>,
      %get3A_511 = arith.index_cast %scan3A_148 : i32 to index
      %get3A_512 = arith.constant 448 : index
      %get3A_513 = tpu.vector_load %arg9[%get3A_511, %get3A_512] {strides = array<i32>} : memref<8x512xf32, #tpu.memory_space<vmem>>, vector<1x16xf32>,
      %get3A_514 = vector.shape_cast %get3A_513 : vector<1x16xf32> to vector<16xf32>
      %add3A_515 = arith.constant 1 : i32
      %add3A_516 = arith.addi %add3A_515, %scan3A_148 : i32
      %swap3A_517 = arith.constant 0 : i32
      %swap3A_518 = arith.index_cast %swap3A_517 : i32 to index
      %swap3A_519 = arith.index_cast %add3A_516 : i32 to index
      %swap3A_520 = arith.constant 448 : index
      %swap3A_521 = tpu.vector_load %arg10[%swap3A_518, %swap3A_519, %swap3A_520] {strides = array<i32>} : memref<2x80x512xf32, #tpu.memory_space<vmem>>, vector<1x1x16xf32>,
      %swap3A_522 = vector.shape_cast %swap3A_521 : vector<1x1x16xf32> to vector<16xf32>
      %swap3A_523 = vector.shape_cast %get3A_514 : vector<16xf32> to vector<1x1x16xf32>
      tpu.vector_store %arg10[%swap3A_518, %swap3A_519, %swap3A_520], %swap3A_523 {strides = array<i32>} : memref<2x80x512xf32, #tpu.memory_space<vmem>>, vector<1x1x16xf32>,
      %get3A_524 = arith.index_cast %scan3A_148 : i32 to index
      %get3A_525 = arith.constant 464 : index
      %get3A_526 = tpu.vector_load %arg9[%get3A_524, %get3A_525] {strides = array<i32>} : memref<8x512xf32, #tpu.memory_space<vmem>>, vector<1x16xf32>,
      %get3A_527 = vector.shape_cast %get3A_526 : vector<1x16xf32> to vector<16xf32>
      %add3A_528 = arith.constant 1 : i32
      %add3A_529 = arith.addi %add3A_528, %scan3A_148 : i32
      %swap3A_530 = arith.constant 0 : i32
      %swap3A_531 = arith.index_cast %swap3A_530 : i32 to index
      %swap3A_532 = arith.index_cast %add3A_529 : i32 to index
      %swap3A_533 = arith.constant 464 : index
      %swap3A_534 = tpu.vector_load %arg10[%swap3A_531, %swap3A_532, %swap3A_533] {strides = array<i32>} : memref<2x80x512xf32, #tpu.memory_space<vmem>>, vector<1x1x16xf32>,
      %swap3A_535 = vector.shape_cast %swap3A_534 : vector<1x1x16xf32> to vector<16xf32>
      %swap3A_536 = vector.shape_cast %get3A_527 : vector<16xf32> to vector<1x1x16xf32>
      tpu.vector_store %arg10[%swap3A_531, %swap3A_532, %swap3A_533], %swap3A_536 {strides = array<i32>} : memref<2x80x512xf32, #tpu.memory_space<vmem>>, vector<1x1x16xf32>,
      %get3A_537 = arith.index_cast %scan3A_148 : i32 to index
      %get3A_538 = arith.constant 480 : index
      %get3A_539 = tpu.vector_load %arg9[%get3A_537, %get3A_538] {strides = array<i32>} : memref<8x512xf32, #tpu.memory_space<vmem>>, vector<1x16xf32>,
      %get3A_540 = vector.shape_cast %get3A_539 : vector<1x16xf32> to vector<16xf32>
      %add3A_541 = arith.constant 1 : i32
      %add3A_542 = arith.addi %add3A_541, %scan3A_148 : i32
      %swap3A_543 = arith.constant 0 : i32
      %swap3A_544 = arith.index_cast %swap3A_543 : i32 to index
      %swap3A_545 = arith.index_cast %add3A_542 : i32 to index
      %swap3A_546 = arith.constant 480 : index
      %swap3A_547 = tpu.vector_load %arg10[%swap3A_544, %swap3A_545, %swap3A_546] {strides = array<i32>} : memref<2x80x512xf32, #tpu.memory_space<vmem>>, vector<1x1x16xf32>,
      %swap3A_548 = vector.shape_cast %swap3A_547 : vector<1x1x16xf32> to vector<16xf32>
      %swap3A_549 = vector.shape_cast %get3A_540 : vector<16xf32> to vector<1x1x16xf32>
      tpu.vector_store %arg10[%swap3A_544, %swap3A_545, %swap3A_546], %swap3A_549 {strides = array<i32>} : memref<2x80x512xf32, #tpu.memory_space<vmem>>, vector<1x1x16xf32>,
      %get3A_550 = arith.index_cast %scan3A_148 : i32 to index
      %get3A_551 = arith.constant 496 : index
      %get3A_552 = tpu.vector_load %arg9[%get3A_550, %get3A_551] {strides = array<i32>} : memref<8x512xf32, #tpu.memory_space<vmem>>, vector<1x16xf32>,
      %get3A_553 = vector.shape_cast %get3A_552 : vector<1x16xf32> to vector<16xf32>
      %add3A_554 = arith.constant 1 : i32
      %add3A_555 = arith.addi %add3A_554, %scan3A_148 : i32
      %swap3A_556 = arith.constant 0 : i32
      %swap3A_557 = arith.index_cast %swap3A_556 : i32 to index
      %swap3A_558 = arith.index_cast %add3A_555 : i32 to index
      %swap3A_559 = arith.constant 496 : index
      %swap3A_560 = tpu.vector_load %arg10[%swap3A_557, %swap3A_558, %swap3A_559] {strides = array<i32>} : memref<2x80x512xf32, #tpu.memory_space<vmem>>, vector<1x1x16xf32>,
      %swap3A_561 = vector.shape_cast %swap3A_560 : vector<1x1x16xf32> to vector<16xf32>
      %swap3A_562 = vector.shape_cast %get3A_553 : vector<16xf32> to vector<1x1x16xf32>
      tpu.vector_store %arg10[%swap3A_557, %swap3A_558, %swap3A_559], %swap3A_562 {strides = array<i32>} : memref<2x80x512xf32, #tpu.memory_space<vmem>>, vector<1x1x16xf32>,
    }
    %scan3A_47 = arith.constant 8 : i32
    %add3A_48 = arith.constant 0 : i32
    %add3A_49 = arith.addi %mul3A_2, %add3A_48 : i32
    %dma_start3A_50 = arith.constant 0 : i32
    %dma_start3A_51 = arith.constant 0 : i32
    %dma_start3A_52 = arith.constant 0 : i32
    %dma_start3A_53 = tpu.memref_slice %arg10[%dma_start3A_50, %dma_start3A_51, %dma_start3A_52] : memref<2x80x512xf32, #tpu.memory_space<vmem>> -> memref<1x77x512xf32, #tpu.memory_space<vmem>>
    %dma_start3A_54 = tpu.memref_squeeze %dma_start3A_53 : memref<1x77x512xf32, #tpu.memory_space<vmem>> -> memref<77x512xf32, #tpu.memory_space<vmem>>
    %dma_start3A_55 = arith.constant 0 : i32
    %dma_start3A_56 = arith.constant 0 : i32
    %dma_start3A_57 = tpu.memref_slice %arg6[%add3A_49, %dma_start3A_55, %dma_start3A_56] : memref<4096x77x512xf32, #tpu.memory_space<hbm>> -> memref<1x77x512xf32, #tpu.memory_space<hbm>>
    %dma_start3A_58 = tpu.memref_squeeze %dma_start3A_57 : memref<1x77x512xf32, #tpu.memory_space<hbm>> -> memref<77x512xf32, #tpu.memory_space<hbm>>
    %dma_start3A_59 = arith.constant 0 : i32
    %dma_start3A_60 = arith.constant 0 : i32
    %dma_start3A_61 = tpu.memref_slice %arg6[%add3A_49, %dma_start3A_59, %dma_start3A_60] : memref<4096x77x512xf32, #tpu.memory_space<hbm>> -> memref<1x77x512xf32, #tpu.memory_space<hbm>>
    %dma_start3A_62 = tpu.memref_squeeze %dma_start3A_61 : memref<1x77x512xf32, #tpu.memory_space<hbm>> -> memref<77x512xf32, #tpu.memory_space<hbm>>
    %dma_start3A_63 = arith.constant 0 : i32
    %dma_start3A_64 = arith.constant 0 : i32
    %dma_start3A_65 = tpu.memref_slice %arg10[%dma_start3A_50, %dma_start3A_63, %dma_start3A_64] : memref<2x80x512xf32, #tpu.memory_space<vmem>> -> memref<1x77x512xf32, #tpu.memory_space<vmem>>
    %dma_start3A_66 = tpu.memref_squeeze %dma_start3A_65 : memref<1x77x512xf32, #tpu.memory_space<vmem>> -> memref<77x512xf32, #tpu.memory_space<vmem>>
    tpu.enqueue_dma source(%dma_start3A_66 : memref<77x512xf32, #tpu.memory_space<vmem>>) target(%dma_start3A_62 : memref<77x512xf32, #tpu.memory_space<hbm>>) target_semaphore(%arg13 : memref<!tpu.dma_semaphore, #tpu.memory_space<semaphore_mem>>)
    %scan3A_67 = arith.constant 0 : i32
    %scan3A_68 = arith.constant 0 : i32
    %scan3A_69 = arith.constant 63 : i32
    %scan3A_70 = arith.addi %scan3A_68, %scan3A_69 : i32
    %scan3A_71 = arith.constant 1 : i32
    scf.for %scan3A_148 = %scan3A_68 to %scan3A_70 step %scan3A_71  : i32 {
      %mul3A_149 = arith.constant 2 : i32
      %mul3A_150 = arith.muli %mul3A_149, %scan3A_148 : i32
      %add3A_151 = arith.constant 1 : i32
      %add3A_152 = arith.addi %mul3A_150, %add3A_151 : i32
      %sub3A = arith.constant 1 : i32
      %sub3A_153 = arith.subi %add3A_152, %sub3A : i32
      %add3A_154 = arith.addi %mul3A_2, %sub3A_153 : i32
      %dma_wait3A_155 = arith.constant 0 : i32
      %dma_wait3A_156 = arith.constant 0 : i32
      %dma_wait3A_157 = arith.constant 0 : i32
      %dma_wait3A_158 = tpu.memref_slice %arg10[%dma_wait3A_155, %dma_wait3A_156, %dma_wait3A_157] : memref<2x80x512xf32, #tpu.memory_space<vmem>> -> memref<1x77x512xf32, #tpu.memory_space<vmem>>
      %dma_wait3A_159 = tpu.memref_squeeze %dma_wait3A_158 : memref<1x77x512xf32, #tpu.memory_space<vmem>> -> memref<77x512xf32, #tpu.memory_space<vmem>>
      %dma_wait3A_160 = arith.constant 0 : i32
      %dma_wait3A_161 = arith.constant 0 : i32
      %dma_wait3A_162 = tpu.memref_slice %arg6[%add3A_154, %dma_wait3A_160, %dma_wait3A_161] : memref<4096x77x512xf32, #tpu.memory_space<hbm>> -> memref<1x77x512xf32, #tpu.memory_space<hbm>>
      %dma_wait3A_163 = tpu.memref_squeeze %dma_wait3A_162 : memref<1x77x512xf32, #tpu.memory_space<hbm>> -> memref<77x512xf32, #tpu.memory_space<hbm>>
      %dma_wait3A_164 = arith.constant 0 : i32
      %dma_wait3A_165 = arith.constant 0 : i32
      %dma_wait3A_166 = tpu.memref_slice %arg6[%add3A_154, %dma_wait3A_164, %dma_wait3A_165] : memref<4096x77x512xf32, #tpu.memory_space<hbm>> -> memref<1x77x512xf32, #tpu.memory_space<hbm>>
      %dma_wait3A_167 = tpu.memref_squeeze %dma_wait3A_166 : memref<1x77x512xf32, #tpu.memory_space<hbm>> -> memref<77x512xf32, #tpu.memory_space<hbm>>
      %dma_wait3A_168 = arith.constant 0 : i32
      %dma_wait3A_169 = arith.constant 0 : i32
      %dma_wait3A_170 = tpu.memref_slice %arg10[%dma_wait3A_155, %dma_wait3A_168, %dma_wait3A_169] : memref<2x80x512xf32, #tpu.memory_space<vmem>> -> memref<1x77x512xf32, #tpu.memory_space<vmem>>
      %dma_wait3A_171 = tpu.memref_squeeze %dma_wait3A_170 : memref<1x77x512xf32, #tpu.memory_space<vmem>> -> memref<77x512xf32, #tpu.memory_space<vmem>>
      tpu.wait_dma2 semaphore(%arg13 : memref<!tpu.dma_semaphore, #tpu.memory_space<semaphore_mem>>) src(%dma_wait3A_171 : memref<77x512xf32, #tpu.memory_space<vmem>>) dst(%dma_wait3A_167 : memref<77x512xf32, #tpu.memory_space<hbm>>)
      %add3A_172 = arith.constant 1 : i32
      %add3A_173 = arith.addi %add3A_152, %add3A_172 : i32
      %dma_start3A_174 = arith.constant 0 : i32
      %dma_start3A_175 = arith.constant 0 : i32
      %dma_start3A_176 = arith.constant 0 : i32
      %dma_start3A_177 = tpu.memref_slice %arg10[%dma_start3A_174, %dma_start3A_175, %dma_start3A_176] : memref<2x80x512xf32, #tpu.memory_space<vmem>> -> memref<1x80x512xf32, #tpu.memory_space<vmem>>
      %dma_start3A_178 = tpu.memref_squeeze %dma_start3A_177 : memref<1x80x512xf32, #tpu.memory_space<vmem>> -> memref<80x512xf32, #tpu.memory_space<vmem>>
      %dma_start3A_179 = arith.constant 0 : i32
      %dma_start3A_180 = tpu.memref_slice %arg8[%add3A_173, %dma_start3A_179] : memref<128x80xi32, #tpu.memory_space<vmem>> -> memref<1x80xi32, #tpu.memory_space<vmem>>
      %dma_start3A_181 = tpu.memref_squeeze %dma_start3A_180 : memref<1x80xi32, #tpu.memory_space<vmem>> -> memref<80xi32, #tpu.memory_space<vmem>>
      %dma_start3A_182 = arith.constant 0 : i32
      %dma_start3A_183 = arith.constant 0 : i32
      %dma_start3A_184 = tpu.memref_slice %arg3[%dma_start3A_182, %dma_start3A_183] : memref<49408x512xf32, #tpu.memory_space<hbm>> -> memref<49408x512xf32, #tpu.memory_space<hbm>>
      tpu.enqueue_indirect_dma source(%dma_start3A_184 : memref<49408x512xf32, #tpu.memory_space<hbm>>) target(%dma_start3A_178 : memref<80x512xf32, #tpu.memory_space<vmem>>) offsets(%dma_start3A_181 : memref<80xi32, #tpu.memory_space<vmem>>) semaphore(%arg11 : memref<!tpu.dma_semaphore, #tpu.memory_space<semaphore_mem>>)
      %dma_wait3A_185 = arith.constant 1 : i32
      %dma_wait3A_186 = arith.constant 0 : i32
      %dma_wait3A_187 = arith.constant 0 : i32
      %dma_wait3A_188 = tpu.memref_slice %arg10[%dma_wait3A_185, %dma_wait3A_186, %dma_wait3A_187] : memref<2x80x512xf32, #tpu.memory_space<vmem>> -> memref<1x80x512xf32, #tpu.memory_space<vmem>>
      %dma_wait3A_189 = tpu.memref_squeeze %dma_wait3A_188 : memref<1x80x512xf32, #tpu.memory_space<vmem>> -> memref<80x512xf32, #tpu.memory_space<vmem>>
      %dma_wait3A_190 = arith.constant 0 : i32
      %dma_wait3A_191 = tpu.memref_slice %arg8[%add3A_152, %dma_wait3A_190] : memref<128x80xi32, #tpu.memory_space<vmem>> -> memref<1x80xi32, #tpu.memory_space<vmem>>
      %dma_wait3A_192 = tpu.memref_squeeze %dma_wait3A_191 : memref<1x80xi32, #tpu.memory_space<vmem>> -> memref<80xi32, #tpu.memory_space<vmem>>
      %dma_wait3A_193 = arith.constant 0 : i32
      %dma_wait3A_194 = arith.constant 0 : i32
      %dma_wait3A_195 = tpu.memref_slice %arg3[%dma_wait3A_193, %dma_wait3A_194] : memref<49408x512xf32, #tpu.memory_space<hbm>> -> memref<49408x512xf32, #tpu.memory_space<hbm>>
      tpu.wait_indirect_dma semaphore(%arg12 : memref<!tpu.dma_semaphore, #tpu.memory_space<semaphore_mem>>) src(%dma_wait3A_195 : memref<49408x512xf32, #tpu.memory_space<hbm>>) dst(%dma_wait3A_189 : memref<80x512xf32, #tpu.memory_space<vmem>>)
      %scan3A_196 = arith.constant 0 : i32
      %scan3A_197 = arith.constant 0 : i32
      %scan3A_198 = arith.constant 8 : i32
      %scan3A_199 = arith.addi %scan3A_197, %scan3A_198 : i32
      %scan3A_200 = arith.constant 1 : i32
      scf.for %scan3A_292 = %scan3A_197 to %scan3A_199 step %scan3A_200  : i32 {
        %get3A = arith.index_cast %scan3A_292 : i32 to index
        %get3A_293 = arith.constant 0 : index
        %get3A_294 = tpu.vector_load %arg9[%get3A, %get3A_293] {strides = array<i32>} : memref<8x512xf32, #tpu.memory_space<vmem>>, vector<1x16xf32>,
        %get3A_295 = vector.shape_cast %get3A_294 : vector<1x16xf32> to vector<16xf32>
        %add3A_296 = arith.constant 1 : i32
        %add3A_297 = arith.addi %add3A_296, %scan3A_292 : i32
        %swap3A = arith.constant 1 : i32
        %swap3A_298 = arith.index_cast %swap3A : i32 to index
        %swap3A_299 = arith.index_cast %add3A_297 : i32 to index
        %swap3A_300 = arith.constant 0 : index
        %swap3A_301 = tpu.vector_load %arg10[%swap3A_298, %swap3A_299, %swap3A_300] {strides = array<i32>} : memref<2x80x512xf32, #tpu.memory_space<vmem>>, vector<1x1x16xf32>,
        %swap3A_302 = vector.shape_cast %swap3A_301 : vector<1x1x16xf32> to vector<16xf32>
        %swap3A_303 = vector.shape_cast %get3A_295 : vector<16xf32> to vector<1x1x16xf32>
        tpu.vector_store %arg10[%swap3A_298, %swap3A_299, %swap3A_300], %swap3A_303 {strides = array<i32>} : memref<2x80x512xf32, #tpu.memory_space<vmem>>, vector<1x1x16xf32>,
        %get3A_304 = arith.index_cast %scan3A_292 : i32 to index
        %get3A_305 = arith.constant 16 : index
        %get3A_306 = tpu.vector_load %arg9[%get3A_304, %get3A_305] {strides = array<i32>} : memref<8x512xf32, #tpu.memory_space<vmem>>, vector<1x16xf32>,
        %get3A_307 = vector.shape_cast %get3A_306 : vector<1x16xf32> to vector<16xf32>
        %add3A_308 = arith.constant 1 : i32
        %add3A_309 = arith.addi %add3A_308, %scan3A_292 : i32
        %swap3A_310 = arith.constant 1 : i32
        %swap3A_311 = arith.index_cast %swap3A_310 : i32 to index
        %swap3A_312 = arith.index_cast %add3A_309 : i32 to index
        %swap3A_313 = arith.constant 16 : index
        %swap3A_314 = tpu.vector_load %arg10[%swap3A_311, %swap3A_312, %swap3A_313] {strides = array<i32>} : memref<2x80x512xf32, #tpu.memory_space<vmem>>, vector<1x1x16xf32>,
        %swap3A_315 = vector.shape_cast %swap3A_314 : vector<1x1x16xf32> to vector<16xf32>
        %swap3A_316 = vector.shape_cast %get3A_307 : vector<16xf32> to vector<1x1x16xf32>
        tpu.vector_store %arg10[%swap3A_311, %swap3A_312, %swap3A_313], %swap3A_316 {strides = array<i32>} : memref<2x80x512xf32, #tpu.memory_space<vmem>>, vector<1x1x16xf32>,
        %get3A_317 = arith.index_cast %scan3A_292 : i32 to index
        %get3A_318 = arith.constant 32 : index
        %get3A_319 = tpu.vector_load %arg9[%get3A_317, %get3A_318] {strides = array<i32>} : memref<8x512xf32, #tpu.memory_space<vmem>>, vector<1x16xf32>,
        %get3A_320 = vector.shape_cast %get3A_319 : vector<1x16xf32> to vector<16xf32>
        %add3A_321 = arith.constant 1 : i32
        %add3A_322 = arith.addi %add3A_321, %scan3A_292 : i32
        %swap3A_323 = arith.constant 1 : i32
        %swap3A_324 = arith.index_cast %swap3A_323 : i32 to index
        %swap3A_325 = arith.index_cast %add3A_322 : i32 to index
        %swap3A_326 = arith.constant 32 : index
        %swap3A_327 = tpu.vector_load %arg10[%swap3A_324, %swap3A_325, %swap3A_326] {strides = array<i32>} : memref<2x80x512xf32, #tpu.memory_space<vmem>>, vector<1x1x16xf32>,
        %swap3A_328 = vector.shape_cast %swap3A_327 : vector<1x1x16xf32> to vector<16xf32>
        %swap3A_329 = vector.shape_cast %get3A_320 : vector<16xf32> to vector<1x1x16xf32>
        tpu.vector_store %arg10[%swap3A_324, %swap3A_325, %swap3A_326], %swap3A_329 {strides = array<i32>} : memref<2x80x512xf32, #tpu.memory_space<vmem>>, vector<1x1x16xf32>,
        %get3A_330 = arith.index_cast %scan3A_292 : i32 to index
        %get3A_331 = arith.constant 48 : index
        %get3A_332 = tpu.vector_load %arg9[%get3A_330, %get3A_331] {strides = array<i32>} : memref<8x512xf32, #tpu.memory_space<vmem>>, vector<1x16xf32>,
        %get3A_333 = vector.shape_cast %get3A_332 : vector<1x16xf32> to vector<16xf32>
        %add3A_334 = arith.constant 1 : i32
        %add3A_335 = arith.addi %add3A_334, %scan3A_292 : i32
        %swap3A_336 = arith.constant 1 : i32
        %swap3A_337 = arith.index_cast %swap3A_336 : i32 to index
        %swap3A_338 = arith.index_cast %add3A_335 : i32 to index
        %swap3A_339 = arith.constant 48 : index
        %swap3A_340 = tpu.vector_load %arg10[%swap3A_337, %swap3A_338, %swap3A_339] {strides = array<i32>} : memref<2x80x512xf32, #tpu.memory_space<vmem>>, vector<1x1x16xf32>,
        %swap3A_341 = vector.shape_cast %swap3A_340 : vector<1x1x16xf32> to vector<16xf32>
        %swap3A_342 = vector.shape_cast %get3A_333 : vector<16xf32> to vector<1x1x16xf32>
        tpu.vector_store %arg10[%swap3A_337, %swap3A_338, %swap3A_339], %swap3A_342 {strides = array<i32>} : memref<2x80x512xf32, #tpu.memory_space<vmem>>, vector<1x1x16xf32>,
        %get3A_343 = arith.index_cast %scan3A_292 : i32 to index
        %get3A_344 = arith.constant 64 : index
        %get3A_345 = tpu.vector_load %arg9[%get3A_343, %get3A_344] {strides = array<i32>} : memref<8x512xf32, #tpu.memory_space<vmem>>, vector<1x16xf32>,
        %get3A_346 = vector.shape_cast %get3A_345 : vector<1x16xf32> to vector<16xf32>
        %add3A_347 = arith.constant 1 : i32
        %add3A_348 = arith.addi %add3A_347, %scan3A_292 : i32
        %swap3A_349 = arith.constant 1 : i32
        %swap3A_350 = arith.index_cast %swap3A_349 : i32 to index
        %swap3A_351 = arith.index_cast %add3A_348 : i32 to index
        %swap3A_352 = arith.constant 64 : index
        %swap3A_353 = tpu.vector_load %arg10[%swap3A_350, %swap3A_351, %swap3A_352] {strides = array<i32>} : memref<2x80x512xf32, #tpu.memory_space<vmem>>, vector<1x1x16xf32>,
        %swap3A_354 = vector.shape_cast %swap3A_353 : vector<1x1x16xf32> to vector<16xf32>
        %swap3A_355 = vector.shape_cast %get3A_346 : vector<16xf32> to vector<1x1x16xf32>
        tpu.vector_store %arg10[%swap3A_350, %swap3A_351, %swap3A_352], %swap3A_355 {strides = array<i32>} : memref<2x80x512xf32, #tpu.memory_space<vmem>>, vector<1x1x16xf32>,
        %get3A_356 = arith.index_cast %scan3A_292 : i32 to index
        %get3A_357 = arith.constant 80 : index
        %get3A_358 = tpu.vector_load %arg9[%get3A_356, %get3A_357] {strides = array<i32>} : memref<8x512xf32, #tpu.memory_space<vmem>>, vector<1x16xf32>,
        %get3A_359 = vector.shape_cast %get3A_358 : vector<1x16xf32> to vector<16xf32>
        %add3A_360 = arith.constant 1 : i32
        %add3A_361 = arith.addi %add3A_360, %scan3A_292 : i32
        %swap3A_362 = arith.constant 1 : i32
        %swap3A_363 = arith.index_cast %swap3A_362 : i32 to index
        %swap3A_364 = arith.index_cast %add3A_361 : i32 to index
        %swap3A_365 = arith.constant 80 : index
        %swap3A_366 = tpu.vector_load %arg10[%swap3A_363, %swap3A_364, %swap3A_365] {strides = array<i32>} : memref<2x80x512xf32, #tpu.memory_space<vmem>>, vector<1x1x16xf32>,
        %swap3A_367 = vector.shape_cast %swap3A_366 : vector<1x1x16xf32> to vector<16xf32>
        %swap3A_368 = vector.shape_cast %get3A_359 : vector<16xf32> to vector<1x1x16xf32>
        tpu.vector_store %arg10[%swap3A_363, %swap3A_364, %swap3A_365], %swap3A_368 {strides = array<i32>} : memref<2x80x512xf32, #tpu.memory_space<vmem>>, vector<1x1x16xf32>,
        %get3A_369 = arith.index_cast %scan3A_292 : i32 to index
        %get3A_370 = arith.constant 96 : index
        %get3A_371 = tpu.vector_load %arg9[%get3A_369, %get3A_370] {strides = array<i32>} : memref<8x512xf32, #tpu.memory_space<vmem>>, vector<1x16xf32>,
        %get3A_372 = vector.shape_cast %get3A_371 : vector<1x16xf32> to vector<16xf32>
        %add3A_373 = arith.constant 1 : i32
        %add3A_374 = arith.addi %add3A_373, %scan3A_292 : i32
        %swap3A_375 = arith.constant 1 : i32
        %swap3A_376 = arith.index_cast %swap3A_375 : i32 to index
        %swap3A_377 = arith.index_cast %add3A_374 : i32 to index
        %swap3A_378 = arith.constant 96 : index
        %swap3A_379 = tpu.vector_load %arg10[%swap3A_376, %swap3A_377, %swap3A_378] {strides = array<i32>} : memref<2x80x512xf32, #tpu.memory_space<vmem>>, vector<1x1x16xf32>,
        %swap3A_380 = vector.shape_cast %swap3A_379 : vector<1x1x16xf32> to vector<16xf32>
        %swap3A_381 = vector.shape_cast %get3A_372 : vector<16xf32> to vector<1x1x16xf32>
        tpu.vector_store %arg10[%swap3A_376, %swap3A_377, %swap3A_378], %swap3A_381 {strides = array<i32>} : memref<2x80x512xf32, #tpu.memory_space<vmem>>, vector<1x1x16xf32>,
        %get3A_382 = arith.index_cast %scan3A_292 : i32 to index
        %get3A_383 = arith.constant 112 : index
        %get3A_384 = tpu.vector_load %arg9[%get3A_382, %get3A_383] {strides = array<i32>} : memref<8x512xf32, #tpu.memory_space<vmem>>, vector<1x16xf32>,
        %get3A_385 = vector.shape_cast %get3A_384 : vector<1x16xf32> to vector<16xf32>
        %add3A_386 = arith.constant 1 : i32
        %add3A_387 = arith.addi %add3A_386, %scan3A_292 : i32
        %swap3A_388 = arith.constant 1 : i32
        %swap3A_389 = arith.index_cast %swap3A_388 : i32 to index
        %swap3A_390 = arith.index_cast %add3A_387 : i32 to index
        %swap3A_391 = arith.constant 112 : index
        %swap3A_392 = tpu.vector_load %arg10[%swap3A_389, %swap3A_390, %swap3A_391] {strides = array<i32>} : memref<2x80x512xf32, #tpu.memory_space<vmem>>, vector<1x1x16xf32>,
        %swap3A_393 = vector.shape_cast %swap3A_392 : vector<1x1x16xf32> to vector<16xf32>
        %swap3A_394 = vector.shape_cast %get3A_385 : vector<16xf32> to vector<1x1x16xf32>
        tpu.vector_store %arg10[%swap3A_389, %swap3A_390, %swap3A_391], %swap3A_394 {strides = array<i32>} : memref<2x80x512xf32, #tpu.memory_space<vmem>>, vector<1x1x16xf32>,
        %get3A_395 = arith.index_cast %scan3A_292 : i32 to index
        %get3A_396 = arith.constant 128 : index
        %get3A_397 = tpu.vector_load %arg9[%get3A_395, %get3A_396] {strides = array<i32>} : memref<8x512xf32, #tpu.memory_space<vmem>>, vector<1x16xf32>,
        %get3A_398 = vector.shape_cast %get3A_397 : vector<1x16xf32> to vector<16xf32>
        %add3A_399 = arith.constant 1 : i32
        %add3A_400 = arith.addi %add3A_399, %scan3A_292 : i32
        %swap3A_401 = arith.constant 1 : i32
        %swap3A_402 = arith.index_cast %swap3A_401 : i32 to index
        %swap3A_403 = arith.index_cast %add3A_400 : i32 to index
        %swap3A_404 = arith.constant 128 : index
        %swap3A_405 = tpu.vector_load %arg10[%swap3A_402, %swap3A_403, %swap3A_404] {strides = array<i32>} : memref<2x80x512xf32, #tpu.memory_space<vmem>>, vector<1x1x16xf32>,
        %swap3A_406 = vector.shape_cast %swap3A_405 : vector<1x1x16xf32> to vector<16xf32>
        %swap3A_407 = vector.shape_cast %get3A_398 : vector<16xf32> to vector<1x1x16xf32>
        tpu.vector_store %arg10[%swap3A_402, %swap3A_403, %swap3A_404], %swap3A_407 {strides = array<i32>} : memref<2x80x512xf32, #tpu.memory_space<vmem>>, vector<1x1x16xf32>,
        %get3A_408 = arith.index_cast %scan3A_292 : i32 to index
        %get3A_409 = arith.constant 144 : index
        %get3A_410 = tpu.vector_load %arg9[%get3A_408, %get3A_409] {strides = array<i32>} : memref<8x512xf32, #tpu.memory_space<vmem>>, vector<1x16xf32>,
        %get3A_411 = vector.shape_cast %get3A_410 : vector<1x16xf32> to vector<16xf32>
        %add3A_412 = arith.constant 1 : i32
        %add3A_413 = arith.addi %add3A_412, %scan3A_292 : i32
        %swap3A_414 = arith.constant 1 : i32
        %swap3A_415 = arith.index_cast %swap3A_414 : i32 to index
        %swap3A_416 = arith.index_cast %add3A_413 : i32 to index
        %swap3A_417 = arith.constant 144 : index
        %swap3A_418 = tpu.vector_load %arg10[%swap3A_415, %swap3A_416, %swap3A_417] {strides = array<i32>} : memref<2x80x512xf32, #tpu.memory_space<vmem>>, vector<1x1x16xf32>,
        %swap3A_419 = vector.shape_cast %swap3A_418 : vector<1x1x16xf32> to vector<16xf32>
        %swap3A_420 = vector.shape_cast %get3A_411 : vector<16xf32> to vector<1x1x16xf32>
        tpu.vector_store %arg10[%swap3A_415, %swap3A_416, %swap3A_417], %swap3A_420 {strides = array<i32>} : memref<2x80x512xf32, #tpu.memory_space<vmem>>, vector<1x1x16xf32>,
        %get3A_421 = arith.index_cast %scan3A_292 : i32 to index
        %get3A_422 = arith.constant 160 : index
        %get3A_423 = tpu.vector_load %arg9[%get3A_421, %get3A_422] {strides = array<i32>} : memref<8x512xf32, #tpu.memory_space<vmem>>, vector<1x16xf32>,
        %get3A_424 = vector.shape_cast %get3A_423 : vector<1x16xf32> to vector<16xf32>
        %add3A_425 = arith.constant 1 : i32
        %add3A_426 = arith.addi %add3A_425, %scan3A_292 : i32
        %swap3A_427 = arith.constant 1 : i32
        %swap3A_428 = arith.index_cast %swap3A_427 : i32 to index
        %swap3A_429 = arith.index_cast %add3A_426 : i32 to index
        %swap3A_430 = arith.constant 160 : index
        %swap3A_431 = tpu.vector_load %arg10[%swap3A_428, %swap3A_429, %swap3A_430] {strides = array<i32>} : memref<2x80x512xf32, #tpu.memory_space<vmem>>, vector<1x1x16xf32>,
        %swap3A_432 = vector.shape_cast %swap3A_431 : vector<1x1x16xf32> to vector<16xf32>
        %swap3A_433 = vector.shape_cast %get3A_424 : vector<16xf32> to vector<1x1x16xf32>
        tpu.vector_store %arg10[%swap3A_428, %swap3A_429, %swap3A_430], %swap3A_433 {strides = array<i32>} : memref<2x80x512xf32, #tpu.memory_space<vmem>>, vector<1x1x16xf32>,
        %get3A_434 = arith.index_cast %scan3A_292 : i32 to index
        %get3A_435 = arith.constant 176 : index
        %get3A_436 = tpu.vector_load %arg9[%get3A_434, %get3A_435] {strides = array<i32>} : memref<8x512xf32, #tpu.memory_space<vmem>>, vector<1x16xf32>,
        %get3A_437 = vector.shape_cast %get3A_436 : vector<1x16xf32> to vector<16xf32>
        %add3A_438 = arith.constant 1 : i32
        %add3A_439 = arith.addi %add3A_438, %scan3A_292 : i32
        %swap3A_440 = arith.constant 1 : i32
        %swap3A_441 = arith.index_cast %swap3A_440 : i32 to index
        %swap3A_442 = arith.index_cast %add3A_439 : i32 to index
        %swap3A_443 = arith.constant 176 : index
        %swap3A_444 = tpu.vector_load %arg10[%swap3A_441, %swap3A_442, %swap3A_443] {strides = array<i32>} : memref<2x80x512xf32, #tpu.memory_space<vmem>>, vector<1x1x16xf32>,
        %swap3A_445 = vector.shape_cast %swap3A_444 : vector<1x1x16xf32> to vector<16xf32>
        %swap3A_446 = vector.shape_cast %get3A_437 : vector<16xf32> to vector<1x1x16xf32>
        tpu.vector_store %arg10[%swap3A_441, %swap3A_442, %swap3A_443], %swap3A_446 {strides = array<i32>} : memref<2x80x512xf32, #tpu.memory_space<vmem>>, vector<1x1x16xf32>,
        %get3A_447 = arith.index_cast %scan3A_292 : i32 to index
        %get3A_448 = arith.constant 192 : index
        %get3A_449 = tpu.vector_load %arg9[%get3A_447, %get3A_448] {strides = array<i32>} : memref<8x512xf32, #tpu.memory_space<vmem>>, vector<1x16xf32>,
        %get3A_450 = vector.shape_cast %get3A_449 : vector<1x16xf32> to vector<16xf32>
        %add3A_451 = arith.constant 1 : i32
        %add3A_452 = arith.addi %add3A_451, %scan3A_292 : i32
        %swap3A_453 = arith.constant 1 : i32
        %swap3A_454 = arith.index_cast %swap3A_453 : i32 to index
        %swap3A_455 = arith.index_cast %add3A_452 : i32 to index
        %swap3A_456 = arith.constant 192 : index
        %swap3A_457 = tpu.vector_load %arg10[%swap3A_454, %swap3A_455, %swap3A_456] {strides = array<i32>} : memref<2x80x512xf32, #tpu.memory_space<vmem>>, vector<1x1x16xf32>,
        %swap3A_458 = vector.shape_cast %swap3A_457 : vector<1x1x16xf32> to vector<16xf32>
        %swap3A_459 = vector.shape_cast %get3A_450 : vector<16xf32> to vector<1x1x16xf32>
        tpu.vector_store %arg10[%swap3A_454, %swap3A_455, %swap3A_456], %swap3A_459 {strides = array<i32>} : memref<2x80x512xf32, #tpu.memory_space<vmem>>, vector<1x1x16xf32>,
        %get3A_460 = arith.index_cast %scan3A_292 : i32 to index
        %get3A_461 = arith.constant 208 : index
        %get3A_462 = tpu.vector_load %arg9[%get3A_460, %get3A_461] {strides = array<i32>} : memref<8x512xf32, #tpu.memory_space<vmem>>, vector<1x16xf32>,
        %get3A_463 = vector.shape_cast %get3A_462 : vector<1x16xf32> to vector<16xf32>
        %add3A_464 = arith.constant 1 : i32
        %add3A_465 = arith.addi %add3A_464, %scan3A_292 : i32
        %swap3A_466 = arith.constant 1 : i32
        %swap3A_467 = arith.index_cast %swap3A_466 : i32 to index
        %swap3A_468 = arith.index_cast %add3A_465 : i32 to index
        %swap3A_469 = arith.constant 208 : index
        %swap3A_470 = tpu.vector_load %arg10[%swap3A_467, %swap3A_468, %swap3A_469] {strides = array<i32>} : memref<2x80x512xf32, #tpu.memory_space<vmem>>, vector<1x1x16xf32>,
        %swap3A_471 = vector.shape_cast %swap3A_470 : vector<1x1x16xf32> to vector<16xf32>
        %swap3A_472 = vector.shape_cast %get3A_463 : vector<16xf32> to vector<1x1x16xf32>
        tpu.vector_store %arg10[%swap3A_467, %swap3A_468, %swap3A_469], %swap3A_472 {strides = array<i32>} : memref<2x80x512xf32, #tpu.memory_space<vmem>>, vector<1x1x16xf32>,
        %get3A_473 = arith.index_cast %scan3A_292 : i32 to index
        %get3A_474 = arith.constant 224 : index
        %get3A_475 = tpu.vector_load %arg9[%get3A_473, %get3A_474] {strides = array<i32>} : memref<8x512xf32, #tpu.memory_space<vmem>>, vector<1x16xf32>,
        %get3A_476 = vector.shape_cast %get3A_475 : vector<1x16xf32> to vector<16xf32>
        %add3A_477 = arith.constant 1 : i32
        %add3A_478 = arith.addi %add3A_477, %scan3A_292 : i32
        %swap3A_479 = arith.constant 1 : i32
        %swap3A_480 = arith.index_cast %swap3A_479 : i32 to index
        %swap3A_481 = arith.index_cast %add3A_478 : i32 to index
        %swap3A_482 = arith.constant 224 : index
        %swap3A_483 = tpu.vector_load %arg10[%swap3A_480, %swap3A_481, %swap3A_482] {strides = array<i32>} : memref<2x80x512xf32, #tpu.memory_space<vmem>>, vector<1x1x16xf32>,
        %swap3A_484 = vector.shape_cast %swap3A_483 : vector<1x1x16xf32> to vector<16xf32>
        %swap3A_485 = vector.shape_cast %get3A_476 : vector<16xf32> to vector<1x1x16xf32>
        tpu.vector_store %arg10[%swap3A_480, %swap3A_481, %swap3A_482], %swap3A_485 {strides = array<i32>} : memref<2x80x512xf32, #tpu.memory_space<vmem>>, vector<1x1x16xf32>,
        %get3A_486 = arith.index_cast %scan3A_292 : i32 to index
        %get3A_487 = arith.constant 240 : index
        %get3A_488 = tpu.vector_load %arg9[%get3A_486, %get3A_487] {strides = array<i32>} : memref<8x512xf32, #tpu.memory_space<vmem>>, vector<1x16xf32>,
        %get3A_489 = vector.shape_cast %get3A_488 : vector<1x16xf32> to vector<16xf32>
        %add3A_490 = arith.constant 1 : i32
        %add3A_491 = arith.addi %add3A_490, %scan3A_292 : i32
        %swap3A_492 = arith.constant 1 : i32
        %swap3A_493 = arith.index_cast %swap3A_492 : i32 to index
        %swap3A_494 = arith.index_cast %add3A_491 : i32 to index
        %swap3A_495 = arith.constant 240 : index
        %swap3A_496 = tpu.vector_load %arg10[%swap3A_493, %swap3A_494, %swap3A_495] {strides = array<i32>} : memref<2x80x512xf32, #tpu.memory_space<vmem>>, vector<1x1x16xf32>,
        %swap3A_497 = vector.shape_cast %swap3A_496 : vector<1x1x16xf32> to vector<16xf32>
        %swap3A_498 = vector.shape_cast %get3A_489 : vector<16xf32> to vector<1x1x16xf32>
        tpu.vector_store %arg10[%swap3A_493, %swap3A_494, %swap3A_495], %swap3A_498 {strides = array<i32>} : memref<2x80x512xf32, #tpu.memory_space<vmem>>, vector<1x1x16xf32>,
        %get3A_499 = arith.index_cast %scan3A_292 : i32 to index
        %get3A_500 = arith.constant 256 : index
        %get3A_501 = tpu.vector_load %arg9[%get3A_499, %get3A_500] {strides = array<i32>} : memref<8x512xf32, #tpu.memory_space<vmem>>, vector<1x16xf32>,
        %get3A_502 = vector.shape_cast %get3A_501 : vector<1x16xf32> to vector<16xf32>
        %add3A_503 = arith.constant 1 : i32
        %add3A_504 = arith.addi %add3A_503, %scan3A_292 : i32
        %swap3A_505 = arith.constant 1 : i32
        %swap3A_506 = arith.index_cast %swap3A_505 : i32 to index
        %swap3A_507 = arith.index_cast %add3A_504 : i32 to index
        %swap3A_508 = arith.constant 256 : index
        %swap3A_509 = tpu.vector_load %arg10[%swap3A_506, %swap3A_507, %swap3A_508] {strides = array<i32>} : memref<2x80x512xf32, #tpu.memory_space<vmem>>, vector<1x1x16xf32>,
        %swap3A_510 = vector.shape_cast %swap3A_509 : vector<1x1x16xf32> to vector<16xf32>
        %swap3A_511 = vector.shape_cast %get3A_502 : vector<16xf32> to vector<1x1x16xf32>
        tpu.vector_store %arg10[%swap3A_506, %swap3A_507, %swap3A_508], %swap3A_511 {strides = array<i32>} : memref<2x80x512xf32, #tpu.memory_space<vmem>>, vector<1x1x16xf32>,
        %get3A_512 = arith.index_cast %scan3A_292 : i32 to index
        %get3A_513 = arith.constant 272 : index
        %get3A_514 = tpu.vector_load %arg9[%get3A_512, %get3A_513] {strides = array<i32>} : memref<8x512xf32, #tpu.memory_space<vmem>>, vector<1x16xf32>,
        %get3A_515 = vector.shape_cast %get3A_514 : vector<1x16xf32> to vector<16xf32>
        %add3A_516 = arith.constant 1 : i32
        %add3A_517 = arith.addi %add3A_516, %scan3A_292 : i32
        %swap3A_518 = arith.constant 1 : i32
        %swap3A_519 = arith.index_cast %swap3A_518 : i32 to index
        %swap3A_520 = arith.index_cast %add3A_517 : i32 to index
        %swap3A_521 = arith.constant 272 : index
        %swap3A_522 = tpu.vector_load %arg10[%swap3A_519, %swap3A_520, %swap3A_521] {strides = array<i32>} : memref<2x80x512xf32, #tpu.memory_space<vmem>>, vector<1x1x16xf32>,
        %swap3A_523 = vector.shape_cast %swap3A_522 : vector<1x1x16xf32> to vector<16xf32>
        %swap3A_524 = vector.shape_cast %get3A_515 : vector<16xf32> to vector<1x1x16xf32>
        tpu.vector_store %arg10[%swap3A_519, %swap3A_520, %swap3A_521], %swap3A_524 {strides = array<i32>} : memref<2x80x512xf32, #tpu.memory_space<vmem>>, vector<1x1x16xf32>,
        %get3A_525 = arith.index_cast %scan3A_292 : i32 to index
        %get3A_526 = arith.constant 288 : index
        %get3A_527 = tpu.vector_load %arg9[%get3A_525, %get3A_526] {strides = array<i32>} : memref<8x512xf32, #tpu.memory_space<vmem>>, vector<1x16xf32>,
        %get3A_528 = vector.shape_cast %get3A_527 : vector<1x16xf32> to vector<16xf32>
        %add3A_529 = arith.constant 1 : i32
        %add3A_530 = arith.addi %add3A_529, %scan3A_292 : i32
        %swap3A_531 = arith.constant 1 : i32
        %swap3A_532 = arith.index_cast %swap3A_531 : i32 to index
        %swap3A_533 = arith.index_cast %add3A_530 : i32 to index
        %swap3A_534 = arith.constant 288 : index
        %swap3A_535 = tpu.vector_load %arg10[%swap3A_532, %swap3A_533, %swap3A_534] {strides = array<i32>} : memref<2x80x512xf32, #tpu.memory_space<vmem>>, vector<1x1x16xf32>,
        %swap3A_536 = vector.shape_cast %swap3A_535 : vector<1x1x16xf32> to vector<16xf32>
        %swap3A_537 = vector.shape_cast %get3A_528 : vector<16xf32> to vector<1x1x16xf32>
        tpu.vector_store %arg10[%swap3A_532, %swap3A_533, %swap3A_534], %swap3A_537 {strides = array<i32>} : memref<2x80x512xf32, #tpu.memory_space<vmem>>, vector<1x1x16xf32>,
        %get3A_538 = arith.index_cast %scan3A_292 : i32 to index
        %get3A_539 = arith.constant 304 : index
        %get3A_540 = tpu.vector_load %arg9[%get3A_538, %get3A_539] {strides = array<i32>} : memref<8x512xf32, #tpu.memory_space<vmem>>, vector<1x16xf32>,
        %get3A_541 = vector.shape_cast %get3A_540 : vector<1x16xf32> to vector<16xf32>
        %add3A_542 = arith.constant 1 : i32
        %add3A_543 = arith.addi %add3A_542, %scan3A_292 : i32
        %swap3A_544 = arith.constant 1 : i32
        %swap3A_545 = arith.index_cast %swap3A_544 : i32 to index
        %swap3A_546 = arith.index_cast %add3A_543 : i32 to index
        %swap3A_547 = arith.constant 304 : index
        %swap3A_548 = tpu.vector_load %arg10[%swap3A_545, %swap3A_546, %swap3A_547] {strides = array<i32>} : memref<2x80x512xf32, #tpu.memory_space<vmem>>, vector<1x1x16xf32>,
        %swap3A_549 = vector.shape_cast %swap3A_548 : vector<1x1x16xf32> to vector<16xf32>
        %swap3A_550 = vector.shape_cast %get3A_541 : vector<16xf32> to vector<1x1x16xf32>
        tpu.vector_store %arg10[%swap3A_545, %swap3A_546, %swap3A_547], %swap3A_550 {strides = array<i32>} : memref<2x80x512xf32, #tpu.memory_space<vmem>>, vector<1x1x16xf32>,
        %get3A_551 = arith.index_cast %scan3A_292 : i32 to index
        %get3A_552 = arith.constant 320 : index
        %get3A_553 = tpu.vector_load %arg9[%get3A_551, %get3A_552] {strides = array<i32>} : memref<8x512xf32, #tpu.memory_space<vmem>>, vector<1x16xf32>,
        %get3A_554 = vector.shape_cast %get3A_553 : vector<1x16xf32> to vector<16xf32>
        %add3A_555 = arith.constant 1 : i32
        %add3A_556 = arith.addi %add3A_555, %scan3A_292 : i32
        %swap3A_557 = arith.constant 1 : i32
        %swap3A_558 = arith.index_cast %swap3A_557 : i32 to index
        %swap3A_559 = arith.index_cast %add3A_556 : i32 to index
        %swap3A_560 = arith.constant 320 : index
        %swap3A_561 = tpu.vector_load %arg10[%swap3A_558, %swap3A_559, %swap3A_560] {strides = array<i32>} : memref<2x80x512xf32, #tpu.memory_space<vmem>>, vector<1x1x16xf32>,
        %swap3A_562 = vector.shape_cast %swap3A_561 : vector<1x1x16xf32> to vector<16xf32>
        %swap3A_563 = vector.shape_cast %get3A_554 : vector<16xf32> to vector<1x1x16xf32>
        tpu.vector_store %arg10[%swap3A_558, %swap3A_559, %swap3A_560], %swap3A_563 {strides = array<i32>} : memref<2x80x512xf32, #tpu.memory_space<vmem>>, vector<1x1x16xf32>,
        %get3A_564 = arith.index_cast %scan3A_292 : i32 to index
        %get3A_565 = arith.constant 336 : index
        %get3A_566 = tpu.vector_load %arg9[%get3A_564, %get3A_565] {strides = array<i32>} : memref<8x512xf32, #tpu.memory_space<vmem>>, vector<1x16xf32>,
        %get3A_567 = vector.shape_cast %get3A_566 : vector<1x16xf32> to vector<16xf32>
        %add3A_568 = arith.constant 1 : i32
        %add3A_569 = arith.addi %add3A_568, %scan3A_292 : i32
        %swap3A_570 = arith.constant 1 : i32
        %swap3A_571 = arith.index_cast %swap3A_570 : i32 to index
        %swap3A_572 = arith.index_cast %add3A_569 : i32 to index
        %swap3A_573 = arith.constant 336 : index
        %swap3A_574 = tpu.vector_load %arg10[%swap3A_571, %swap3A_572, %swap3A_573] {strides = array<i32>} : memref<2x80x512xf32, #tpu.memory_space<vmem>>, vector<1x1x16xf32>,
        %swap3A_575 = vector.shape_cast %swap3A_574 : vector<1x1x16xf32> to vector<16xf32>
        %swap3A_576 = vector.shape_cast %get3A_567 : vector<16xf32> to vector<1x1x16xf32>
        tpu.vector_store %arg10[%swap3A_571, %swap3A_572, %swap3A_573], %swap3A_576 {strides = array<i32>} : memref<2x80x512xf32, #tpu.memory_space<vmem>>, vector<1x1x16xf32>,
        %get3A_577 = arith.index_cast %scan3A_292 : i32 to index
        %get3A_578 = arith.constant 352 : index
        %get3A_579 = tpu.vector_load %arg9[%get3A_577, %get3A_578] {strides = array<i32>} : memref<8x512xf32, #tpu.memory_space<vmem>>, vector<1x16xf32>,
        %get3A_580 = vector.shape_cast %get3A_579 : vector<1x16xf32> to vector<16xf32>
        %add3A_581 = arith.constant 1 : i32
        %add3A_582 = arith.addi %add3A_581, %scan3A_292 : i32
        %swap3A_583 = arith.constant 1 : i32
        %swap3A_584 = arith.index_cast %swap3A_583 : i32 to index
        %swap3A_585 = arith.index_cast %add3A_582 : i32 to index
        %swap3A_586 = arith.constant 352 : index
        %swap3A_587 = tpu.vector_load %arg10[%swap3A_584, %swap3A_585, %swap3A_586] {strides = array<i32>} : memref<2x80x512xf32, #tpu.memory_space<vmem>>, vector<1x1x16xf32>,
        %swap3A_588 = vector.shape_cast %swap3A_587 : vector<1x1x16xf32> to vector<16xf32>
        %swap3A_589 = vector.shape_cast %get3A_580 : vector<16xf32> to vector<1x1x16xf32>
        tpu.vector_store %arg10[%swap3A_584, %swap3A_585, %swap3A_586], %swap3A_589 {strides = array<i32>} : memref<2x80x512xf32, #tpu.memory_space<vmem>>, vector<1x1x16xf32>,
        %get3A_590 = arith.index_cast %scan3A_292 : i32 to index
        %get3A_591 = arith.constant 368 : index
        %get3A_592 = tpu.vector_load %arg9[%get3A_590, %get3A_591] {strides = array<i32>} : memref<8x512xf32, #tpu.memory_space<vmem>>, vector<1x16xf32>,
        %get3A_593 = vector.shape_cast %get3A_592 : vector<1x16xf32> to vector<16xf32>
        %add3A_594 = arith.constant 1 : i32
        %add3A_595 = arith.addi %add3A_594, %scan3A_292 : i32
        %swap3A_596 = arith.constant 1 : i32
        %swap3A_597 = arith.index_cast %swap3A_596 : i32 to index
        %swap3A_598 = arith.index_cast %add3A_595 : i32 to index
        %swap3A_599 = arith.constant 368 : index
        %swap3A_600 = tpu.vector_load %arg10[%swap3A_597, %swap3A_598, %swap3A_599] {strides = array<i32>} : memref<2x80x512xf32, #tpu.memory_space<vmem>>, vector<1x1x16xf32>,
        %swap3A_601 = vector.shape_cast %swap3A_600 : vector<1x1x16xf32> to vector<16xf32>
        %swap3A_602 = vector.shape_cast %get3A_593 : vector<16xf32> to vector<1x1x16xf32>
        tpu.vector_store %arg10[%swap3A_597, %swap3A_598, %swap3A_599], %swap3A_602 {strides = array<i32>} : memref<2x80x512xf32, #tpu.memory_space<vmem>>, vector<1x1x16xf32>,
        %get3A_603 = arith.index_cast %scan3A_292 : i32 to index
        %get3A_604 = arith.constant 384 : index
        %get3A_605 = tpu.vector_load %arg9[%get3A_603, %get3A_604] {strides = array<i32>} : memref<8x512xf32, #tpu.memory_space<vmem>>, vector<1x16xf32>,
        %get3A_606 = vector.shape_cast %get3A_605 : vector<1x16xf32> to vector<16xf32>
        %add3A_607 = arith.constant 1 : i32
        %add3A_608 = arith.addi %add3A_607, %scan3A_292 : i32
        %swap3A_609 = arith.constant 1 : i32
        %swap3A_610 = arith.index_cast %swap3A_609 : i32 to index
        %swap3A_611 = arith.index_cast %add3A_608 : i32 to index
        %swap3A_612 = arith.constant 384 : index
        %swap3A_613 = tpu.vector_load %arg10[%swap3A_610, %swap3A_611, %swap3A_612] {strides = array<i32>} : memref<2x80x512xf32, #tpu.memory_space<vmem>>, vector<1x1x16xf32>,
        %swap3A_614 = vector.shape_cast %swap3A_613 : vector<1x1x16xf32> to vector<16xf32>
        %swap3A_615 = vector.shape_cast %get3A_606 : vector<16xf32> to vector<1x1x16xf32>
        tpu.vector_store %arg10[%swap3A_610, %swap3A_611, %swap3A_612], %swap3A_615 {strides = array<i32>} : memref<2x80x512xf32, #tpu.memory_space<vmem>>, vector<1x1x16xf32>,
        %get3A_616 = arith.index_cast %scan3A_292 : i32 to index
        %get3A_617 = arith.constant 400 : index
        %get3A_618 = tpu.vector_load %arg9[%get3A_616, %get3A_617] {strides = array<i32>} : memref<8x512xf32, #tpu.memory_space<vmem>>, vector<1x16xf32>,
        %get3A_619 = vector.shape_cast %get3A_618 : vector<1x16xf32> to vector<16xf32>
        %add3A_620 = arith.constant 1 : i32
        %add3A_621 = arith.addi %add3A_620, %scan3A_292 : i32
        %swap3A_622 = arith.constant 1 : i32
        %swap3A_623 = arith.index_cast %swap3A_622 : i32 to index
        %swap3A_624 = arith.index_cast %add3A_621 : i32 to index
        %swap3A_625 = arith.constant 400 : index
        %swap3A_626 = tpu.vector_load %arg10[%swap3A_623, %swap3A_624, %swap3A_625] {strides = array<i32>} : memref<2x80x512xf32, #tpu.memory_space<vmem>>, vector<1x1x16xf32>,
        %swap3A_627 = vector.shape_cast %swap3A_626 : vector<1x1x16xf32> to vector<16xf32>
        %swap3A_628 = vector.shape_cast %get3A_619 : vector<16xf32> to vector<1x1x16xf32>
        tpu.vector_store %arg10[%swap3A_623, %swap3A_624, %swap3A_625], %swap3A_628 {strides = array<i32>} : memref<2x80x512xf32, #tpu.memory_space<vmem>>, vector<1x1x16xf32>,
        %get3A_629 = arith.index_cast %scan3A_292 : i32 to index
        %get3A_630 = arith.constant 416 : index
        %get3A_631 = tpu.vector_load %arg9[%get3A_629, %get3A_630] {strides = array<i32>} : memref<8x512xf32, #tpu.memory_space<vmem>>, vector<1x16xf32>,
        %get3A_632 = vector.shape_cast %get3A_631 : vector<1x16xf32> to vector<16xf32>
        %add3A_633 = arith.constant 1 : i32
        %add3A_634 = arith.addi %add3A_633, %scan3A_292 : i32
        %swap3A_635 = arith.constant 1 : i32
        %swap3A_636 = arith.index_cast %swap3A_635 : i32 to index
        %swap3A_637 = arith.index_cast %add3A_634 : i32 to index
        %swap3A_638 = arith.constant 416 : index
        %swap3A_639 = tpu.vector_load %arg10[%swap3A_636, %swap3A_637, %swap3A_638] {strides = array<i32>} : memref<2x80x512xf32, #tpu.memory_space<vmem>>, vector<1x1x16xf32>,
        %swap3A_640 = vector.shape_cast %swap3A_639 : vector<1x1x16xf32> to vector<16xf32>
        %swap3A_641 = vector.shape_cast %get3A_632 : vector<16xf32> to vector<1x1x16xf32>
        tpu.vector_store %arg10[%swap3A_636, %swap3A_637, %swap3A_638], %swap3A_641 {strides = array<i32>} : memref<2x80x512xf32, #tpu.memory_space<vmem>>, vector<1x1x16xf32>,
        %get3A_642 = arith.index_cast %scan3A_292 : i32 to index
        %get3A_643 = arith.constant 432 : index
        %get3A_644 = tpu.vector_load %arg9[%get3A_642, %get3A_643] {strides = array<i32>} : memref<8x512xf32, #tpu.memory_space<vmem>>, vector<1x16xf32>,
        %get3A_645 = vector.shape_cast %get3A_644 : vector<1x16xf32> to vector<16xf32>
        %add3A_646 = arith.constant 1 : i32
        %add3A_647 = arith.addi %add3A_646, %scan3A_292 : i32
        %swap3A_648 = arith.constant 1 : i32
        %swap3A_649 = arith.index_cast %swap3A_648 : i32 to index
        %swap3A_650 = arith.index_cast %add3A_647 : i32 to index
        %swap3A_651 = arith.constant 432 : index
        %swap3A_652 = tpu.vector_load %arg10[%swap3A_649, %swap3A_650, %swap3A_651] {strides = array<i32>} : memref<2x80x512xf32, #tpu.memory_space<vmem>>, vector<1x1x16xf32>,
        %swap3A_653 = vector.shape_cast %swap3A_652 : vector<1x1x16xf32> to vector<16xf32>
        %swap3A_654 = vector.shape_cast %get3A_645 : vector<16xf32> to vector<1x1x16xf32>
        tpu.vector_store %arg10[%swap3A_649, %swap3A_650, %swap3A_651], %swap3A_654 {strides = array<i32>} : memref<2x80x512xf32, #tpu.memory_space<vmem>>, vector<1x1x16xf32>,
        %get3A_655 = arith.index_cast %scan3A_292 : i32 to index
        %get3A_656 = arith.constant 448 : index
        %get3A_657 = tpu.vector_load %arg9[%get3A_655, %get3A_656] {strides = array<i32>} : memref<8x512xf32, #tpu.memory_space<vmem>>, vector<1x16xf32>,
        %get3A_658 = vector.shape_cast %get3A_657 : vector<1x16xf32> to vector<16xf32>
        %add3A_659 = arith.constant 1 : i32
        %add3A_660 = arith.addi %add3A_659, %scan3A_292 : i32
        %swap3A_661 = arith.constant 1 : i32
        %swap3A_662 = arith.index_cast %swap3A_661 : i32 to index
        %swap3A_663 = arith.index_cast %add3A_660 : i32 to index
        %swap3A_664 = arith.constant 448 : index
        %swap3A_665 = tpu.vector_load %arg10[%swap3A_662, %swap3A_663, %swap3A_664] {strides = array<i32>} : memref<2x80x512xf32, #tpu.memory_space<vmem>>, vector<1x1x16xf32>,
        %swap3A_666 = vector.shape_cast %swap3A_665 : vector<1x1x16xf32> to vector<16xf32>
        %swap3A_667 = vector.shape_cast %get3A_658 : vector<16xf32> to vector<1x1x16xf32>
        tpu.vector_store %arg10[%swap3A_662, %swap3A_663, %swap3A_664], %swap3A_667 {strides = array<i32>} : memref<2x80x512xf32, #tpu.memory_space<vmem>>, vector<1x1x16xf32>,
        %get3A_668 = arith.index_cast %scan3A_292 : i32 to index
        %get3A_669 = arith.constant 464 : index
        %get3A_670 = tpu.vector_load %arg9[%get3A_668, %get3A_669] {strides = array<i32>} : memref<8x512xf32, #tpu.memory_space<vmem>>, vector<1x16xf32>,
        %get3A_671 = vector.shape_cast %get3A_670 : vector<1x16xf32> to vector<16xf32>
        %add3A_672 = arith.constant 1 : i32
        %add3A_673 = arith.addi %add3A_672, %scan3A_292 : i32
        %swap3A_674 = arith.constant 1 : i32
        %swap3A_675 = arith.index_cast %swap3A_674 : i32 to index
        %swap3A_676 = arith.index_cast %add3A_673 : i32 to index
        %swap3A_677 = arith.constant 464 : index
        %swap3A_678 = tpu.vector_load %arg10[%swap3A_675, %swap3A_676, %swap3A_677] {strides = array<i32>} : memref<2x80x512xf32, #tpu.memory_space<vmem>>, vector<1x1x16xf32>,
        %swap3A_679 = vector.shape_cast %swap3A_678 : vector<1x1x16xf32> to vector<16xf32>
        %swap3A_680 = vector.shape_cast %get3A_671 : vector<16xf32> to vector<1x1x16xf32>
        tpu.vector_store %arg10[%swap3A_675, %swap3A_676, %swap3A_677], %swap3A_680 {strides = array<i32>} : memref<2x80x512xf32, #tpu.memory_space<vmem>>, vector<1x1x16xf32>,
        %get3A_681 = arith.index_cast %scan3A_292 : i32 to index
        %get3A_682 = arith.constant 480 : index
        %get3A_683 = tpu.vector_load %arg9[%get3A_681, %get3A_682] {strides = array<i32>} : memref<8x512xf32, #tpu.memory_space<vmem>>, vector<1x16xf32>,
        %get3A_684 = vector.shape_cast %get3A_683 : vector<1x16xf32> to vector<16xf32>
        %add3A_685 = arith.constant 1 : i32
        %add3A_686 = arith.addi %add3A_685, %scan3A_292 : i32
        %swap3A_687 = arith.constant 1 : i32
        %swap3A_688 = arith.index_cast %swap3A_687 : i32 to index
        %swap3A_689 = arith.index_cast %add3A_686 : i32 to index
        %swap3A_690 = arith.constant 480 : index
        %swap3A_691 = tpu.vector_load %arg10[%swap3A_688, %swap3A_689, %swap3A_690] {strides = array<i32>} : memref<2x80x512xf32, #tpu.memory_space<vmem>>, vector<1x1x16xf32>,
        %swap3A_692 = vector.shape_cast %swap3A_691 : vector<1x1x16xf32> to vector<16xf32>
        %swap3A_693 = vector.shape_cast %get3A_684 : vector<16xf32> to vector<1x1x16xf32>
        tpu.vector_store %arg10[%swap3A_688, %swap3A_689, %swap3A_690], %swap3A_693 {strides = array<i32>} : memref<2x80x512xf32, #tpu.memory_space<vmem>>, vector<1x1x16xf32>,
        %get3A_694 = arith.index_cast %scan3A_292 : i32 to index
        %get3A_695 = arith.constant 496 : index
        %get3A_696 = tpu.vector_load %arg9[%get3A_694, %get3A_695] {strides = array<i32>} : memref<8x512xf32, #tpu.memory_space<vmem>>, vector<1x16xf32>,
        %get3A_697 = vector.shape_cast %get3A_696 : vector<1x16xf32> to vector<16xf32>
        %add3A_698 = arith.constant 1 : i32
        %add3A_699 = arith.addi %add3A_698, %scan3A_292 : i32
        %swap3A_700 = arith.constant 1 : i32
        %swap3A_701 = arith.index_cast %swap3A_700 : i32 to index
        %swap3A_702 = arith.index_cast %add3A_699 : i32 to index
        %swap3A_703 = arith.constant 496 : index
        %swap3A_704 = tpu.vector_load %arg10[%swap3A_701, %swap3A_702, %swap3A_703] {strides = array<i32>} : memref<2x80x512xf32, #tpu.memory_space<vmem>>, vector<1x1x16xf32>,
        %swap3A_705 = vector.shape_cast %swap3A_704 : vector<1x1x16xf32> to vector<16xf32>
        %swap3A_706 = vector.shape_cast %get3A_697 : vector<16xf32> to vector<1x1x16xf32>
        tpu.vector_store %arg10[%swap3A_701, %swap3A_702, %swap3A_703], %swap3A_706 {strides = array<i32>} : memref<2x80x512xf32, #tpu.memory_space<vmem>>, vector<1x1x16xf32>,
      }
      %scan3A_201 = arith.constant 8 : i32
      %add3A_202 = arith.addi %mul3A_2, %add3A_152 : i32
      %dma_start3A_203 = arith.constant 1 : i32
      %dma_start3A_204 = arith.constant 0 : i32
      %dma_start3A_205 = arith.constant 0 : i32
      %dma_start3A_206 = tpu.memref_slice %arg10[%dma_start3A_203, %dma_start3A_204, %dma_start3A_205] : memref<2x80x512xf32, #tpu.memory_space<vmem>> -> memref<1x77x512xf32, #tpu.memory_space<vmem>>
      %dma_start3A_207 = tpu.memref_squeeze %dma_start3A_206 : memref<1x77x512xf32, #tpu.memory_space<vmem>> -> memref<77x512xf32, #tpu.memory_space<vmem>>
      %dma_start3A_208 = arith.constant 0 : i32
      %dma_start3A_209 = arith.constant 0 : i32
      %dma_start3A_210 = tpu.memref_slice %arg6[%add3A_202, %dma_start3A_208, %dma_start3A_209] : memref<4096x77x512xf32, #tpu.memory_space<hbm>> -> memref<1x77x512xf32, #tpu.memory_space<hbm>>
      %dma_start3A_211 = tpu.memref_squeeze %dma_start3A_210 : memref<1x77x512xf32, #tpu.memory_space<hbm>> -> memref<77x512xf32, #tpu.memory_space<hbm>>
      %dma_start3A_212 = arith.constant 0 : i32
      %dma_start3A_213 = arith.constant 0 : i32
      %dma_start3A_214 = tpu.memref_slice %arg6[%add3A_202, %dma_start3A_212, %dma_start3A_213] : memref<4096x77x512xf32, #tpu.memory_space<hbm>> -> memref<1x77x512xf32, #tpu.memory_space<hbm>>
      %dma_start3A_215 = tpu.memref_squeeze %dma_start3A_214 : memref<1x77x512xf32, #tpu.memory_space<hbm>> -> memref<77x512xf32, #tpu.memory_space<hbm>>
      %dma_start3A_216 = arith.constant 0 : i32
      %dma_start3A_217 = arith.constant 0 : i32
      %dma_start3A_218 = tpu.memref_slice %arg10[%dma_start3A_203, %dma_start3A_216, %dma_start3A_217] : memref<2x80x512xf32, #tpu.memory_space<vmem>> -> memref<1x77x512xf32, #tpu.memory_space<vmem>>
      %dma_start3A_219 = tpu.memref_squeeze %dma_start3A_218 : memref<1x77x512xf32, #tpu.memory_space<vmem>> -> memref<77x512xf32, #tpu.memory_space<vmem>>
      tpu.enqueue_dma source(%dma_start3A_219 : memref<77x512xf32, #tpu.memory_space<vmem>>) target(%dma_start3A_215 : memref<77x512xf32, #tpu.memory_space<hbm>>) target_semaphore(%arg14 : memref<!tpu.dma_semaphore, #tpu.memory_space<semaphore_mem>>)
      %mul3A_220 = arith.constant 2 : i32
      %mul3A_221 = arith.muli %mul3A_220, %scan3A_148 : i32
      %add3A_222 = arith.constant 2 : i32
      %add3A_223 = arith.addi %mul3A_221, %add3A_222 : i32
      %sub3A_224 = arith.constant 1 : i32
      %sub3A_225 = arith.subi %add3A_223, %sub3A_224 : i32
      %add3A_226 = arith.addi %mul3A_2, %sub3A_225 : i32
      %dma_wait3A_227 = arith.constant 1 : i32
      %dma_wait3A_228 = arith.constant 0 : i32
      %dma_wait3A_229 = arith.constant 0 : i32
      %dma_wait3A_230 = tpu.memref_slice %arg10[%dma_wait3A_227, %dma_wait3A_228, %dma_wait3A_229] : memref<2x80x512xf32, #tpu.memory_space<vmem>> -> memref<1x77x512xf32, #tpu.memory_space<vmem>>
      %dma_wait3A_231 = tpu.memref_squeeze %dma_wait3A_230 : memref<1x77x512xf32, #tpu.memory_space<vmem>> -> memref<77x512xf32, #tpu.memory_space<vmem>>
      %dma_wait3A_232 = arith.constant 0 : i32
      %dma_wait3A_233 = arith.constant 0 : i32
      %dma_wait3A_234 = tpu.memref_slice %arg6[%add3A_226, %dma_wait3A_232, %dma_wait3A_233] : memref<4096x77x512xf32, #tpu.memory_space<hbm>> -> memref<1x77x512xf32, #tpu.memory_space<hbm>>
      %dma_wait3A_235 = tpu.memref_squeeze %dma_wait3A_234 : memref<1x77x512xf32, #tpu.memory_space<hbm>> -> memref<77x512xf32, #tpu.memory_space<hbm>>
      %dma_wait3A_236 = arith.constant 0 : i32
      %dma_wait3A_237 = arith.constant 0 : i32
      %dma_wait3A_238 = tpu.memref_slice %arg6[%add3A_226, %dma_wait3A_236, %dma_wait3A_237] : memref<4096x77x512xf32, #tpu.memory_space<hbm>> -> memref<1x77x512xf32, #tpu.memory_space<hbm>>
      %dma_wait3A_239 = tpu.memref_squeeze %dma_wait3A_238 : memref<1x77x512xf32, #tpu.memory_space<hbm>> -> memref<77x512xf32, #tpu.memory_space<hbm>>
      %dma_wait3A_240 = arith.constant 0 : i32
      %dma_wait3A_241 = arith.constant 0 : i32
      %dma_wait3A_242 = tpu.memref_slice %arg10[%dma_wait3A_227, %dma_wait3A_240, %dma_wait3A_241] : memref<2x80x512xf32, #tpu.memory_space<vmem>> -> memref<1x77x512xf32, #tpu.memory_space<vmem>>
      %dma_wait3A_243 = tpu.memref_squeeze %dma_wait3A_242 : memref<1x77x512xf32, #tpu.memory_space<vmem>> -> memref<77x512xf32, #tpu.memory_space<vmem>>
      tpu.wait_dma2 semaphore(%arg14 : memref<!tpu.dma_semaphore, #tpu.memory_space<semaphore_mem>>) src(%dma_wait3A_243 : memref<77x512xf32, #tpu.memory_space<vmem>>) dst(%dma_wait3A_239 : memref<77x512xf32, #tpu.memory_space<hbm>>)
      %add3A_244 = arith.constant 1 : i32
      %add3A_245 = arith.addi %add3A_223, %add3A_244 : i32
      %dma_start3A_246 = arith.constant 1 : i32
      %dma_start3A_247 = arith.constant 0 : i32
      %dma_start3A_248 = arith.constant 0 : i32
      %dma_start3A_249 = tpu.memref_slice %arg10[%dma_start3A_246, %dma_start3A_247, %dma_start3A_248] : memref<2x80x512xf32, #tpu.memory_space<vmem>> -> memref<1x80x512xf32, #tpu.memory_space<vmem>>
      %dma_start3A_250 = tpu.memref_squeeze %dma_start3A_249 : memref<1x80x512xf32, #tpu.memory_space<vmem>> -> memref<80x512xf32, #tpu.memory_space<vmem>>
      %dma_start3A_251 = arith.constant 0 : i32
      %dma_start3A_252 = tpu.memref_slice %arg8[%add3A_245, %dma_start3A_251] : memref<128x80xi32, #tpu.memory_space<vmem>> -> memref<1x80xi32, #tpu.memory_space<vmem>>
      %dma_start3A_253 = tpu.memref_squeeze %dma_start3A_252 : memref<1x80xi32, #tpu.memory_space<vmem>> -> memref<80xi32, #tpu.memory_space<vmem>>
      %dma_start3A_254 = arith.constant 0 : i32
      %dma_start3A_255 = arith.constant 0 : i32
      %dma_start3A_256 = tpu.memref_slice %arg3[%dma_start3A_254, %dma_start3A_255] : memref<49408x512xf32, #tpu.memory_space<hbm>> -> memref<49408x512xf32, #tpu.memory_space<hbm>>
      tpu.enqueue_indirect_dma source(%dma_start3A_256 : memref<49408x512xf32, #tpu.memory_space<hbm>>) target(%dma_start3A_250 : memref<80x512xf32, #tpu.memory_space<vmem>>) offsets(%dma_start3A_253 : memref<80xi32, #tpu.memory_space<vmem>>) semaphore(%arg12 : memref<!tpu.dma_semaphore, #tpu.memory_space<semaphore_mem>>)
      %dma_wait3A_257 = arith.constant 0 : i32
      %dma_wait3A_258 = arith.constant 0 : i32
      %dma_wait3A_259 = arith.constant 0 : i32
      %dma_wait3A_260 = tpu.memref_slice %arg10[%dma_wait3A_257, %dma_wait3A_258, %dma_wait3A_259] : memref<2x80x512xf32, #tpu.memory_space<vmem>> -> memref<1x80x512xf32, #tpu.memory_space<vmem>>
      %dma_wait3A_261 = tpu.memref_squeeze %dma_wait3A_260 : memref<1x80x512xf32, #tpu.memory_space<vmem>> -> memref<80x512xf32, #tpu.memory_space<vmem>>
      %dma_wait3A_262 = arith.constant 0 : i32
      %dma_wait3A_263 = tpu.memref_slice %arg8[%add3A_223, %dma_wait3A_262] : memref<128x80xi32, #tpu.memory_space<vmem>> -> memref<1x80xi32, #tpu.memory_space<vmem>>
      %dma_wait3A_264 = tpu.memref_squeeze %dma_wait3A_263 : memref<1x80xi32, #tpu.memory_space<vmem>> -> memref<80xi32, #tpu.memory_space<vmem>>
      %dma_wait3A_265 = arith.constant 0 : i32
      %dma_wait3A_266 = arith.constant 0 : i32
      %dma_wait3A_267 = tpu.memref_slice %arg3[%dma_wait3A_265, %dma_wait3A_266] : memref<49408x512xf32, #tpu.memory_space<hbm>> -> memref<49408x512xf32, #tpu.memory_space<hbm>>
      tpu.wait_indirect_dma semaphore(%arg11 : memref<!tpu.dma_semaphore, #tpu.memory_space<semaphore_mem>>) src(%dma_wait3A_267 : memref<49408x512xf32, #tpu.memory_space<hbm>>) dst(%dma_wait3A_261 : memref<80x512xf32, #tpu.memory_space<vmem>>)
      %scan3A_268 = arith.constant 0 : i32
      %scan3A_269 = arith.constant 0 : i32
      %scan3A_270 = arith.constant 8 : i32
      %scan3A_271 = arith.addi %scan3A_269, %scan3A_270 : i32
      %scan3A_272 = arith.constant 1 : i32
      scf.for %scan3A_292 = %scan3A_269 to %scan3A_271 step %scan3A_272  : i32 {
        %get3A = arith.index_cast %scan3A_292 : i32 to index
        %get3A_293 = arith.constant 0 : index
        %get3A_294 = tpu.vector_load %arg9[%get3A, %get3A_293] {strides = array<i32>} : memref<8x512xf32, #tpu.memory_space<vmem>>, vector<1x16xf32>,
        %get3A_295 = vector.shape_cast %get3A_294 : vector<1x16xf32> to vector<16xf32>
        %add3A_296 = arith.constant 1 : i32
        %add3A_297 = arith.addi %add3A_296, %scan3A_292 : i32
        %swap3A = arith.constant 0 : i32
        %swap3A_298 = arith.index_cast %swap3A : i32 to index
        %swap3A_299 = arith.index_cast %add3A_297 : i32 to index
        %swap3A_300 = arith.constant 0 : index
        %swap3A_301 = tpu.vector_load %arg10[%swap3A_298, %swap3A_299, %swap3A_300] {strides = array<i32>} : memref<2x80x512xf32, #tpu.memory_space<vmem>>, vector<1x1x16xf32>,
        %swap3A_302 = vector.shape_cast %swap3A_301 : vector<1x1x16xf32> to vector<16xf32>
        %swap3A_303 = vector.shape_cast %get3A_295 : vector<16xf32> to vector<1x1x16xf32>
        tpu.vector_store %arg10[%swap3A_298, %swap3A_299, %swap3A_300], %swap3A_303 {strides = array<i32>} : memref<2x80x512xf32, #tpu.memory_space<vmem>>, vector<1x1x16xf32>,
        %get3A_304 = arith.index_cast %scan3A_292 : i32 to index
        %get3A_305 = arith.constant 16 : index
        %get3A_306 = tpu.vector_load %arg9[%get3A_304, %get3A_305] {strides = array<i32>} : memref<8x512xf32, #tpu.memory_space<vmem>>, vector<1x16xf32>,
        %get3A_307 = vector.shape_cast %get3A_306 : vector<1x16xf32> to vector<16xf32>
        %add3A_308 = arith.constant 1 : i32
        %add3A_309 = arith.addi %add3A_308, %scan3A_292 : i32
        %swap3A_310 = arith.constant 0 : i32
        %swap3A_311 = arith.index_cast %swap3A_310 : i32 to index
        %swap3A_312 = arith.index_cast %add3A_309 : i32 to index
        %swap3A_313 = arith.constant 16 : index
        %swap3A_314 = tpu.vector_load %arg10[%swap3A_311, %swap3A_312, %swap3A_313] {strides = array<i32>} : memref<2x80x512xf32, #tpu.memory_space<vmem>>, vector<1x1x16xf32>,
        %swap3A_315 = vector.shape_cast %swap3A_314 : vector<1x1x16xf32> to vector<16xf32>
        %swap3A_316 = vector.shape_cast %get3A_307 : vector<16xf32> to vector<1x1x16xf32>
        tpu.vector_store %arg10[%swap3A_311, %swap3A_312, %swap3A_313], %swap3A_316 {strides = array<i32>} : memref<2x80x512xf32, #tpu.memory_space<vmem>>, vector<1x1x16xf32>,
        %get3A_317 = arith.index_cast %scan3A_292 : i32 to index
        %get3A_318 = arith.constant 32 : index
        %get3A_319 = tpu.vector_load %arg9[%get3A_317, %get3A_318] {strides = array<i32>} : memref<8x512xf32, #tpu.memory_space<vmem>>, vector<1x16xf32>,
        %get3A_320 = vector.shape_cast %get3A_319 : vector<1x16xf32> to vector<16xf32>
        %add3A_321 = arith.constant 1 : i32
        %add3A_322 = arith.addi %add3A_321, %scan3A_292 : i32
        %swap3A_323 = arith.constant 0 : i32
        %swap3A_324 = arith.index_cast %swap3A_323 : i32 to index
        %swap3A_325 = arith.index_cast %add3A_322 : i32 to index
        %swap3A_326 = arith.constant 32 : index
        %swap3A_327 = tpu.vector_load %arg10[%swap3A_324, %swap3A_325, %swap3A_326] {strides = array<i32>} : memref<2x80x512xf32, #tpu.memory_space<vmem>>, vector<1x1x16xf32>,
        %swap3A_328 = vector.shape_cast %swap3A_327 : vector<1x1x16xf32> to vector<16xf32>
        %swap3A_329 = vector.shape_cast %get3A_320 : vector<16xf32> to vector<1x1x16xf32>
        tpu.vector_store %arg10[%swap3A_324, %swap3A_325, %swap3A_326], %swap3A_329 {strides = array<i32>} : memref<2x80x512xf32, #tpu.memory_space<vmem>>, vector<1x1x16xf32>,
        %get3A_330 = arith.index_cast %scan3A_292 : i32 to index
        %get3A_331 = arith.constant 48 : index
        %get3A_332 = tpu.vector_load %arg9[%get3A_330, %get3A_331] {strides = array<i32>} : memref<8x512xf32, #tpu.memory_space<vmem>>, vector<1x16xf32>,
        %get3A_333 = vector.shape_cast %get3A_332 : vector<1x16xf32> to vector<16xf32>
        %add3A_334 = arith.constant 1 : i32
        %add3A_335 = arith.addi %add3A_334, %scan3A_292 : i32
        %swap3A_336 = arith.constant 0 : i32
        %swap3A_337 = arith.index_cast %swap3A_336 : i32 to index
        %swap3A_338 = arith.index_cast %add3A_335 : i32 to index
        %swap3A_339 = arith.constant 48 : index
        %swap3A_340 = tpu.vector_load %arg10[%swap3A_337, %swap3A_338, %swap3A_339] {strides = array<i32>} : memref<2x80x512xf32, #tpu.memory_space<vmem>>, vector<1x1x16xf32>,
        %swap3A_341 = vector.shape_cast %swap3A_340 : vector<1x1x16xf32> to vector<16xf32>
        %swap3A_342 = vector.shape_cast %get3A_333 : vector<16xf32> to vector<1x1x16xf32>
        tpu.vector_store %arg10[%swap3A_337, %swap3A_338, %swap3A_339], %swap3A_342 {strides = array<i32>} : memref<2x80x512xf32, #tpu.memory_space<vmem>>, vector<1x1x16xf32>,
        %get3A_343 = arith.index_cast %scan3A_292 : i32 to index
        %get3A_344 = arith.constant 64 : index
        %get3A_345 = tpu.vector_load %arg9[%get3A_343, %get3A_344] {strides = array<i32>} : memref<8x512xf32, #tpu.memory_space<vmem>>, vector<1x16xf32>,
        %get3A_346 = vector.shape_cast %get3A_345 : vector<1x16xf32> to vector<16xf32>
        %add3A_347 = arith.constant 1 : i32
        %add3A_348 = arith.addi %add3A_347, %scan3A_292 : i32
        %swap3A_349 = arith.constant 0 : i32
        %swap3A_350 = arith.index_cast %swap3A_349 : i32 to index
        %swap3A_351 = arith.index_cast %add3A_348 : i32 to index
        %swap3A_352 = arith.constant 64 : index
        %swap3A_353 = tpu.vector_load %arg10[%swap3A_350, %swap3A_351, %swap3A_352] {strides = array<i32>} : memref<2x80x512xf32, #tpu.memory_space<vmem>>, vector<1x1x16xf32>,
        %swap3A_354 = vector.shape_cast %swap3A_353 : vector<1x1x16xf32> to vector<16xf32>
        %swap3A_355 = vector.shape_cast %get3A_346 : vector<16xf32> to vector<1x1x16xf32>
        tpu.vector_store %arg10[%swap3A_350, %swap3A_351, %swap3A_352], %swap3A_355 {strides = array<i32>} : memref<2x80x512xf32, #tpu.memory_space<vmem>>, vector<1x1x16xf32>,
        %get3A_356 = arith.index_cast %scan3A_292 : i32 to index
        %get3A_357 = arith.constant 80 : index
        %get3A_358 = tpu.vector_load %arg9[%get3A_356, %get3A_357] {strides = array<i32>} : memref<8x512xf32, #tpu.memory_space<vmem>>, vector<1x16xf32>,
        %get3A_359 = vector.shape_cast %get3A_358 : vector<1x16xf32> to vector<16xf32>
        %add3A_360 = arith.constant 1 : i32
        %add3A_361 = arith.addi %add3A_360, %scan3A_292 : i32
        %swap3A_362 = arith.constant 0 : i32
        %swap3A_363 = arith.index_cast %swap3A_362 : i32 to index
        %swap3A_364 = arith.index_cast %add3A_361 : i32 to index
        %swap3A_365 = arith.constant 80 : index
        %swap3A_366 = tpu.vector_load %arg10[%swap3A_363, %swap3A_364, %swap3A_365] {strides = array<i32>} : memref<2x80x512xf32, #tpu.memory_space<vmem>>, vector<1x1x16xf32>,
        %swap3A_367 = vector.shape_cast %swap3A_366 : vector<1x1x16xf32> to vector<16xf32>
        %swap3A_368 = vector.shape_cast %get3A_359 : vector<16xf32> to vector<1x1x16xf32>
        tpu.vector_store %arg10[%swap3A_363, %swap3A_364, %swap3A_365], %swap3A_368 {strides = array<i32>} : memref<2x80x512xf32, #tpu.memory_space<vmem>>, vector<1x1x16xf32>,
        %get3A_369 = arith.index_cast %scan3A_292 : i32 to index
        %get3A_370 = arith.constant 96 : index
        %get3A_371 = tpu.vector_load %arg9[%get3A_369, %get3A_370] {strides = array<i32>} : memref<8x512xf32, #tpu.memory_space<vmem>>, vector<1x16xf32>,
        %get3A_372 = vector.shape_cast %get3A_371 : vector<1x16xf32> to vector<16xf32>
        %add3A_373 = arith.constant 1 : i32
        %add3A_374 = arith.addi %add3A_373, %scan3A_292 : i32
        %swap3A_375 = arith.constant 0 : i32
        %swap3A_376 = arith.index_cast %swap3A_375 : i32 to index
        %swap3A_377 = arith.index_cast %add3A_374 : i32 to index
        %swap3A_378 = arith.constant 96 : index
        %swap3A_379 = tpu.vector_load %arg10[%swap3A_376, %swap3A_377, %swap3A_378] {strides = array<i32>} : memref<2x80x512xf32, #tpu.memory_space<vmem>>, vector<1x1x16xf32>,
        %swap3A_380 = vector.shape_cast %swap3A_379 : vector<1x1x16xf32> to vector<16xf32>
        %swap3A_381 = vector.shape_cast %get3A_372 : vector<16xf32> to vector<1x1x16xf32>
        tpu.vector_store %arg10[%swap3A_376, %swap3A_377, %swap3A_378], %swap3A_381 {strides = array<i32>} : memref<2x80x512xf32, #tpu.memory_space<vmem>>, vector<1x1x16xf32>,
        %get3A_382 = arith.index_cast %scan3A_292 : i32 to index
        %get3A_383 = arith.constant 112 : index
        %get3A_384 = tpu.vector_load %arg9[%get3A_382, %get3A_383] {strides = array<i32>} : memref<8x512xf32, #tpu.memory_space<vmem>>, vector<1x16xf32>,
        %get3A_385 = vector.shape_cast %get3A_384 : vector<1x16xf32> to vector<16xf32>
        %add3A_386 = arith.constant 1 : i32
        %add3A_387 = arith.addi %add3A_386, %scan3A_292 : i32
        %swap3A_388 = arith.constant 0 : i32
        %swap3A_389 = arith.index_cast %swap3A_388 : i32 to index
        %swap3A_390 = arith.index_cast %add3A_387 : i32 to index
        %swap3A_391 = arith.constant 112 : index
        %swap3A_392 = tpu.vector_load %arg10[%swap3A_389, %swap3A_390, %swap3A_391] {strides = array<i32>} : memref<2x80x512xf32, #tpu.memory_space<vmem>>, vector<1x1x16xf32>,
        %swap3A_393 = vector.shape_cast %swap3A_392 : vector<1x1x16xf32> to vector<16xf32>
        %swap3A_394 = vector.shape_cast %get3A_385 : vector<16xf32> to vector<1x1x16xf32>
        tpu.vector_store %arg10[%swap3A_389, %swap3A_390, %swap3A_391], %swap3A_394 {strides = array<i32>} : memref<2x80x512xf32, #tpu.memory_space<vmem>>, vector<1x1x16xf32>,
        %get3A_395 = arith.index_cast %scan3A_292 : i32 to index
        %get3A_396 = arith.constant 128 : index
        %get3A_397 = tpu.vector_load %arg9[%get3A_395, %get3A_396] {strides = array<i32>} : memref<8x512xf32, #tpu.memory_space<vmem>>, vector<1x16xf32>,
        %get3A_398 = vector.shape_cast %get3A_397 : vector<1x16xf32> to vector<16xf32>
        %add3A_399 = arith.constant 1 : i32
        %add3A_400 = arith.addi %add3A_399, %scan3A_292 : i32
        %swap3A_401 = arith.constant 0 : i32
        %swap3A_402 = arith.index_cast %swap3A_401 : i32 to index
        %swap3A_403 = arith.index_cast %add3A_400 : i32 to index
        %swap3A_404 = arith.constant 128 : index
        %swap3A_405 = tpu.vector_load %arg10[%swap3A_402, %swap3A_403, %swap3A_404] {strides = array<i32>} : memref<2x80x512xf32, #tpu.memory_space<vmem>>, vector<1x1x16xf32>,
        %swap3A_406 = vector.shape_cast %swap3A_405 : vector<1x1x16xf32> to vector<16xf32>
        %swap3A_407 = vector.shape_cast %get3A_398 : vector<16xf32> to vector<1x1x16xf32>
        tpu.vector_store %arg10[%swap3A_402, %swap3A_403, %swap3A_404], %swap3A_407 {strides = array<i32>} : memref<2x80x512xf32, #tpu.memory_space<vmem>>, vector<1x1x16xf32>,
        %get3A_408 = arith.index_cast %scan3A_292 : i32 to index
        %get3A_409 = arith.constant 144 : index
        %get3A_410 = tpu.vector_load %arg9[%get3A_408, %get3A_409] {strides = array<i32>} : memref<8x512xf32, #tpu.memory_space<vmem>>, vector<1x16xf32>,
        %get3A_411 = vector.shape_cast %get3A_410 : vector<1x16xf32> to vector<16xf32>
        %add3A_412 = arith.constant 1 : i32
        %add3A_413 = arith.addi %add3A_412, %scan3A_292 : i32
        %swap3A_414 = arith.constant 0 : i32
        %swap3A_415 = arith.index_cast %swap3A_414 : i32 to index
        %swap3A_416 = arith.index_cast %add3A_413 : i32 to index
        %swap3A_417 = arith.constant 144 : index
        %swap3A_418 = tpu.vector_load %arg10[%swap3A_415, %swap3A_416, %swap3A_417] {strides = array<i32>} : memref<2x80x512xf32, #tpu.memory_space<vmem>>, vector<1x1x16xf32>,
        %swap3A_419 = vector.shape_cast %swap3A_418 : vector<1x1x16xf32> to vector<16xf32>
        %swap3A_420 = vector.shape_cast %get3A_411 : vector<16xf32> to vector<1x1x16xf32>
        tpu.vector_store %arg10[%swap3A_415, %swap3A_416, %swap3A_417], %swap3A_420 {strides = array<i32>} : memref<2x80x512xf32, #tpu.memory_space<vmem>>, vector<1x1x16xf32>,
        %get3A_421 = arith.index_cast %scan3A_292 : i32 to index
        %get3A_422 = arith.constant 160 : index
        %get3A_423 = tpu.vector_load %arg9[%get3A_421, %get3A_422] {strides = array<i32>} : memref<8x512xf32, #tpu.memory_space<vmem>>, vector<1x16xf32>,
        %get3A_424 = vector.shape_cast %get3A_423 : vector<1x16xf32> to vector<16xf32>
        %add3A_425 = arith.constant 1 : i32
        %add3A_426 = arith.addi %add3A_425, %scan3A_292 : i32
        %swap3A_427 = arith.constant 0 : i32
        %swap3A_428 = arith.index_cast %swap3A_427 : i32 to index
        %swap3A_429 = arith.index_cast %add3A_426 : i32 to index
        %swap3A_430 = arith.constant 160 : index
        %swap3A_431 = tpu.vector_load %arg10[%swap3A_428, %swap3A_429, %swap3A_430] {strides = array<i32>} : memref<2x80x512xf32, #tpu.memory_space<vmem>>, vector<1x1x16xf32>,
        %swap3A_432 = vector.shape_cast %swap3A_431 : vector<1x1x16xf32> to vector<16xf32>
        %swap3A_433 = vector.shape_cast %get3A_424 : vector<16xf32> to vector<1x1x16xf32>
        tpu.vector_store %arg10[%swap3A_428, %swap3A_429, %swap3A_430], %swap3A_433 {strides = array<i32>} : memref<2x80x512xf32, #tpu.memory_space<vmem>>, vector<1x1x16xf32>,
        %get3A_434 = arith.index_cast %scan3A_292 : i32 to index
        %get3A_435 = arith.constant 176 : index
        %get3A_436 = tpu.vector_load %arg9[%get3A_434, %get3A_435] {strides = array<i32>} : memref<8x512xf32, #tpu.memory_space<vmem>>, vector<1x16xf32>,
        %get3A_437 = vector.shape_cast %get3A_436 : vector<1x16xf32> to vector<16xf32>
        %add3A_438 = arith.constant 1 : i32
        %add3A_439 = arith.addi %add3A_438, %scan3A_292 : i32
        %swap3A_440 = arith.constant 0 : i32
        %swap3A_441 = arith.index_cast %swap3A_440 : i32 to index
        %swap3A_442 = arith.index_cast %add3A_439 : i32 to index
        %swap3A_443 = arith.constant 176 : index
        %swap3A_444 = tpu.vector_load %arg10[%swap3A_441, %swap3A_442, %swap3A_443] {strides = array<i32>} : memref<2x80x512xf32, #tpu.memory_space<vmem>>, vector<1x1x16xf32>,
        %swap3A_445 = vector.shape_cast %swap3A_444 : vector<1x1x16xf32> to vector<16xf32>
        %swap3A_446 = vector.shape_cast %get3A_437 : vector<16xf32> to vector<1x1x16xf32>
        tpu.vector_store %arg10[%swap3A_441, %swap3A_442, %swap3A_443], %swap3A_446 {strides = array<i32>} : memref<2x80x512xf32, #tpu.memory_space<vmem>>, vector<1x1x16xf32>,
        %get3A_447 = arith.index_cast %scan3A_292 : i32 to index
        %get3A_448 = arith.constant 192 : index
        %get3A_449 = tpu.vector_load %arg9[%get3A_447, %get3A_448] {strides = array<i32>} : memref<8x512xf32, #tpu.memory_space<vmem>>, vector<1x16xf32>,
        %get3A_450 = vector.shape_cast %get3A_449 : vector<1x16xf32> to vector<16xf32>
        %add3A_451 = arith.constant 1 : i32
        %add3A_452 = arith.addi %add3A_451, %scan3A_292 : i32
        %swap3A_453 = arith.constant 0 : i32
        %swap3A_454 = arith.index_cast %swap3A_453 : i32 to index
        %swap3A_455 = arith.index_cast %add3A_452 : i32 to index
        %swap3A_456 = arith.constant 192 : index
        %swap3A_457 = tpu.vector_load %arg10[%swap3A_454, %swap3A_455, %swap3A_456] {strides = array<i32>} : memref<2x80x512xf32, #tpu.memory_space<vmem>>, vector<1x1x16xf32>,
        %swap3A_458 = vector.shape_cast %swap3A_457 : vector<1x1x16xf32> to vector<16xf32>
        %swap3A_459 = vector.shape_cast %get3A_450 : vector<16xf32> to vector<1x1x16xf32>
        tpu.vector_store %arg10[%swap3A_454, %swap3A_455, %swap3A_456], %swap3A_459 {strides = array<i32>} : memref<2x80x512xf32, #tpu.memory_space<vmem>>, vector<1x1x16xf32>,
        %get3A_460 = arith.index_cast %scan3A_292 : i32 to index
        %get3A_461 = arith.constant 208 : index
        %get3A_462 = tpu.vector_load %arg9[%get3A_460, %get3A_461] {strides = array<i32>} : memref<8x512xf32, #tpu.memory_space<vmem>>, vector<1x16xf32>,
        %get3A_463 = vector.shape_cast %get3A_462 : vector<1x16xf32> to vector<16xf32>
        %add3A_464 = arith.constant 1 : i32
        %add3A_465 = arith.addi %add3A_464, %scan3A_292 : i32
        %swap3A_466 = arith.constant 0 : i32
        %swap3A_467 = arith.index_cast %swap3A_466 : i32 to index
        %swap3A_468 = arith.index_cast %add3A_465 : i32 to index
        %swap3A_469 = arith.constant 208 : index
        %swap3A_470 = tpu.vector_load %arg10[%swap3A_467, %swap3A_468, %swap3A_469] {strides = array<i32>} : memref<2x80x512xf32, #tpu.memory_space<vmem>>, vector<1x1x16xf32>,
        %swap3A_471 = vector.shape_cast %swap3A_470 : vector<1x1x16xf32> to vector<16xf32>
        %swap3A_472 = vector.shape_cast %get3A_463 : vector<16xf32> to vector<1x1x16xf32>
        tpu.vector_store %arg10[%swap3A_467, %swap3A_468, %swap3A_469], %swap3A_472 {strides = array<i32>} : memref<2x80x512xf32, #tpu.memory_space<vmem>>, vector<1x1x16xf32>,
        %get3A_473 = arith.index_cast %scan3A_292 : i32 to index
        %get3A_474 = arith.constant 224 : index
        %get3A_475 = tpu.vector_load %arg9[%get3A_473, %get3A_474] {strides = array<i32>} : memref<8x512xf32, #tpu.memory_space<vmem>>, vector<1x16xf32>,
        %get3A_476 = vector.shape_cast %get3A_475 : vector<1x16xf32> to vector<16xf32>
        %add3A_477 = arith.constant 1 : i32
        %add3A_478 = arith.addi %add3A_477, %scan3A_292 : i32
        %swap3A_479 = arith.constant 0 : i32
        %swap3A_480 = arith.index_cast %swap3A_479 : i32 to index
        %swap3A_481 = arith.index_cast %add3A_478 : i32 to index
        %swap3A_482 = arith.constant 224 : index
        %swap3A_483 = tpu.vector_load %arg10[%swap3A_480, %swap3A_481, %swap3A_482] {strides = array<i32>} : memref<2x80x512xf32, #tpu.memory_space<vmem>>, vector<1x1x16xf32>,
        %swap3A_484 = vector.shape_cast %swap3A_483 : vector<1x1x16xf32> to vector<16xf32>
        %swap3A_485 = vector.shape_cast %get3A_476 : vector<16xf32> to vector<1x1x16xf32>
        tpu.vector_store %arg10[%swap3A_480, %swap3A_481, %swap3A_482], %swap3A_485 {strides = array<i32>} : memref<2x80x512xf32, #tpu.memory_space<vmem>>, vector<1x1x16xf32>,
        %get3A_486 = arith.index_cast %scan3A_292 : i32 to index
        %get3A_487 = arith.constant 240 : index
        %get3A_488 = tpu.vector_load %arg9[%get3A_486, %get3A_487] {strides = array<i32>} : memref<8x512xf32, #tpu.memory_space<vmem>>, vector<1x16xf32>,
        %get3A_489 = vector.shape_cast %get3A_488 : vector<1x16xf32> to vector<16xf32>
        %add3A_490 = arith.constant 1 : i32
        %add3A_491 = arith.addi %add3A_490, %scan3A_292 : i32
        %swap3A_492 = arith.constant 0 : i32
        %swap3A_493 = arith.index_cast %swap3A_492 : i32 to index
        %swap3A_494 = arith.index_cast %add3A_491 : i32 to index
        %swap3A_495 = arith.constant 240 : index
        %swap3A_496 = tpu.vector_load %arg10[%swap3A_493, %swap3A_494, %swap3A_495] {strides = array<i32>} : memref<2x80x512xf32, #tpu.memory_space<vmem>>, vector<1x1x16xf32>,
        %swap3A_497 = vector.shape_cast %swap3A_496 : vector<1x1x16xf32> to vector<16xf32>
        %swap3A_498 = vector.shape_cast %get3A_489 : vector<16xf32> to vector<1x1x16xf32>
        tpu.vector_store %arg10[%swap3A_493, %swap3A_494, %swap3A_495], %swap3A_498 {strides = array<i32>} : memref<2x80x512xf32, #tpu.memory_space<vmem>>, vector<1x1x16xf32>,
        %get3A_499 = arith.index_cast %scan3A_292 : i32 to index
        %get3A_500 = arith.constant 256 : index
        %get3A_501 = tpu.vector_load %arg9[%get3A_499, %get3A_500] {strides = array<i32>} : memref<8x512xf32, #tpu.memory_space<vmem>>, vector<1x16xf32>,
        %get3A_502 = vector.shape_cast %get3A_501 : vector<1x16xf32> to vector<16xf32>
        %add3A_503 = arith.constant 1 : i32
        %add3A_504 = arith.addi %add3A_503, %scan3A_292 : i32
        %swap3A_505 = arith.constant 0 : i32
        %swap3A_506 = arith.index_cast %swap3A_505 : i32 to index
        %swap3A_507 = arith.index_cast %add3A_504 : i32 to index
        %swap3A_508 = arith.constant 256 : index
        %swap3A_509 = tpu.vector_load %arg10[%swap3A_506, %swap3A_507, %swap3A_508] {strides = array<i32>} : memref<2x80x512xf32, #tpu.memory_space<vmem>>, vector<1x1x16xf32>,
        %swap3A_510 = vector.shape_cast %swap3A_509 : vector<1x1x16xf32> to vector<16xf32>
        %swap3A_511 = vector.shape_cast %get3A_502 : vector<16xf32> to vector<1x1x16xf32>
        tpu.vector_store %arg10[%swap3A_506, %swap3A_507, %swap3A_508], %swap3A_511 {strides = array<i32>} : memref<2x80x512xf32, #tpu.memory_space<vmem>>, vector<1x1x16xf32>,
        %get3A_512 = arith.index_cast %scan3A_292 : i32 to index
        %get3A_513 = arith.constant 272 : index
        %get3A_514 = tpu.vector_load %arg9[%get3A_512, %get3A_513] {strides = array<i32>} : memref<8x512xf32, #tpu.memory_space<vmem>>, vector<1x16xf32>,
        %get3A_515 = vector.shape_cast %get3A_514 : vector<1x16xf32> to vector<16xf32>
        %add3A_516 = arith.constant 1 : i32
        %add3A_517 = arith.addi %add3A_516, %scan3A_292 : i32
        %swap3A_518 = arith.constant 0 : i32
        %swap3A_519 = arith.index_cast %swap3A_518 : i32 to index
        %swap3A_520 = arith.index_cast %add3A_517 : i32 to index
        %swap3A_521 = arith.constant 272 : index
        %swap3A_522 = tpu.vector_load %arg10[%swap3A_519, %swap3A_520, %swap3A_521] {strides = array<i32>} : memref<2x80x512xf32, #tpu.memory_space<vmem>>, vector<1x1x16xf32>,
        %swap3A_523 = vector.shape_cast %swap3A_522 : vector<1x1x16xf32> to vector<16xf32>
        %swap3A_524 = vector.shape_cast %get3A_515 : vector<16xf32> to vector<1x1x16xf32>
        tpu.vector_store %arg10[%swap3A_519, %swap3A_520, %swap3A_521], %swap3A_524 {strides = array<i32>} : memref<2x80x512xf32, #tpu.memory_space<vmem>>, vector<1x1x16xf32>,
        %get3A_525 = arith.index_cast %scan3A_292 : i32 to index
        %get3A_526 = arith.constant 288 : index
        %get3A_527 = tpu.vector_load %arg9[%get3A_525, %get3A_526] {strides = array<i32>} : memref<8x512xf32, #tpu.memory_space<vmem>>, vector<1x16xf32>,
        %get3A_528 = vector.shape_cast %get3A_527 : vector<1x16xf32> to vector<16xf32>
        %add3A_529 = arith.constant 1 : i32
        %add3A_530 = arith.addi %add3A_529, %scan3A_292 : i32
        %swap3A_531 = arith.constant 0 : i32
        %swap3A_532 = arith.index_cast %swap3A_531 : i32 to index
        %swap3A_533 = arith.index_cast %add3A_530 : i32 to index
        %swap3A_534 = arith.constant 288 : index
        %swap3A_535 = tpu.vector_load %arg10[%swap3A_532, %swap3A_533, %swap3A_534] {strides = array<i32>} : memref<2x80x512xf32, #tpu.memory_space<vmem>>, vector<1x1x16xf32>,
        %swap3A_536 = vector.shape_cast %swap3A_535 : vector<1x1x16xf32> to vector<16xf32>
        %swap3A_537 = vector.shape_cast %get3A_528 : vector<16xf32> to vector<1x1x16xf32>
        tpu.vector_store %arg10[%swap3A_532, %swap3A_533, %swap3A_534], %swap3A_537 {strides = array<i32>} : memref<2x80x512xf32, #tpu.memory_space<vmem>>, vector<1x1x16xf32>,
        %get3A_538 = arith.index_cast %scan3A_292 : i32 to index
        %get3A_539 = arith.constant 304 : index
        %get3A_540 = tpu.vector_load %arg9[%get3A_538, %get3A_539] {strides = array<i32>} : memref<8x512xf32, #tpu.memory_space<vmem>>, vector<1x16xf32>,
        %get3A_541 = vector.shape_cast %get3A_540 : vector<1x16xf32> to vector<16xf32>
        %add3A_542 = arith.constant 1 : i32
        %add3A_543 = arith.addi %add3A_542, %scan3A_292 : i32
        %swap3A_544 = arith.constant 0 : i32
        %swap3A_545 = arith.index_cast %swap3A_544 : i32 to index
        %swap3A_546 = arith.index_cast %add3A_543 : i32 to index
        %swap3A_547 = arith.constant 304 : index
        %swap3A_548 = tpu.vector_load %arg10[%swap3A_545, %swap3A_546, %swap3A_547] {strides = array<i32>} : memref<2x80x512xf32, #tpu.memory_space<vmem>>, vector<1x1x16xf32>,
        %swap3A_549 = vector.shape_cast %swap3A_548 : vector<1x1x16xf32> to vector<16xf32>
        %swap3A_550 = vector.shape_cast %get3A_541 : vector<16xf32> to vector<1x1x16xf32>
        tpu.vector_store %arg10[%swap3A_545, %swap3A_546, %swap3A_547], %swap3A_550 {strides = array<i32>} : memref<2x80x512xf32, #tpu.memory_space<vmem>>, vector<1x1x16xf32>,
        %get3A_551 = arith.index_cast %scan3A_292 : i32 to index
        %get3A_552 = arith.constant 320 : index
        %get3A_553 = tpu.vector_load %arg9[%get3A_551, %get3A_552] {strides = array<i32>} : memref<8x512xf32, #tpu.memory_space<vmem>>, vector<1x16xf32>,
        %get3A_554 = vector.shape_cast %get3A_553 : vector<1x16xf32> to vector<16xf32>
        %add3A_555 = arith.constant 1 : i32
        %add3A_556 = arith.addi %add3A_555, %scan3A_292 : i32
        %swap3A_557 = arith.constant 0 : i32
        %swap3A_558 = arith.index_cast %swap3A_557 : i32 to index
        %swap3A_559 = arith.index_cast %add3A_556 : i32 to index
        %swap3A_560 = arith.constant 320 : index
        %swap3A_561 = tpu.vector_load %arg10[%swap3A_558, %swap3A_559, %swap3A_560] {strides = array<i32>} : memref<2x80x512xf32, #tpu.memory_space<vmem>>, vector<1x1x16xf32>,
        %swap3A_562 = vector.shape_cast %swap3A_561 : vector<1x1x16xf32> to vector<16xf32>
        %swap3A_563 = vector.shape_cast %get3A_554 : vector<16xf32> to vector<1x1x16xf32>
        tpu.vector_store %arg10[%swap3A_558, %swap3A_559, %swap3A_560], %swap3A_563 {strides = array<i32>} : memref<2x80x512xf32, #tpu.memory_space<vmem>>, vector<1x1x16xf32>,
        %get3A_564 = arith.index_cast %scan3A_292 : i32 to index
        %get3A_565 = arith.constant 336 : index
        %get3A_566 = tpu.vector_load %arg9[%get3A_564, %get3A_565] {strides = array<i32>} : memref<8x512xf32, #tpu.memory_space<vmem>>, vector<1x16xf32>,
        %get3A_567 = vector.shape_cast %get3A_566 : vector<1x16xf32> to vector<16xf32>
        %add3A_568 = arith.constant 1 : i32
        %add3A_569 = arith.addi %add3A_568, %scan3A_292 : i32
        %swap3A_570 = arith.constant 0 : i32
        %swap3A_571 = arith.index_cast %swap3A_570 : i32 to index
        %swap3A_572 = arith.index_cast %add3A_569 : i32 to index
        %swap3A_573 = arith.constant 336 : index
        %swap3A_574 = tpu.vector_load %arg10[%swap3A_571, %swap3A_572, %swap3A_573] {strides = array<i32>} : memref<2x80x512xf32, #tpu.memory_space<vmem>>, vector<1x1x16xf32>,
        %swap3A_575 = vector.shape_cast %swap3A_574 : vector<1x1x16xf32> to vector<16xf32>
        %swap3A_576 = vector.shape_cast %get3A_567 : vector<16xf32> to vector<1x1x16xf32>
        tpu.vector_store %arg10[%swap3A_571, %swap3A_572, %swap3A_573], %swap3A_576 {strides = array<i32>} : memref<2x80x512xf32, #tpu.memory_space<vmem>>, vector<1x1x16xf32>,
        %get3A_577 = arith.index_cast %scan3A_292 : i32 to index
        %get3A_578 = arith.constant 352 : index
        %get3A_579 = tpu.vector_load %arg9[%get3A_577, %get3A_578] {strides = array<i32>} : memref<8x512xf32, #tpu.memory_space<vmem>>, vector<1x16xf32>,
        %get3A_580 = vector.shape_cast %get3A_579 : vector<1x16xf32> to vector<16xf32>
        %add3A_581 = arith.constant 1 : i32
        %add3A_582 = arith.addi %add3A_581, %scan3A_292 : i32
        %swap3A_583 = arith.constant 0 : i32
        %swap3A_584 = arith.index_cast %swap3A_583 : i32 to index
        %swap3A_585 = arith.index_cast %add3A_582 : i32 to index
        %swap3A_586 = arith.constant 352 : index
        %swap3A_587 = tpu.vector_load %arg10[%swap3A_584, %swap3A_585, %swap3A_586] {strides = array<i32>} : memref<2x80x512xf32, #tpu.memory_space<vmem>>, vector<1x1x16xf32>,
        %swap3A_588 = vector.shape_cast %swap3A_587 : vector<1x1x16xf32> to vector<16xf32>
        %swap3A_589 = vector.shape_cast %get3A_580 : vector<16xf32> to vector<1x1x16xf32>
        tpu.vector_store %arg10[%swap3A_584, %swap3A_585, %swap3A_586], %swap3A_589 {strides = array<i32>} : memref<2x80x512xf32, #tpu.memory_space<vmem>>, vector<1x1x16xf32>,
        %get3A_590 = arith.index_cast %scan3A_292 : i32 to index
        %get3A_591 = arith.constant 368 : index
        %get3A_592 = tpu.vector_load %arg9[%get3A_590, %get3A_591] {strides = array<i32>} : memref<8x512xf32, #tpu.memory_space<vmem>>, vector<1x16xf32>,
        %get3A_593 = vector.shape_cast %get3A_592 : vector<1x16xf32> to vector<16xf32>
        %add3A_594 = arith.constant 1 : i32
        %add3A_595 = arith.addi %add3A_594, %scan3A_292 : i32
        %swap3A_596 = arith.constant 0 : i32
        %swap3A_597 = arith.index_cast %swap3A_596 : i32 to index
        %swap3A_598 = arith.index_cast %add3A_595 : i32 to index
        %swap3A_599 = arith.constant 368 : index
        %swap3A_600 = tpu.vector_load %arg10[%swap3A_597, %swap3A_598, %swap3A_599] {strides = array<i32>} : memref<2x80x512xf32, #tpu.memory_space<vmem>>, vector<1x1x16xf32>,
        %swap3A_601 = vector.shape_cast %swap3A_600 : vector<1x1x16xf32> to vector<16xf32>
        %swap3A_602 = vector.shape_cast %get3A_593 : vector<16xf32> to vector<1x1x16xf32>
        tpu.vector_store %arg10[%swap3A_597, %swap3A_598, %swap3A_599], %swap3A_602 {strides = array<i32>} : memref<2x80x512xf32, #tpu.memory_space<vmem>>, vector<1x1x16xf32>,
        %get3A_603 = arith.index_cast %scan3A_292 : i32 to index
        %get3A_604 = arith.constant 384 : index
        %get3A_605 = tpu.vector_load %arg9[%get3A_603, %get3A_604] {strides = array<i32>} : memref<8x512xf32, #tpu.memory_space<vmem>>, vector<1x16xf32>,
        %get3A_606 = vector.shape_cast %get3A_605 : vector<1x16xf32> to vector<16xf32>
        %add3A_607 = arith.constant 1 : i32
        %add3A_608 = arith.addi %add3A_607, %scan3A_292 : i32
        %swap3A_609 = arith.constant 0 : i32
        %swap3A_610 = arith.index_cast %swap3A_609 : i32 to index
        %swap3A_611 = arith.index_cast %add3A_608 : i32 to index
        %swap3A_612 = arith.constant 384 : index
        %swap3A_613 = tpu.vector_load %arg10[%swap3A_610, %swap3A_611, %swap3A_612] {strides = array<i32>} : memref<2x80x512xf32, #tpu.memory_space<vmem>>, vector<1x1x16xf32>,
        %swap3A_614 = vector.shape_cast %swap3A_613 : vector<1x1x16xf32> to vector<16xf32>
        %swap3A_615 = vector.shape_cast %get3A_606 : vector<16xf32> to vector<1x1x16xf32>
        tpu.vector_store %arg10[%swap3A_610, %swap3A_611, %swap3A_612], %swap3A_615 {strides = array<i32>} : memref<2x80x512xf32, #tpu.memory_space<vmem>>, vector<1x1x16xf32>,
        %get3A_616 = arith.index_cast %scan3A_292 : i32 to index
        %get3A_617 = arith.constant 400 : index
        %get3A_618 = tpu.vector_load %arg9[%get3A_616, %get3A_617] {strides = array<i32>} : memref<8x512xf32, #tpu.memory_space<vmem>>, vector<1x16xf32>,
        %get3A_619 = vector.shape_cast %get3A_618 : vector<1x16xf32> to vector<16xf32>
        %add3A_620 = arith.constant 1 : i32
        %add3A_621 = arith.addi %add3A_620, %scan3A_292 : i32
        %swap3A_622 = arith.constant 0 : i32
        %swap3A_623 = arith.index_cast %swap3A_622 : i32 to index
        %swap3A_624 = arith.index_cast %add3A_621 : i32 to index
        %swap3A_625 = arith.constant 400 : index
        %swap3A_626 = tpu.vector_load %arg10[%swap3A_623, %swap3A_624, %swap3A_625] {strides = array<i32>} : memref<2x80x512xf32, #tpu.memory_space<vmem>>, vector<1x1x16xf32>,
        %swap3A_627 = vector.shape_cast %swap3A_626 : vector<1x1x16xf32> to vector<16xf32>
        %swap3A_628 = vector.shape_cast %get3A_619 : vector<16xf32> to vector<1x1x16xf32>
        tpu.vector_store %arg10[%swap3A_623, %swap3A_624, %swap3A_625], %swap3A_628 {strides = array<i32>} : memref<2x80x512xf32, #tpu.memory_space<vmem>>, vector<1x1x16xf32>,
        %get3A_629 = arith.index_cast %scan3A_292 : i32 to index
        %get3A_630 = arith.constant 416 : index
        %get3A_631 = tpu.vector_load %arg9[%get3A_629, %get3A_630] {strides = array<i32>} : memref<8x512xf32, #tpu.memory_space<vmem>>, vector<1x16xf32>,
        %get3A_632 = vector.shape_cast %get3A_631 : vector<1x16xf32> to vector<16xf32>
        %add3A_633 = arith.constant 1 : i32
        %add3A_634 = arith.addi %add3A_633, %scan3A_292 : i32
        %swap3A_635 = arith.constant 0 : i32
        %swap3A_636 = arith.index_cast %swap3A_635 : i32 to index
        %swap3A_637 = arith.index_cast %add3A_634 : i32 to index
        %swap3A_638 = arith.constant 416 : index
        %swap3A_639 = tpu.vector_load %arg10[%swap3A_636, %swap3A_637, %swap3A_638] {strides = array<i32>} : memref<2x80x512xf32, #tpu.memory_space<vmem>>, vector<1x1x16xf32>,
        %swap3A_640 = vector.shape_cast %swap3A_639 : vector<1x1x16xf32> to vector<16xf32>
        %swap3A_641 = vector.shape_cast %get3A_632 : vector<16xf32> to vector<1x1x16xf32>
        tpu.vector_store %arg10[%swap3A_636, %swap3A_637, %swap3A_638], %swap3A_641 {strides = array<i32>} : memref<2x80x512xf32, #tpu.memory_space<vmem>>, vector<1x1x16xf32>,
        %get3A_642 = arith.index_cast %scan3A_292 : i32 to index
        %get3A_643 = arith.constant 432 : index
        %get3A_644 = tpu.vector_load %arg9[%get3A_642, %get3A_643] {strides = array<i32>} : memref<8x512xf32, #tpu.memory_space<vmem>>, vector<1x16xf32>,
        %get3A_645 = vector.shape_cast %get3A_644 : vector<1x16xf32> to vector<16xf32>
        %add3A_646 = arith.constant 1 : i32
        %add3A_647 = arith.addi %add3A_646, %scan3A_292 : i32
        %swap3A_648 = arith.constant 0 : i32
        %swap3A_649 = arith.index_cast %swap3A_648 : i32 to index
        %swap3A_650 = arith.index_cast %add3A_647 : i32 to index
        %swap3A_651 = arith.constant 432 : index
        %swap3A_652 = tpu.vector_load %arg10[%swap3A_649, %swap3A_650, %swap3A_651] {strides = array<i32>} : memref<2x80x512xf32, #tpu.memory_space<vmem>>, vector<1x1x16xf32>,
        %swap3A_653 = vector.shape_cast %swap3A_652 : vector<1x1x16xf32> to vector<16xf32>
        %swap3A_654 = vector.shape_cast %get3A_645 : vector<16xf32> to vector<1x1x16xf32>
        tpu.vector_store %arg10[%swap3A_649, %swap3A_650, %swap3A_651], %swap3A_654 {strides = array<i32>} : memref<2x80x512xf32, #tpu.memory_space<vmem>>, vector<1x1x16xf32>,
        %get3A_655 = arith.index_cast %scan3A_292 : i32 to index
        %get3A_656 = arith.constant 448 : index
        %get3A_657 = tpu.vector_load %arg9[%get3A_655, %get3A_656] {strides = array<i32>} : memref<8x512xf32, #tpu.memory_space<vmem>>, vector<1x16xf32>,
        %get3A_658 = vector.shape_cast %get3A_657 : vector<1x16xf32> to vector<16xf32>
        %add3A_659 = arith.constant 1 : i32
        %add3A_660 = arith.addi %add3A_659, %scan3A_292 : i32
        %swap3A_661 = arith.constant 0 : i32
        %swap3A_662 = arith.index_cast %swap3A_661 : i32 to index
        %swap3A_663 = arith.index_cast %add3A_660 : i32 to index
        %swap3A_664 = arith.constant 448 : index
        %swap3A_665 = tpu.vector_load %arg10[%swap3A_662, %swap3A_663, %swap3A_664] {strides = array<i32>} : memref<2x80x512xf32, #tpu.memory_space<vmem>>, vector<1x1x16xf32>,
        %swap3A_666 = vector.shape_cast %swap3A_665 : vector<1x1x16xf32> to vector<16xf32>
        %swap3A_667 = vector.shape_cast %get3A_658 : vector<16xf32> to vector<1x1x16xf32>
        tpu.vector_store %arg10[%swap3A_662, %swap3A_663, %swap3A_664], %swap3A_667 {strides = array<i32>} : memref<2x80x512xf32, #tpu.memory_space<vmem>>, vector<1x1x16xf32>,
        %get3A_668 = arith.index_cast %scan3A_292 : i32 to index
        %get3A_669 = arith.constant 464 : index
        %get3A_670 = tpu.vector_load %arg9[%get3A_668, %get3A_669] {strides = array<i32>} : memref<8x512xf32, #tpu.memory_space<vmem>>, vector<1x16xf32>,
        %get3A_671 = vector.shape_cast %get3A_670 : vector<1x16xf32> to vector<16xf32>
        %add3A_672 = arith.constant 1 : i32
        %add3A_673 = arith.addi %add3A_672, %scan3A_292 : i32
        %swap3A_674 = arith.constant 0 : i32
        %swap3A_675 = arith.index_cast %swap3A_674 : i32 to index
        %swap3A_676 = arith.index_cast %add3A_673 : i32 to index
        %swap3A_677 = arith.constant 464 : index
        %swap3A_678 = tpu.vector_load %arg10[%swap3A_675, %swap3A_676, %swap3A_677] {strides = array<i32>} : memref<2x80x512xf32, #tpu.memory_space<vmem>>, vector<1x1x16xf32>,
        %swap3A_679 = vector.shape_cast %swap3A_678 : vector<1x1x16xf32> to vector<16xf32>
        %swap3A_680 = vector.shape_cast %get3A_671 : vector<16xf32> to vector<1x1x16xf32>
        tpu.vector_store %arg10[%swap3A_675, %swap3A_676, %swap3A_677], %swap3A_680 {strides = array<i32>} : memref<2x80x512xf32, #tpu.memory_space<vmem>>, vector<1x1x16xf32>,
        %get3A_681 = arith.index_cast %scan3A_292 : i32 to index
        %get3A_682 = arith.constant 480 : index
        %get3A_683 = tpu.vector_load %arg9[%get3A_681, %get3A_682] {strides = array<i32>} : memref<8x512xf32, #tpu.memory_space<vmem>>, vector<1x16xf32>,
        %get3A_684 = vector.shape_cast %get3A_683 : vector<1x16xf32> to vector<16xf32>
        %add3A_685 = arith.constant 1 : i32
        %add3A_686 = arith.addi %add3A_685, %scan3A_292 : i32
        %swap3A_687 = arith.constant 0 : i32
        %swap3A_688 = arith.index_cast %swap3A_687 : i32 to index
        %swap3A_689 = arith.index_cast %add3A_686 : i32 to index
        %swap3A_690 = arith.constant 480 : index
        %swap3A_691 = tpu.vector_load %arg10[%swap3A_688, %swap3A_689, %swap3A_690] {strides = array<i32>} : memref<2x80x512xf32, #tpu.memory_space<vmem>>, vector<1x1x16xf32>,
        %swap3A_692 = vector.shape_cast %swap3A_691 : vector<1x1x16xf32> to vector<16xf32>
        %swap3A_693 = vector.shape_cast %get3A_684 : vector<16xf32> to vector<1x1x16xf32>
        tpu.vector_store %arg10[%swap3A_688, %swap3A_689, %swap3A_690], %swap3A_693 {strides = array<i32>} : memref<2x80x512xf32, #tpu.memory_space<vmem>>, vector<1x1x16xf32>,
        %get3A_694 = arith.index_cast %scan3A_292 : i32 to index
        %get3A_695 = arith.constant 496 : index
        %get3A_696 = tpu.vector_load %arg9[%get3A_694, %get3A_695] {strides = array<i32>} : memref<8x512xf32, #tpu.memory_space<vmem>>, vector<1x16xf32>,
        %get3A_697 = vector.shape_cast %get3A_696 : vector<1x16xf32> to vector<16xf32>
        %add3A_698 = arith.constant 1 : i32
        %add3A_699 = arith.addi %add3A_698, %scan3A_292 : i32
        %swap3A_700 = arith.constant 0 : i32
        %swap3A_701 = arith.index_cast %swap3A_700 : i32 to index
        %swap3A_702 = arith.index_cast %add3A_699 : i32 to index
        %swap3A_703 = arith.constant 496 : index
        %swap3A_704 = tpu.vector_load %arg10[%swap3A_701, %swap3A_702, %swap3A_703] {strides = array<i32>} : memref<2x80x512xf32, #tpu.memory_space<vmem>>, vector<1x1x16xf32>,
        %swap3A_705 = vector.shape_cast %swap3A_704 : vector<1x1x16xf32> to vector<16xf32>
        %swap3A_706 = vector.shape_cast %get3A_697 : vector<16xf32> to vector<1x1x16xf32>
        tpu.vector_store %arg10[%swap3A_701, %swap3A_702, %swap3A_703], %swap3A_706 {strides = array<i32>} : memref<2x80x512xf32, #tpu.memory_space<vmem>>, vector<1x1x16xf32>,
      }
      %scan3A_273 = arith.constant 8 : i32
      %add3A_274 = arith.addi %mul3A_2, %add3A_223 : i32
      %dma_start3A_275 = arith.constant 0 : i32
      %dma_start3A_276 = arith.constant 0 : i32
      %dma_start3A_277 = arith.constant 0 : i32
      %dma_start3A_278 = tpu.memref_slice %arg10[%dma_start3A_275, %dma_start3A_276, %dma_start3A_277] : memref<2x80x512xf32, #tpu.memory_space<vmem>> -> memref<1x77x512xf32, #tpu.memory_space<vmem>>
      %dma_start3A_279 = tpu.memref_squeeze %dma_start3A_278 : memref<1x77x512xf32, #tpu.memory_space<vmem>> -> memref<77x512xf32, #tpu.memory_space<vmem>>
      %dma_start3A_280 = arith.constant 0 : i32
      %dma_start3A_281 = arith.constant 0 : i32
      %dma_start3A_282 = tpu.memref_slice %arg6[%add3A_274, %dma_start3A_280, %dma_start3A_281] : memref<4096x77x512xf32, #tpu.memory_space<hbm>> -> memref<1x77x512xf32, #tpu.memory_space<hbm>>
      %dma_start3A_283 = tpu.memref_squeeze %dma_start3A_282 : memref<1x77x512xf32, #tpu.memory_space<hbm>> -> memref<77x512xf32, #tpu.memory_space<hbm>>
      %dma_start3A_284 = arith.constant 0 : i32
      %dma_start3A_285 = arith.constant 0 : i32
      %dma_start3A_286 = tpu.memref_slice %arg6[%add3A_274, %dma_start3A_284, %dma_start3A_285] : memref<4096x77x512xf32, #tpu.memory_space<hbm>> -> memref<1x77x512xf32, #tpu.memory_space<hbm>>
      %dma_start3A_287 = tpu.memref_squeeze %dma_start3A_286 : memref<1x77x512xf32, #tpu.memory_space<hbm>> -> memref<77x512xf32, #tpu.memory_space<hbm>>
      %dma_start3A_288 = arith.constant 0 : i32
      %dma_start3A_289 = arith.constant 0 : i32
      %dma_start3A_290 = tpu.memref_slice %arg10[%dma_start3A_275, %dma_start3A_288, %dma_start3A_289] : memref<2x80x512xf32, #tpu.memory_space<vmem>> -> memref<1x77x512xf32, #tpu.memory_space<vmem>>
      %dma_start3A_291 = tpu.memref_squeeze %dma_start3A_290 : memref<1x77x512xf32, #tpu.memory_space<vmem>> -> memref<77x512xf32, #tpu.memory_space<vmem>>
      tpu.enqueue_dma source(%dma_start3A_291 : memref<77x512xf32, #tpu.memory_space<vmem>>) target(%dma_start3A_287 : memref<77x512xf32, #tpu.memory_space<hbm>>) target_semaphore(%arg13 : memref<!tpu.dma_semaphore, #tpu.memory_space<semaphore_mem>>)
    }
    %scan3A_72 = arith.constant 63 : i32
    %add3A_73 = arith.constant 126 : i32
    %add3A_74 = arith.addi %mul3A_2, %add3A_73 : i32
    %dma_wait3A_75 = arith.constant 0 : i32
    %dma_wait3A_76 = arith.constant 0 : i32
    %dma_wait3A_77 = arith.constant 0 : i32
    %dma_wait3A_78 = tpu.memref_slice %arg10[%dma_wait3A_75, %dma_wait3A_76, %dma_wait3A_77] : memref<2x80x512xf32, #tpu.memory_space<vmem>> -> memref<1x77x512xf32, #tpu.memory_space<vmem>>
    %dma_wait3A_79 = tpu.memref_squeeze %dma_wait3A_78 : memref<1x77x512xf32, #tpu.memory_space<vmem>> -> memref<77x512xf32, #tpu.memory_space<vmem>>
    %dma_wait3A_80 = arith.constant 0 : i32
    %dma_wait3A_81 = arith.constant 0 : i32
    %dma_wait3A_82 = tpu.memref_slice %arg6[%add3A_74, %dma_wait3A_80, %dma_wait3A_81] : memref<4096x77x512xf32, #tpu.memory_space<hbm>> -> memref<1x77x512xf32, #tpu.memory_space<hbm>>
    %dma_wait3A_83 = tpu.memref_squeeze %dma_wait3A_82 : memref<1x77x512xf32, #tpu.memory_space<hbm>> -> memref<77x512xf32, #tpu.memory_space<hbm>>
    %dma_wait3A_84 = arith.constant 0 : i32
    %dma_wait3A_85 = arith.constant 0 : i32
    %dma_wait3A_86 = tpu.memref_slice %arg6[%add3A_74, %dma_wait3A_84, %dma_wait3A_85] : memref<4096x77x512xf32, #tpu.memory_space<hbm>> -> memref<1x77x512xf32, #tpu.memory_space<hbm>>
    %dma_wait3A_87 = tpu.memref_squeeze %dma_wait3A_86 : memref<1x77x512xf32, #tpu.memory_space<hbm>> -> memref<77x512xf32, #tpu.memory_space<hbm>>
    %dma_wait3A_88 = arith.constant 0 : i32
    %dma_wait3A_89 = arith.constant 0 : i32
    %dma_wait3A_90 = tpu.memref_slice %arg10[%dma_wait3A_75, %dma_wait3A_88, %dma_wait3A_89] : memref<2x80x512xf32, #tpu.memory_space<vmem>> -> memref<1x77x512xf32, #tpu.memory_space<vmem>>
    %dma_wait3A_91 = tpu.memref_squeeze %dma_wait3A_90 : memref<1x77x512xf32, #tpu.memory_space<vmem>> -> memref<77x512xf32, #tpu.memory_space<vmem>>
    tpu.wait_dma2 semaphore(%arg13 : memref<!tpu.dma_semaphore, #tpu.memory_space<semaphore_mem>>) src(%dma_wait3A_91 : memref<77x512xf32, #tpu.memory_space<vmem>>) dst(%dma_wait3A_87 : memref<77x512xf32, #tpu.memory_space<hbm>>)
    %dma_wait3A_92 = arith.constant 127 : i32
    %dma_wait3A_93 = arith.constant 1 : i32
    %dma_wait3A_94 = arith.constant 0 : i32
    %dma_wait3A_95 = arith.constant 0 : i32
    %dma_wait3A_96 = tpu.memref_slice %arg10[%dma_wait3A_93, %dma_wait3A_94, %dma_wait3A_95] : memref<2x80x512xf32, #tpu.memory_space<vmem>> -> memref<1x80x512xf32, #tpu.memory_space<vmem>>
    %dma_wait3A_97 = tpu.memref_squeeze %dma_wait3A_96 : memref<1x80x512xf32, #tpu.memory_space<vmem>> -> memref<80x512xf32, #tpu.memory_space<vmem>>
    %dma_wait3A_98 = arith.constant 0 : i32
    %dma_wait3A_99 = tpu.memref_slice %arg8[%dma_wait3A_92, %dma_wait3A_98] : memref<128x80xi32, #tpu.memory_space<vmem>> -> memref<1x80xi32, #tpu.memory_space<vmem>>
    %dma_wait3A_100 = tpu.memref_squeeze %dma_wait3A_99 : memref<1x80xi32, #tpu.memory_space<vmem>> -> memref<80xi32, #tpu.memory_space<vmem>>
    %dma_wait3A_101 = arith.constant 0 : i32
    %dma_wait3A_102 = arith.constant 0 : i32
    %dma_wait3A_103 = tpu.memref_slice %arg3[%dma_wait3A_101, %dma_wait3A_102] : memref<49408x512xf32, #tpu.memory_space<hbm>> -> memref<49408x512xf32, #tpu.memory_space<hbm>>
    tpu.wait_indirect_dma semaphore(%arg12 : memref<!tpu.dma_semaphore, #tpu.memory_space<semaphore_mem>>) src(%dma_wait3A_103 : memref<49408x512xf32, #tpu.memory_space<hbm>>) dst(%dma_wait3A_97 : memref<80x512xf32, #tpu.memory_space<vmem>>)
    %scan3A_104 = arith.constant 0 : i32
    %scan3A_105 = arith.constant 0 : i32
    %scan3A_106 = arith.constant 8 : i32
    %scan3A_107 = arith.addi %scan3A_105, %scan3A_106 : i32
    %scan3A_108 = arith.constant 1 : i32
    scf.for %scan3A_148 = %scan3A_105 to %scan3A_107 step %scan3A_108  : i32 {
      %get3A = arith.index_cast %scan3A_148 : i32 to index
      %get3A_149 = arith.constant 0 : index
      %get3A_150 = tpu.vector_load %arg9[%get3A, %get3A_149] {strides = array<i32>} : memref<8x512xf32, #tpu.memory_space<vmem>>, vector<1x16xf32>,
      %get3A_151 = vector.shape_cast %get3A_150 : vector<1x16xf32> to vector<16xf32>
      %add3A_152 = arith.constant 1 : i32
      %add3A_153 = arith.addi %add3A_152, %scan3A_148 : i32
      %swap3A = arith.constant 1 : i32
      %swap3A_154 = arith.index_cast %swap3A : i32 to index
      %swap3A_155 = arith.index_cast %add3A_153 : i32 to index
      %swap3A_156 = arith.constant 0 : index
      %swap3A_157 = tpu.vector_load %arg10[%swap3A_154, %swap3A_155, %swap3A_156] {strides = array<i32>} : memref<2x80x512xf32, #tpu.memory_space<vmem>>, vector<1x1x16xf32>,
      %swap3A_158 = vector.shape_cast %swap3A_157 : vector<1x1x16xf32> to vector<16xf32>
      %swap3A_159 = vector.shape_cast %get3A_151 : vector<16xf32> to vector<1x1x16xf32>
      tpu.vector_store %arg10[%swap3A_154, %swap3A_155, %swap3A_156], %swap3A_159 {strides = array<i32>} : memref<2x80x512xf32, #tpu.memory_space<vmem>>, vector<1x1x16xf32>,
      %get3A_160 = arith.index_cast %scan3A_148 : i32 to index
      %get3A_161 = arith.constant 16 : index
      %get3A_162 = tpu.vector_load %arg9[%get3A_160, %get3A_161] {strides = array<i32>} : memref<8x512xf32, #tpu.memory_space<vmem>>, vector<1x16xf32>,
      %get3A_163 = vector.shape_cast %get3A_162 : vector<1x16xf32> to vector<16xf32>
      %add3A_164 = arith.constant 1 : i32
      %add3A_165 = arith.addi %add3A_164, %scan3A_148 : i32
      %swap3A_166 = arith.constant 1 : i32
      %swap3A_167 = arith.index_cast %swap3A_166 : i32 to index
      %swap3A_168 = arith.index_cast %add3A_165 : i32 to index
      %swap3A_169 = arith.constant 16 : index
      %swap3A_170 = tpu.vector_load %arg10[%swap3A_167, %swap3A_168, %swap3A_169] {strides = array<i32>} : memref<2x80x512xf32, #tpu.memory_space<vmem>>, vector<1x1x16xf32>,
      %swap3A_171 = vector.shape_cast %swap3A_170 : vector<1x1x16xf32> to vector<16xf32>
      %swap3A_172 = vector.shape_cast %get3A_163 : vector<16xf32> to vector<1x1x16xf32>
      tpu.vector_store %arg10[%swap3A_167, %swap3A_168, %swap3A_169], %swap3A_172 {strides = array<i32>} : memref<2x80x512xf32, #tpu.memory_space<vmem>>, vector<1x1x16xf32>,
      %get3A_173 = arith.index_cast %scan3A_148 : i32 to index
      %get3A_174 = arith.constant 32 : index
      %get3A_175 = tpu.vector_load %arg9[%get3A_173, %get3A_174] {strides = array<i32>} : memref<8x512xf32, #tpu.memory_space<vmem>>, vector<1x16xf32>,
      %get3A_176 = vector.shape_cast %get3A_175 : vector<1x16xf32> to vector<16xf32>
      %add3A_177 = arith.constant 1 : i32
      %add3A_178 = arith.addi %add3A_177, %scan3A_148 : i32
      %swap3A_179 = arith.constant 1 : i32
      %swap3A_180 = arith.index_cast %swap3A_179 : i32 to index
      %swap3A_181 = arith.index_cast %add3A_178 : i32 to index
      %swap3A_182 = arith.constant 32 : index
      %swap3A_183 = tpu.vector_load %arg10[%swap3A_180, %swap3A_181, %swap3A_182] {strides = array<i32>} : memref<2x80x512xf32, #tpu.memory_space<vmem>>, vector<1x1x16xf32>,
      %swap3A_184 = vector.shape_cast %swap3A_183 : vector<1x1x16xf32> to vector<16xf32>
      %swap3A_185 = vector.shape_cast %get3A_176 : vector<16xf32> to vector<1x1x16xf32>
      tpu.vector_store %arg10[%swap3A_180, %swap3A_181, %swap3A_182], %swap3A_185 {strides = array<i32>} : memref<2x80x512xf32, #tpu.memory_space<vmem>>, vector<1x1x16xf32>,
      %get3A_186 = arith.index_cast %scan3A_148 : i32 to index
      %get3A_187 = arith.constant 48 : index
      %get3A_188 = tpu.vector_load %arg9[%get3A_186, %get3A_187] {strides = array<i32>} : memref<8x512xf32, #tpu.memory_space<vmem>>, vector<1x16xf32>,
      %get3A_189 = vector.shape_cast %get3A_188 : vector<1x16xf32> to vector<16xf32>
      %add3A_190 = arith.constant 1 : i32
      %add3A_191 = arith.addi %add3A_190, %scan3A_148 : i32
      %swap3A_192 = arith.constant 1 : i32
      %swap3A_193 = arith.index_cast %swap3A_192 : i32 to index
      %swap3A_194 = arith.index_cast %add3A_191 : i32 to index
      %swap3A_195 = arith.constant 48 : index
      %swap3A_196 = tpu.vector_load %arg10[%swap3A_193, %swap3A_194, %swap3A_195] {strides = array<i32>} : memref<2x80x512xf32, #tpu.memory_space<vmem>>, vector<1x1x16xf32>,
      %swap3A_197 = vector.shape_cast %swap3A_196 : vector<1x1x16xf32> to vector<16xf32>
      %swap3A_198 = vector.shape_cast %get3A_189 : vector<16xf32> to vector<1x1x16xf32>
      tpu.vector_store %arg10[%swap3A_193, %swap3A_194, %swap3A_195], %swap3A_198 {strides = array<i32>} : memref<2x80x512xf32, #tpu.memory_space<vmem>>, vector<1x1x16xf32>,
      %get3A_199 = arith.index_cast %scan3A_148 : i32 to index
      %get3A_200 = arith.constant 64 : index
      %get3A_201 = tpu.vector_load %arg9[%get3A_199, %get3A_200] {strides = array<i32>} : memref<8x512xf32, #tpu.memory_space<vmem>>, vector<1x16xf32>,
      %get3A_202 = vector.shape_cast %get3A_201 : vector<1x16xf32> to vector<16xf32>
      %add3A_203 = arith.constant 1 : i32
      %add3A_204 = arith.addi %add3A_203, %scan3A_148 : i32
      %swap3A_205 = arith.constant 1 : i32
      %swap3A_206 = arith.index_cast %swap3A_205 : i32 to index
      %swap3A_207 = arith.index_cast %add3A_204 : i32 to index
      %swap3A_208 = arith.constant 64 : index
      %swap3A_209 = tpu.vector_load %arg10[%swap3A_206, %swap3A_207, %swap3A_208] {strides = array<i32>} : memref<2x80x512xf32, #tpu.memory_space<vmem>>, vector<1x1x16xf32>,
      %swap3A_210 = vector.shape_cast %swap3A_209 : vector<1x1x16xf32> to vector<16xf32>
      %swap3A_211 = vector.shape_cast %get3A_202 : vector<16xf32> to vector<1x1x16xf32>
      tpu.vector_store %arg10[%swap3A_206, %swap3A_207, %swap3A_208], %swap3A_211 {strides = array<i32>} : memref<2x80x512xf32, #tpu.memory_space<vmem>>, vector<1x1x16xf32>,
      %get3A_212 = arith.index_cast %scan3A_148 : i32 to index
      %get3A_213 = arith.constant 80 : index
      %get3A_214 = tpu.vector_load %arg9[%get3A_212, %get3A_213] {strides = array<i32>} : memref<8x512xf32, #tpu.memory_space<vmem>>, vector<1x16xf32>,
      %get3A_215 = vector.shape_cast %get3A_214 : vector<1x16xf32> to vector<16xf32>
      %add3A_216 = arith.constant 1 : i32
      %add3A_217 = arith.addi %add3A_216, %scan3A_148 : i32
      %swap3A_218 = arith.constant 1 : i32
      %swap3A_219 = arith.index_cast %swap3A_218 : i32 to index
      %swap3A_220 = arith.index_cast %add3A_217 : i32 to index
      %swap3A_221 = arith.constant 80 : index
      %swap3A_222 = tpu.vector_load %arg10[%swap3A_219, %swap3A_220, %swap3A_221] {strides = array<i32>} : memref<2x80x512xf32, #tpu.memory_space<vmem>>, vector<1x1x16xf32>,
      %swap3A_223 = vector.shape_cast %swap3A_222 : vector<1x1x16xf32> to vector<16xf32>
      %swap3A_224 = vector.shape_cast %get3A_215 : vector<16xf32> to vector<1x1x16xf32>
      tpu.vector_store %arg10[%swap3A_219, %swap3A_220, %swap3A_221], %swap3A_224 {strides = array<i32>} : memref<2x80x512xf32, #tpu.memory_space<vmem>>, vector<1x1x16xf32>,
      %get3A_225 = arith.index_cast %scan3A_148 : i32 to index
      %get3A_226 = arith.constant 96 : index
      %get3A_227 = tpu.vector_load %arg9[%get3A_225, %get3A_226] {strides = array<i32>} : memref<8x512xf32, #tpu.memory_space<vmem>>, vector<1x16xf32>,
      %get3A_228 = vector.shape_cast %get3A_227 : vector<1x16xf32> to vector<16xf32>
      %add3A_229 = arith.constant 1 : i32
      %add3A_230 = arith.addi %add3A_229, %scan3A_148 : i32
      %swap3A_231 = arith.constant 1 : i32
      %swap3A_232 = arith.index_cast %swap3A_231 : i32 to index
      %swap3A_233 = arith.index_cast %add3A_230 : i32 to index
      %swap3A_234 = arith.constant 96 : index
      %swap3A_235 = tpu.vector_load %arg10[%swap3A_232, %swap3A_233, %swap3A_234] {strides = array<i32>} : memref<2x80x512xf32, #tpu.memory_space<vmem>>, vector<1x1x16xf32>,
      %swap3A_236 = vector.shape_cast %swap3A_235 : vector<1x1x16xf32> to vector<16xf32>
      %swap3A_237 = vector.shape_cast %get3A_228 : vector<16xf32> to vector<1x1x16xf32>
      tpu.vector_store %arg10[%swap3A_232, %swap3A_233, %swap3A_234], %swap3A_237 {strides = array<i32>} : memref<2x80x512xf32, #tpu.memory_space<vmem>>, vector<1x1x16xf32>,
      %get3A_238 = arith.index_cast %scan3A_148 : i32 to index
      %get3A_239 = arith.constant 112 : index
      %get3A_240 = tpu.vector_load %arg9[%get3A_238, %get3A_239] {strides = array<i32>} : memref<8x512xf32, #tpu.memory_space<vmem>>, vector<1x16xf32>,
      %get3A_241 = vector.shape_cast %get3A_240 : vector<1x16xf32> to vector<16xf32>
      %add3A_242 = arith.constant 1 : i32
      %add3A_243 = arith.addi %add3A_242, %scan3A_148 : i32
      %swap3A_244 = arith.constant 1 : i32
      %swap3A_245 = arith.index_cast %swap3A_244 : i32 to index
      %swap3A_246 = arith.index_cast %add3A_243 : i32 to index
      %swap3A_247 = arith.constant 112 : index
      %swap3A_248 = tpu.vector_load %arg10[%swap3A_245, %swap3A_246, %swap3A_247] {strides = array<i32>} : memref<2x80x512xf32, #tpu.memory_space<vmem>>, vector<1x1x16xf32>,
      %swap3A_249 = vector.shape_cast %swap3A_248 : vector<1x1x16xf32> to vector<16xf32>
      %swap3A_250 = vector.shape_cast %get3A_241 : vector<16xf32> to vector<1x1x16xf32>
      tpu.vector_store %arg10[%swap3A_245, %swap3A_246, %swap3A_247], %swap3A_250 {strides = array<i32>} : memref<2x80x512xf32, #tpu.memory_space<vmem>>, vector<1x1x16xf32>,
      %get3A_251 = arith.index_cast %scan3A_148 : i32 to index
      %get3A_252 = arith.constant 128 : index
      %get3A_253 = tpu.vector_load %arg9[%get3A_251, %get3A_252] {strides = array<i32>} : memref<8x512xf32, #tpu.memory_space<vmem>>, vector<1x16xf32>,
      %get3A_254 = vector.shape_cast %get3A_253 : vector<1x16xf32> to vector<16xf32>
      %add3A_255 = arith.constant 1 : i32
      %add3A_256 = arith.addi %add3A_255, %scan3A_148 : i32
      %swap3A_257 = arith.constant 1 : i32
      %swap3A_258 = arith.index_cast %swap3A_257 : i32 to index
      %swap3A_259 = arith.index_cast %add3A_256 : i32 to index
      %swap3A_260 = arith.constant 128 : index
      %swap3A_261 = tpu.vector_load %arg10[%swap3A_258, %swap3A_259, %swap3A_260] {strides = array<i32>} : memref<2x80x512xf32, #tpu.memory_space<vmem>>, vector<1x1x16xf32>,
      %swap3A_262 = vector.shape_cast %swap3A_261 : vector<1x1x16xf32> to vector<16xf32>
      %swap3A_263 = vector.shape_cast %get3A_254 : vector<16xf32> to vector<1x1x16xf32>
      tpu.vector_store %arg10[%swap3A_258, %swap3A_259, %swap3A_260], %swap3A_263 {strides = array<i32>} : memref<2x80x512xf32, #tpu.memory_space<vmem>>, vector<1x1x16xf32>,
      %get3A_264 = arith.index_cast %scan3A_148 : i32 to index
      %get3A_265 = arith.constant 144 : index
      %get3A_266 = tpu.vector_load %arg9[%get3A_264, %get3A_265] {strides = array<i32>} : memref<8x512xf32, #tpu.memory_space<vmem>>, vector<1x16xf32>,
      %get3A_267 = vector.shape_cast %get3A_266 : vector<1x16xf32> to vector<16xf32>
      %add3A_268 = arith.constant 1 : i32
      %add3A_269 = arith.addi %add3A_268, %scan3A_148 : i32
      %swap3A_270 = arith.constant 1 : i32
      %swap3A_271 = arith.index_cast %swap3A_270 : i32 to index
      %swap3A_272 = arith.index_cast %add3A_269 : i32 to index
      %swap3A_273 = arith.constant 144 : index
      %swap3A_274 = tpu.vector_load %arg10[%swap3A_271, %swap3A_272, %swap3A_273] {strides = array<i32>} : memref<2x80x512xf32, #tpu.memory_space<vmem>>, vector<1x1x16xf32>,
      %swap3A_275 = vector.shape_cast %swap3A_274 : vector<1x1x16xf32> to vector<16xf32>
      %swap3A_276 = vector.shape_cast %get3A_267 : vector<16xf32> to vector<1x1x16xf32>
      tpu.vector_store %arg10[%swap3A_271, %swap3A_272, %swap3A_273], %swap3A_276 {strides = array<i32>} : memref<2x80x512xf32, #tpu.memory_space<vmem>>, vector<1x1x16xf32>,
      %get3A_277 = arith.index_cast %scan3A_148 : i32 to index
      %get3A_278 = arith.constant 160 : index
      %get3A_279 = tpu.vector_load %arg9[%get3A_277, %get3A_278] {strides = array<i32>} : memref<8x512xf32, #tpu.memory_space<vmem>>, vector<1x16xf32>,
      %get3A_280 = vector.shape_cast %get3A_279 : vector<1x16xf32> to vector<16xf32>
      %add3A_281 = arith.constant 1 : i32
      %add3A_282 = arith.addi %add3A_281, %scan3A_148 : i32
      %swap3A_283 = arith.constant 1 : i32
      %swap3A_284 = arith.index_cast %swap3A_283 : i32 to index
      %swap3A_285 = arith.index_cast %add3A_282 : i32 to index
      %swap3A_286 = arith.constant 160 : index
      %swap3A_287 = tpu.vector_load %arg10[%swap3A_284, %swap3A_285, %swap3A_286] {strides = array<i32>} : memref<2x80x512xf32, #tpu.memory_space<vmem>>, vector<1x1x16xf32>,
      %swap3A_288 = vector.shape_cast %swap3A_287 : vector<1x1x16xf32> to vector<16xf32>
      %swap3A_289 = vector.shape_cast %get3A_280 : vector<16xf32> to vector<1x1x16xf32>
      tpu.vector_store %arg10[%swap3A_284, %swap3A_285, %swap3A_286], %swap3A_289 {strides = array<i32>} : memref<2x80x512xf32, #tpu.memory_space<vmem>>, vector<1x1x16xf32>,
      %get3A_290 = arith.index_cast %scan3A_148 : i32 to index
      %get3A_291 = arith.constant 176 : index
      %get3A_292 = tpu.vector_load %arg9[%get3A_290, %get3A_291] {strides = array<i32>} : memref<8x512xf32, #tpu.memory_space<vmem>>, vector<1x16xf32>,
      %get3A_293 = vector.shape_cast %get3A_292 : vector<1x16xf32> to vector<16xf32>
      %add3A_294 = arith.constant 1 : i32
      %add3A_295 = arith.addi %add3A_294, %scan3A_148 : i32
      %swap3A_296 = arith.constant 1 : i32
      %swap3A_297 = arith.index_cast %swap3A_296 : i32 to index
      %swap3A_298 = arith.index_cast %add3A_295 : i32 to index
      %swap3A_299 = arith.constant 176 : index
      %swap3A_300 = tpu.vector_load %arg10[%swap3A_297, %swap3A_298, %swap3A_299] {strides = array<i32>} : memref<2x80x512xf32, #tpu.memory_space<vmem>>, vector<1x1x16xf32>,
      %swap3A_301 = vector.shape_cast %swap3A_300 : vector<1x1x16xf32> to vector<16xf32>
      %swap3A_302 = vector.shape_cast %get3A_293 : vector<16xf32> to vector<1x1x16xf32>
      tpu.vector_store %arg10[%swap3A_297, %swap3A_298, %swap3A_299], %swap3A_302 {strides = array<i32>} : memref<2x80x512xf32, #tpu.memory_space<vmem>>, vector<1x1x16xf32>,
      %get3A_303 = arith.index_cast %scan3A_148 : i32 to index
      %get3A_304 = arith.constant 192 : index
      %get3A_305 = tpu.vector_load %arg9[%get3A_303, %get3A_304] {strides = array<i32>} : memref<8x512xf32, #tpu.memory_space<vmem>>, vector<1x16xf32>,
      %get3A_306 = vector.shape_cast %get3A_305 : vector<1x16xf32> to vector<16xf32>
      %add3A_307 = arith.constant 1 : i32
      %add3A_308 = arith.addi %add3A_307, %scan3A_148 : i32
      %swap3A_309 = arith.constant 1 : i32
      %swap3A_310 = arith.index_cast %swap3A_309 : i32 to index
      %swap3A_311 = arith.index_cast %add3A_308 : i32 to index
      %swap3A_312 = arith.constant 192 : index
      %swap3A_313 = tpu.vector_load %arg10[%swap3A_310, %swap3A_311, %swap3A_312] {strides = array<i32>} : memref<2x80x512xf32, #tpu.memory_space<vmem>>, vector<1x1x16xf32>,
      %swap3A_314 = vector.shape_cast %swap3A_313 : vector<1x1x16xf32> to vector<16xf32>
      %swap3A_315 = vector.shape_cast %get3A_306 : vector<16xf32> to vector<1x1x16xf32>
      tpu.vector_store %arg10[%swap3A_310, %swap3A_311, %swap3A_312], %swap3A_315 {strides = array<i32>} : memref<2x80x512xf32, #tpu.memory_space<vmem>>, vector<1x1x16xf32>,
      %get3A_316 = arith.index_cast %scan3A_148 : i32 to index
      %get3A_317 = arith.constant 208 : index
      %get3A_318 = tpu.vector_load %arg9[%get3A_316, %get3A_317] {strides = array<i32>} : memref<8x512xf32, #tpu.memory_space<vmem>>, vector<1x16xf32>,
      %get3A_319 = vector.shape_cast %get3A_318 : vector<1x16xf32> to vector<16xf32>
      %add3A_320 = arith.constant 1 : i32
      %add3A_321 = arith.addi %add3A_320, %scan3A_148 : i32
      %swap3A_322 = arith.constant 1 : i32
      %swap3A_323 = arith.index_cast %swap3A_322 : i32 to index
      %swap3A_324 = arith.index_cast %add3A_321 : i32 to index
      %swap3A_325 = arith.constant 208 : index
      %swap3A_326 = tpu.vector_load %arg10[%swap3A_323, %swap3A_324, %swap3A_325] {strides = array<i32>} : memref<2x80x512xf32, #tpu.memory_space<vmem>>, vector<1x1x16xf32>,
      %swap3A_327 = vector.shape_cast %swap3A_326 : vector<1x1x16xf32> to vector<16xf32>
      %swap3A_328 = vector.shape_cast %get3A_319 : vector<16xf32> to vector<1x1x16xf32>
      tpu.vector_store %arg10[%swap3A_323, %swap3A_324, %swap3A_325], %swap3A_328 {strides = array<i32>} : memref<2x80x512xf32, #tpu.memory_space<vmem>>, vector<1x1x16xf32>,
      %get3A_329 = arith.index_cast %scan3A_148 : i32 to index
      %get3A_330 = arith.constant 224 : index
      %get3A_331 = tpu.vector_load %arg9[%get3A_329, %get3A_330] {strides = array<i32>} : memref<8x512xf32, #tpu.memory_space<vmem>>, vector<1x16xf32>,
      %get3A_332 = vector.shape_cast %get3A_331 : vector<1x16xf32> to vector<16xf32>
      %add3A_333 = arith.constant 1 : i32
      %add3A_334 = arith.addi %add3A_333, %scan3A_148 : i32
      %swap3A_335 = arith.constant 1 : i32
      %swap3A_336 = arith.index_cast %swap3A_335 : i32 to index
      %swap3A_337 = arith.index_cast %add3A_334 : i32 to index
      %swap3A_338 = arith.constant 224 : index
      %swap3A_339 = tpu.vector_load %arg10[%swap3A_336, %swap3A_337, %swap3A_338] {strides = array<i32>} : memref<2x80x512xf32, #tpu.memory_space<vmem>>, vector<1x1x16xf32>,
      %swap3A_340 = vector.shape_cast %swap3A_339 : vector<1x1x16xf32> to vector<16xf32>
      %swap3A_341 = vector.shape_cast %get3A_332 : vector<16xf32> to vector<1x1x16xf32>
      tpu.vector_store %arg10[%swap3A_336, %swap3A_337, %swap3A_338], %swap3A_341 {strides = array<i32>} : memref<2x80x512xf32, #tpu.memory_space<vmem>>, vector<1x1x16xf32>,
      %get3A_342 = arith.index_cast %scan3A_148 : i32 to index
      %get3A_343 = arith.constant 240 : index
      %get3A_344 = tpu.vector_load %arg9[%get3A_342, %get3A_343] {strides = array<i32>} : memref<8x512xf32, #tpu.memory_space<vmem>>, vector<1x16xf32>,
      %get3A_345 = vector.shape_cast %get3A_344 : vector<1x16xf32> to vector<16xf32>
      %add3A_346 = arith.constant 1 : i32
      %add3A_347 = arith.addi %add3A_346, %scan3A_148 : i32
      %swap3A_348 = arith.constant 1 : i32
      %swap3A_349 = arith.index_cast %swap3A_348 : i32 to index
      %swap3A_350 = arith.index_cast %add3A_347 : i32 to index
      %swap3A_351 = arith.constant 240 : index
      %swap3A_352 = tpu.vector_load %arg10[%swap3A_349, %swap3A_350, %swap3A_351] {strides = array<i32>} : memref<2x80x512xf32, #tpu.memory_space<vmem>>, vector<1x1x16xf32>,
      %swap3A_353 = vector.shape_cast %swap3A_352 : vector<1x1x16xf32> to vector<16xf32>
      %swap3A_354 = vector.shape_cast %get3A_345 : vector<16xf32> to vector<1x1x16xf32>
      tpu.vector_store %arg10[%swap3A_349, %swap3A_350, %swap3A_351], %swap3A_354 {strides = array<i32>} : memref<2x80x512xf32, #tpu.memory_space<vmem>>, vector<1x1x16xf32>,
      %get3A_355 = arith.index_cast %scan3A_148 : i32 to index
      %get3A_356 = arith.constant 256 : index
      %get3A_357 = tpu.vector_load %arg9[%get3A_355, %get3A_356] {strides = array<i32>} : memref<8x512xf32, #tpu.memory_space<vmem>>, vector<1x16xf32>,
      %get3A_358 = vector.shape_cast %get3A_357 : vector<1x16xf32> to vector<16xf32>
      %add3A_359 = arith.constant 1 : i32
      %add3A_360 = arith.addi %add3A_359, %scan3A_148 : i32
      %swap3A_361 = arith.constant 1 : i32
      %swap3A_362 = arith.index_cast %swap3A_361 : i32 to index
      %swap3A_363 = arith.index_cast %add3A_360 : i32 to index
      %swap3A_364 = arith.constant 256 : index
      %swap3A_365 = tpu.vector_load %arg10[%swap3A_362, %swap3A_363, %swap3A_364] {strides = array<i32>} : memref<2x80x512xf32, #tpu.memory_space<vmem>>, vector<1x1x16xf32>,
      %swap3A_366 = vector.shape_cast %swap3A_365 : vector<1x1x16xf32> to vector<16xf32>
      %swap3A_367 = vector.shape_cast %get3A_358 : vector<16xf32> to vector<1x1x16xf32>
      tpu.vector_store %arg10[%swap3A_362, %swap3A_363, %swap3A_364], %swap3A_367 {strides = array<i32>} : memref<2x80x512xf32, #tpu.memory_space<vmem>>, vector<1x1x16xf32>,
      %get3A_368 = arith.index_cast %scan3A_148 : i32 to index
      %get3A_369 = arith.constant 272 : index
      %get3A_370 = tpu.vector_load %arg9[%get3A_368, %get3A_369] {strides = array<i32>} : memref<8x512xf32, #tpu.memory_space<vmem>>, vector<1x16xf32>,
      %get3A_371 = vector.shape_cast %get3A_370 : vector<1x16xf32> to vector<16xf32>
      %add3A_372 = arith.constant 1 : i32
      %add3A_373 = arith.addi %add3A_372, %scan3A_148 : i32
      %swap3A_374 = arith.constant 1 : i32
      %swap3A_375 = arith.index_cast %swap3A_374 : i32 to index
      %swap3A_376 = arith.index_cast %add3A_373 : i32 to index
      %swap3A_377 = arith.constant 272 : index
      %swap3A_378 = tpu.vector_load %arg10[%swap3A_375, %swap3A_376, %swap3A_377] {strides = array<i32>} : memref<2x80x512xf32, #tpu.memory_space<vmem>>, vector<1x1x16xf32>,
      %swap3A_379 = vector.shape_cast %swap3A_378 : vector<1x1x16xf32> to vector<16xf32>
      %swap3A_380 = vector.shape_cast %get3A_371 : vector<16xf32> to vector<1x1x16xf32>
      tpu.vector_store %arg10[%swap3A_375, %swap3A_376, %swap3A_377], %swap3A_380 {strides = array<i32>} : memref<2x80x512xf32, #tpu.memory_space<vmem>>, vector<1x1x16xf32>,
      %get3A_381 = arith.index_cast %scan3A_148 : i32 to index
      %get3A_382 = arith.constant 288 : index
      %get3A_383 = tpu.vector_load %arg9[%get3A_381, %get3A_382] {strides = array<i32>} : memref<8x512xf32, #tpu.memory_space<vmem>>, vector<1x16xf32>,
      %get3A_384 = vector.shape_cast %get3A_383 : vector<1x16xf32> to vector<16xf32>
      %add3A_385 = arith.constant 1 : i32
      %add3A_386 = arith.addi %add3A_385, %scan3A_148 : i32
      %swap3A_387 = arith.constant 1 : i32
      %swap3A_388 = arith.index_cast %swap3A_387 : i32 to index
      %swap3A_389 = arith.index_cast %add3A_386 : i32 to index
      %swap3A_390 = arith.constant 288 : index
      %swap3A_391 = tpu.vector_load %arg10[%swap3A_388, %swap3A_389, %swap3A_390] {strides = array<i32>} : memref<2x80x512xf32, #tpu.memory_space<vmem>>, vector<1x1x16xf32>,
      %swap3A_392 = vector.shape_cast %swap3A_391 : vector<1x1x16xf32> to vector<16xf32>
      %swap3A_393 = vector.shape_cast %get3A_384 : vector<16xf32> to vector<1x1x16xf32>
      tpu.vector_store %arg10[%swap3A_388, %swap3A_389, %swap3A_390], %swap3A_393 {strides = array<i32>} : memref<2x80x512xf32, #tpu.memory_space<vmem>>, vector<1x1x16xf32>,
      %get3A_394 = arith.index_cast %scan3A_148 : i32 to index
      %get3A_395 = arith.constant 304 : index
      %get3A_396 = tpu.vector_load %arg9[%get3A_394, %get3A_395] {strides = array<i32>} : memref<8x512xf32, #tpu.memory_space<vmem>>, vector<1x16xf32>,
      %get3A_397 = vector.shape_cast %get3A_396 : vector<1x16xf32> to vector<16xf32>
      %add3A_398 = arith.constant 1 : i32
      %add3A_399 = arith.addi %add3A_398, %scan3A_148 : i32
      %swap3A_400 = arith.constant 1 : i32
      %swap3A_401 = arith.index_cast %swap3A_400 : i32 to index
      %swap3A_402 = arith.index_cast %add3A_399 : i32 to index
      %swap3A_403 = arith.constant 304 : index
      %swap3A_404 = tpu.vector_load %arg10[%swap3A_401, %swap3A_402, %swap3A_403] {strides = array<i32>} : memref<2x80x512xf32, #tpu.memory_space<vmem>>, vector<1x1x16xf32>,
      %swap3A_405 = vector.shape_cast %swap3A_404 : vector<1x1x16xf32> to vector<16xf32>
      %swap3A_406 = vector.shape_cast %get3A_397 : vector<16xf32> to vector<1x1x16xf32>
      tpu.vector_store %arg10[%swap3A_401, %swap3A_402, %swap3A_403], %swap3A_406 {strides = array<i32>} : memref<2x80x512xf32, #tpu.memory_space<vmem>>, vector<1x1x16xf32>,
      %get3A_407 = arith.index_cast %scan3A_148 : i32 to index
      %get3A_408 = arith.constant 320 : index
      %get3A_409 = tpu.vector_load %arg9[%get3A_407, %get3A_408] {strides = array<i32>} : memref<8x512xf32, #tpu.memory_space<vmem>>, vector<1x16xf32>,
      %get3A_410 = vector.shape_cast %get3A_409 : vector<1x16xf32> to vector<16xf32>
      %add3A_411 = arith.constant 1 : i32
      %add3A_412 = arith.addi %add3A_411, %scan3A_148 : i32
      %swap3A_413 = arith.constant 1 : i32
      %swap3A_414 = arith.index_cast %swap3A_413 : i32 to index
      %swap3A_415 = arith.index_cast %add3A_412 : i32 to index
      %swap3A_416 = arith.constant 320 : index
      %swap3A_417 = tpu.vector_load %arg10[%swap3A_414, %swap3A_415, %swap3A_416] {strides = array<i32>} : memref<2x80x512xf32, #tpu.memory_space<vmem>>, vector<1x1x16xf32>,
      %swap3A_418 = vector.shape_cast %swap3A_417 : vector<1x1x16xf32> to vector<16xf32>
      %swap3A_419 = vector.shape_cast %get3A_410 : vector<16xf32> to vector<1x1x16xf32>
      tpu.vector_store %arg10[%swap3A_414, %swap3A_415, %swap3A_416], %swap3A_419 {strides = array<i32>} : memref<2x80x512xf32, #tpu.memory_space<vmem>>, vector<1x1x16xf32>,
      %get3A_420 = arith.index_cast %scan3A_148 : i32 to index
      %get3A_421 = arith.constant 336 : index
      %get3A_422 = tpu.vector_load %arg9[%get3A_420, %get3A_421] {strides = array<i32>} : memref<8x512xf32, #tpu.memory_space<vmem>>, vector<1x16xf32>,
      %get3A_423 = vector.shape_cast %get3A_422 : vector<1x16xf32> to vector<16xf32>
      %add3A_424 = arith.constant 1 : i32
      %add3A_425 = arith.addi %add3A_424, %scan3A_148 : i32
      %swap3A_426 = arith.constant 1 : i32
      %swap3A_427 = arith.index_cast %swap3A_426 : i32 to index
      %swap3A_428 = arith.index_cast %add3A_425 : i32 to index
      %swap3A_429 = arith.constant 336 : index
      %swap3A_430 = tpu.vector_load %arg10[%swap3A_427, %swap3A_428, %swap3A_429] {strides = array<i32>} : memref<2x80x512xf32, #tpu.memory_space<vmem>>, vector<1x1x16xf32>,
      %swap3A_431 = vector.shape_cast %swap3A_430 : vector<1x1x16xf32> to vector<16xf32>
      %swap3A_432 = vector.shape_cast %get3A_423 : vector<16xf32> to vector<1x1x16xf32>
      tpu.vector_store %arg10[%swap3A_427, %swap3A_428, %swap3A_429], %swap3A_432 {strides = array<i32>} : memref<2x80x512xf32, #tpu.memory_space<vmem>>, vector<1x1x16xf32>,
      %get3A_433 = arith.index_cast %scan3A_148 : i32 to index
      %get3A_434 = arith.constant 352 : index
      %get3A_435 = tpu.vector_load %arg9[%get3A_433, %get3A_434] {strides = array<i32>} : memref<8x512xf32, #tpu.memory_space<vmem>>, vector<1x16xf32>,
      %get3A_436 = vector.shape_cast %get3A_435 : vector<1x16xf32> to vector<16xf32>
      %add3A_437 = arith.constant 1 : i32
      %add3A_438 = arith.addi %add3A_437, %scan3A_148 : i32
      %swap3A_439 = arith.constant 1 : i32
      %swap3A_440 = arith.index_cast %swap3A_439 : i32 to index
      %swap3A_441 = arith.index_cast %add3A_438 : i32 to index
      %swap3A_442 = arith.constant 352 : index
      %swap3A_443 = tpu.vector_load %arg10[%swap3A_440, %swap3A_441, %swap3A_442] {strides = array<i32>} : memref<2x80x512xf32, #tpu.memory_space<vmem>>, vector<1x1x16xf32>,
      %swap3A_444 = vector.shape_cast %swap3A_443 : vector<1x1x16xf32> to vector<16xf32>
      %swap3A_445 = vector.shape_cast %get3A_436 : vector<16xf32> to vector<1x1x16xf32>
      tpu.vector_store %arg10[%swap3A_440, %swap3A_441, %swap3A_442], %swap3A_445 {strides = array<i32>} : memref<2x80x512xf32, #tpu.memory_space<vmem>>, vector<1x1x16xf32>,
      %get3A_446 = arith.index_cast %scan3A_148 : i32 to index
      %get3A_447 = arith.constant 368 : index
      %get3A_448 = tpu.vector_load %arg9[%get3A_446, %get3A_447] {strides = array<i32>} : memref<8x512xf32, #tpu.memory_space<vmem>>, vector<1x16xf32>,
      %get3A_449 = vector.shape_cast %get3A_448 : vector<1x16xf32> to vector<16xf32>
      %add3A_450 = arith.constant 1 : i32
      %add3A_451 = arith.addi %add3A_450, %scan3A_148 : i32
      %swap3A_452 = arith.constant 1 : i32
      %swap3A_453 = arith.index_cast %swap3A_452 : i32 to index
      %swap3A_454 = arith.index_cast %add3A_451 : i32 to index
      %swap3A_455 = arith.constant 368 : index
      %swap3A_456 = tpu.vector_load %arg10[%swap3A_453, %swap3A_454, %swap3A_455] {strides = array<i32>} : memref<2x80x512xf32, #tpu.memory_space<vmem>>, vector<1x1x16xf32>,
      %swap3A_457 = vector.shape_cast %swap3A_456 : vector<1x1x16xf32> to vector<16xf32>
      %swap3A_458 = vector.shape_cast %get3A_449 : vector<16xf32> to vector<1x1x16xf32>
      tpu.vector_store %arg10[%swap3A_453, %swap3A_454, %swap3A_455], %swap3A_458 {strides = array<i32>} : memref<2x80x512xf32, #tpu.memory_space<vmem>>, vector<1x1x16xf32>,
      %get3A_459 = arith.index_cast %scan3A_148 : i32 to index
      %get3A_460 = arith.constant 384 : index
      %get3A_461 = tpu.vector_load %arg9[%get3A_459, %get3A_460] {strides = array<i32>} : memref<8x512xf32, #tpu.memory_space<vmem>>, vector<1x16xf32>,
      %get3A_462 = vector.shape_cast %get3A_461 : vector<1x16xf32> to vector<16xf32>
      %add3A_463 = arith.constant 1 : i32
      %add3A_464 = arith.addi %add3A_463, %scan3A_148 : i32
      %swap3A_465 = arith.constant 1 : i32
      %swap3A_466 = arith.index_cast %swap3A_465 : i32 to index
      %swap3A_467 = arith.index_cast %add3A_464 : i32 to index
      %swap3A_468 = arith.constant 384 : index
      %swap3A_469 = tpu.vector_load %arg10[%swap3A_466, %swap3A_467, %swap3A_468] {strides = array<i32>} : memref<2x80x512xf32, #tpu.memory_space<vmem>>, vector<1x1x16xf32>,
      %swap3A_470 = vector.shape_cast %swap3A_469 : vector<1x1x16xf32> to vector<16xf32>
      %swap3A_471 = vector.shape_cast %get3A_462 : vector<16xf32> to vector<1x1x16xf32>
      tpu.vector_store %arg10[%swap3A_466, %swap3A_467, %swap3A_468], %swap3A_471 {strides = array<i32>} : memref<2x80x512xf32, #tpu.memory_space<vmem>>, vector<1x1x16xf32>,
      %get3A_472 = arith.index_cast %scan3A_148 : i32 to index
      %get3A_473 = arith.constant 400 : index
      %get3A_474 = tpu.vector_load %arg9[%get3A_472, %get3A_473] {strides = array<i32>} : memref<8x512xf32, #tpu.memory_space<vmem>>, vector<1x16xf32>,
      %get3A_475 = vector.shape_cast %get3A_474 : vector<1x16xf32> to vector<16xf32>
      %add3A_476 = arith.constant 1 : i32
      %add3A_477 = arith.addi %add3A_476, %scan3A_148 : i32
      %swap3A_478 = arith.constant 1 : i32
      %swap3A_479 = arith.index_cast %swap3A_478 : i32 to index
      %swap3A_480 = arith.index_cast %add3A_477 : i32 to index
      %swap3A_481 = arith.constant 400 : index
      %swap3A_482 = tpu.vector_load %arg10[%swap3A_479, %swap3A_480, %swap3A_481] {strides = array<i32>} : memref<2x80x512xf32, #tpu.memory_space<vmem>>, vector<1x1x16xf32>,
      %swap3A_483 = vector.shape_cast %swap3A_482 : vector<1x1x16xf32> to vector<16xf32>
      %swap3A_484 = vector.shape_cast %get3A_475 : vector<16xf32> to vector<1x1x16xf32>
      tpu.vector_store %arg10[%swap3A_479, %swap3A_480, %swap3A_481], %swap3A_484 {strides = array<i32>} : memref<2x80x512xf32, #tpu.memory_space<vmem>>, vector<1x1x16xf32>,
      %get3A_485 = arith.index_cast %scan3A_148 : i32 to index
      %get3A_486 = arith.constant 416 : index
      %get3A_487 = tpu.vector_load %arg9[%get3A_485, %get3A_486] {strides = array<i32>} : memref<8x512xf32, #tpu.memory_space<vmem>>, vector<1x16xf32>,
      %get3A_488 = vector.shape_cast %get3A_487 : vector<1x16xf32> to vector<16xf32>
      %add3A_489 = arith.constant 1 : i32
      %add3A_490 = arith.addi %add3A_489, %scan3A_148 : i32
      %swap3A_491 = arith.constant 1 : i32
      %swap3A_492 = arith.index_cast %swap3A_491 : i32 to index
      %swap3A_493 = arith.index_cast %add3A_490 : i32 to index
      %swap3A_494 = arith.constant 416 : index
      %swap3A_495 = tpu.vector_load %arg10[%swap3A_492, %swap3A_493, %swap3A_494] {strides = array<i32>} : memref<2x80x512xf32, #tpu.memory_space<vmem>>, vector<1x1x16xf32>,
      %swap3A_496 = vector.shape_cast %swap3A_495 : vector<1x1x16xf32> to vector<16xf32>
      %swap3A_497 = vector.shape_cast %get3A_488 : vector<16xf32> to vector<1x1x16xf32>
      tpu.vector_store %arg10[%swap3A_492, %swap3A_493, %swap3A_494], %swap3A_497 {strides = array<i32>} : memref<2x80x512xf32, #tpu.memory_space<vmem>>, vector<1x1x16xf32>,
      %get3A_498 = arith.index_cast %scan3A_148 : i32 to index
      %get3A_499 = arith.constant 432 : index
      %get3A_500 = tpu.vector_load %arg9[%get3A_498, %get3A_499] {strides = array<i32>} : memref<8x512xf32, #tpu.memory_space<vmem>>, vector<1x16xf32>,
      %get3A_501 = vector.shape_cast %get3A_500 : vector<1x16xf32> to vector<16xf32>
      %add3A_502 = arith.constant 1 : i32
      %add3A_503 = arith.addi %add3A_502, %scan3A_148 : i32
      %swap3A_504 = arith.constant 1 : i32
      %swap3A_505 = arith.index_cast %swap3A_504 : i32 to index
      %swap3A_506 = arith.index_cast %add3A_503 : i32 to index
      %swap3A_507 = arith.constant 432 : index
      %swap3A_508 = tpu.vector_load %arg10[%swap3A_505, %swap3A_506, %swap3A_507] {strides = array<i32>} : memref<2x80x512xf32, #tpu.memory_space<vmem>>, vector<1x1x16xf32>,
      %swap3A_509 = vector.shape_cast %swap3A_508 : vector<1x1x16xf32> to vector<16xf32>
      %swap3A_510 = vector.shape_cast %get3A_501 : vector<16xf32> to vector<1x1x16xf32>
      tpu.vector_store %arg10[%swap3A_505, %swap3A_506, %swap3A_507], %swap3A_510 {strides = array<i32>} : memref<2x80x512xf32, #tpu.memory_space<vmem>>, vector<1x1x16xf32>,
      %get3A_511 = arith.index_cast %scan3A_148 : i32 to index
      %get3A_512 = arith.constant 448 : index
      %get3A_513 = tpu.vector_load %arg9[%get3A_511, %get3A_512] {strides = array<i32>} : memref<8x512xf32, #tpu.memory_space<vmem>>, vector<1x16xf32>,
      %get3A_514 = vector.shape_cast %get3A_513 : vector<1x16xf32> to vector<16xf32>
      %add3A_515 = arith.constant 1 : i32
      %add3A_516 = arith.addi %add3A_515, %scan3A_148 : i32
      %swap3A_517 = arith.constant 1 : i32
      %swap3A_518 = arith.index_cast %swap3A_517 : i32 to index
      %swap3A_519 = arith.index_cast %add3A_516 : i32 to index
      %swap3A_520 = arith.constant 448 : index
      %swap3A_521 = tpu.vector_load %arg10[%swap3A_518, %swap3A_519, %swap3A_520] {strides = array<i32>} : memref<2x80x512xf32, #tpu.memory_space<vmem>>, vector<1x1x16xf32>,
      %swap3A_522 = vector.shape_cast %swap3A_521 : vector<1x1x16xf32> to vector<16xf32>
      %swap3A_523 = vector.shape_cast %get3A_514 : vector<16xf32> to vector<1x1x16xf32>
      tpu.vector_store %arg10[%swap3A_518, %swap3A_519, %swap3A_520], %swap3A_523 {strides = array<i32>} : memref<2x80x512xf32, #tpu.memory_space<vmem>>, vector<1x1x16xf32>,
      %get3A_524 = arith.index_cast %scan3A_148 : i32 to index
      %get3A_525 = arith.constant 464 : index
      %get3A_526 = tpu.vector_load %arg9[%get3A_524, %get3A_525] {strides = array<i32>} : memref<8x512xf32, #tpu.memory_space<vmem>>, vector<1x16xf32>,
      %get3A_527 = vector.shape_cast %get3A_526 : vector<1x16xf32> to vector<16xf32>
      %add3A_528 = arith.constant 1 : i32
      %add3A_529 = arith.addi %add3A_528, %scan3A_148 : i32
      %swap3A_530 = arith.constant 1 : i32
      %swap3A_531 = arith.index_cast %swap3A_530 : i32 to index
      %swap3A_532 = arith.index_cast %add3A_529 : i32 to index
      %swap3A_533 = arith.constant 464 : index
      %swap3A_534 = tpu.vector_load %arg10[%swap3A_531, %swap3A_532, %swap3A_533] {strides = array<i32>} : memref<2x80x512xf32, #tpu.memory_space<vmem>>, vector<1x1x16xf32>,
      %swap3A_535 = vector.shape_cast %swap3A_534 : vector<1x1x16xf32> to vector<16xf32>
      %swap3A_536 = vector.shape_cast %get3A_527 : vector<16xf32> to vector<1x1x16xf32>
      tpu.vector_store %arg10[%swap3A_531, %swap3A_532, %swap3A_533], %swap3A_536 {strides = array<i32>} : memref<2x80x512xf32, #tpu.memory_space<vmem>>, vector<1x1x16xf32>,
      %get3A_537 = arith.index_cast %scan3A_148 : i32 to index
      %get3A_538 = arith.constant 480 : index
      %get3A_539 = tpu.vector_load %arg9[%get3A_537, %get3A_538] {strides = array<i32>} : memref<8x512xf32, #tpu.memory_space<vmem>>, vector<1x16xf32>,
      %get3A_540 = vector.shape_cast %get3A_539 : vector<1x16xf32> to vector<16xf32>
      %add3A_541 = arith.constant 1 : i32
      %add3A_542 = arith.addi %add3A_541, %scan3A_148 : i32
      %swap3A_543 = arith.constant 1 : i32
      %swap3A_544 = arith.index_cast %swap3A_543 : i32 to index
      %swap3A_545 = arith.index_cast %add3A_542 : i32 to index
      %swap3A_546 = arith.constant 480 : index
      %swap3A_547 = tpu.vector_load %arg10[%swap3A_544, %swap3A_545, %swap3A_546] {strides = array<i32>} : memref<2x80x512xf32, #tpu.memory_space<vmem>>, vector<1x1x16xf32>,
      %swap3A_548 = vector.shape_cast %swap3A_547 : vector<1x1x16xf32> to vector<16xf32>
      %swap3A_549 = vector.shape_cast %get3A_540 : vector<16xf32> to vector<1x1x16xf32>
      tpu.vector_store %arg10[%swap3A_544, %swap3A_545, %swap3A_546], %swap3A_549 {strides = array<i32>} : memref<2x80x512xf32, #tpu.memory_space<vmem>>, vector<1x1x16xf32>,
      %get3A_550 = arith.index_cast %scan3A_148 : i32 to index
      %get3A_551 = arith.constant 496 : index
      %get3A_552 = tpu.vector_load %arg9[%get3A_550, %get3A_551] {strides = array<i32>} : memref<8x512xf32, #tpu.memory_space<vmem>>, vector<1x16xf32>,
      %get3A_553 = vector.shape_cast %get3A_552 : vector<1x16xf32> to vector<16xf32>
      %add3A_554 = arith.constant 1 : i32
      %add3A_555 = arith.addi %add3A_554, %scan3A_148 : i32
      %swap3A_556 = arith.constant 1 : i32
      %swap3A_557 = arith.index_cast %swap3A_556 : i32 to index
      %swap3A_558 = arith.index_cast %add3A_555 : i32 to index
      %swap3A_559 = arith.constant 496 : index
      %swap3A_560 = tpu.vector_load %arg10[%swap3A_557, %swap3A_558, %swap3A_559] {strides = array<i32>} : memref<2x80x512xf32, #tpu.memory_space<vmem>>, vector<1x1x16xf32>,
      %swap3A_561 = vector.shape_cast %swap3A_560 : vector<1x1x16xf32> to vector<16xf32>
      %swap3A_562 = vector.shape_cast %get3A_553 : vector<16xf32> to vector<1x1x16xf32>
      tpu.vector_store %arg10[%swap3A_557, %swap3A_558, %swap3A_559], %swap3A_562 {strides = array<i32>} : memref<2x80x512xf32, #tpu.memory_space<vmem>>, vector<1x1x16xf32>,
    }
    %scan3A_109 = arith.constant 8 : i32
    %add3A_110 = arith.constant 127 : i32
    %add3A_111 = arith.addi %mul3A_2, %add3A_110 : i32
    %dma_start3A_112 = arith.constant 1 : i32
    %dma_start3A_113 = arith.constant 0 : i32
    %dma_start3A_114 = arith.constant 0 : i32
    %dma_start3A_115 = tpu.memref_slice %arg10[%dma_start3A_112, %dma_start3A_113, %dma_start3A_114] : memref<2x80x512xf32, #tpu.memory_space<vmem>> -> memref<1x77x512xf32, #tpu.memory_space<vmem>>
    %dma_start3A_116 = tpu.memref_squeeze %dma_start3A_115 : memref<1x77x512xf32, #tpu.memory_space<vmem>> -> memref<77x512xf32, #tpu.memory_space<vmem>>
    %dma_start3A_117 = arith.constant 0 : i32
    %dma_start3A_118 = arith.constant 0 : i32
    %dma_start3A_119 = tpu.memref_slice %arg6[%add3A_111, %dma_start3A_117, %dma_start3A_118] : memref<4096x77x512xf32, #tpu.memory_space<hbm>> -> memref<1x77x512xf32, #tpu.memory_space<hbm>>
    %dma_start3A_120 = tpu.memref_squeeze %dma_start3A_119 : memref<1x77x512xf32, #tpu.memory_space<hbm>> -> memref<77x512xf32, #tpu.memory_space<hbm>>
    %dma_start3A_121 = arith.constant 0 : i32
    %dma_start3A_122 = arith.constant 0 : i32
    %dma_start3A_123 = tpu.memref_slice %arg6[%add3A_111, %dma_start3A_121, %dma_start3A_122] : memref<4096x77x512xf32, #tpu.memory_space<hbm>> -> memref<1x77x512xf32, #tpu.memory_space<hbm>>
    %dma_start3A_124 = tpu.memref_squeeze %dma_start3A_123 : memref<1x77x512xf32, #tpu.memory_space<hbm>> -> memref<77x512xf32, #tpu.memory_space<hbm>>
    %dma_start3A_125 = arith.constant 0 : i32
    %dma_start3A_126 = arith.constant 0 : i32
    %dma_start3A_127 = tpu.memref_slice %arg10[%dma_start3A_112, %dma_start3A_125, %dma_start3A_126] : memref<2x80x512xf32, #tpu.memory_space<vmem>> -> memref<1x77x512xf32, #tpu.memory_space<vmem>>
    %dma_start3A_128 = tpu.memref_squeeze %dma_start3A_127 : memref<1x77x512xf32, #tpu.memory_space<vmem>> -> memref<77x512xf32, #tpu.memory_space<vmem>>
    tpu.enqueue_dma source(%dma_start3A_128 : memref<77x512xf32, #tpu.memory_space<vmem>>) target(%dma_start3A_124 : memref<77x512xf32, #tpu.memory_space<hbm>>) target_semaphore(%arg14 : memref<!tpu.dma_semaphore, #tpu.memory_space<semaphore_mem>>)
    %add3A_129 = arith.constant 127 : i32
    %add3A_130 = arith.addi %mul3A_2, %add3A_129 : i32
    %dma_wait3A_131 = arith.constant 1 : i32
    %dma_wait3A_132 = arith.constant 0 : i32
    %dma_wait3A_133 = arith.constant 0 : i32
    %dma_wait3A_134 = tpu.memref_slice %arg10[%dma_wait3A_131, %dma_wait3A_132, %dma_wait3A_133] : memref<2x80x512xf32, #tpu.memory_space<vmem>> -> memref<1x77x512xf32, #tpu.memory_space<vmem>>
    %dma_wait3A_135 = tpu.memref_squeeze %dma_wait3A_134 : memref<1x77x512xf32, #tpu.memory_space<vmem>> -> memref<77x512xf32, #tpu.memory_space<vmem>>
    %dma_wait3A_136 = arith.constant 0 : i32
    %dma_wait3A_137 = arith.constant 0 : i32
    %dma_wait3A_138 = tpu.memref_slice %arg6[%add3A_130, %dma_wait3A_136, %dma_wait3A_137] : memref<4096x77x512xf32, #tpu.memory_space<hbm>> -> memref<1x77x512xf32, #tpu.memory_space<hbm>>
    %dma_wait3A_139 = tpu.memref_squeeze %dma_wait3A_138 : memref<1x77x512xf32, #tpu.memory_space<hbm>> -> memref<77x512xf32, #tpu.memory_space<hbm>>
    %dma_wait3A_140 = arith.constant 0 : i32
    %dma_wait3A_141 = arith.constant 0 : i32
    %dma_wait3A_142 = tpu.memref_slice %arg6[%add3A_130, %dma_wait3A_140, %dma_wait3A_141] : memref<4096x77x512xf32, #tpu.memory_space<hbm>> -> memref<1x77x512xf32, #tpu.memory_space<hbm>>
    %dma_wait3A_143 = tpu.memref_squeeze %dma_wait3A_142 : memref<1x77x512xf32, #tpu.memory_space<hbm>> -> memref<77x512xf32, #tpu.memory_space<hbm>>
    %dma_wait3A_144 = arith.constant 0 : i32
    %dma_wait3A_145 = arith.constant 0 : i32
    %dma_wait3A_146 = tpu.memref_slice %arg10[%dma_wait3A_131, %dma_wait3A_144, %dma_wait3A_145] : memref<2x80x512xf32, #tpu.memory_space<vmem>> -> memref<1x77x512xf32, #tpu.memory_space<vmem>>
    %dma_wait3A_147 = tpu.memref_squeeze %dma_wait3A_146 : memref<1x77x512xf32, #tpu.memory_space<vmem>> -> memref<77x512xf32, #tpu.memory_space<vmem>>
    tpu.wait_dma2 semaphore(%arg14 : memref<!tpu.dma_semaphore, #tpu.memory_space<semaphore_mem>>) src(%dma_wait3A_147 : memref<77x512xf32, #tpu.memory_space<vmem>>) dst(%dma_wait3A_143 : memref<77x512xf32, #tpu.memory_space<hbm>>)
    return
  }
}

</mosaic_0001>

<sc_bundles>
// kernel: kernel.3.cloned.1.call-start
scs
__scs_entry_jumppad:
0x0: {  	(pc) =	sbr.rel $0x88, $3  }
0x1: {  	(tag) =	ssettag $0x0;
	lr =	simm.s32 $0x1  }
0x2: {  	[smem:$0x3F9D] =	sst lr;
	_ =	strace $0xD0000000  }
0x3: {  	_ = 	snop  }
0x4: {  	_ = 	snop  }
0x5: {  	_ = 	snop  }
0x6: {  	_ = 	snop  }
0x7: {  	_ = 	snop  }
__scs_overlays_trampoline_lowered:
0x8: {  	[smem:$0x3FAC] =	sst s0  }
0x9: {  	[smem:$0x3FAD] =	sst s1  }
0xa: {  	[smem:$0x3FAE] =	sst s2  }
0xb: {  	[smem:$0x3FAF] =	sst s3  }
0xc: {  	[smem:$0x3FB0] =	sst s4  }
0xd: {  	[smem:$0x3FB1] =	sst s5  }
0xe: {  	[smem:$0x3FB2] =	sst s6  }
0xf: {  	[smem:$0x3FB3] =	sst s7  }
0x10: {  	[smem:$0x3FB4] =	sst s8  }
0x11: {  	[smem:$0x3FB5] =	sst s9;
	s0 =	simm.s32 @!p0 $0x0  }
0x12: {  	s1 =	sld [smem:$0x3F9B];
	s0 =	simm.s32 @p0 $0x1  }
0x13: {  	[smem:$0x3FB6] =	sst s0;
	s0 =	simm.s32 @!p1 $0x0  }
0x14: {  	s2 =	sld [smem:$0x3F9A];
	s0 =	simm.s32 @p1 $0x1  }
0x15: {  	[smem:$0x3FB7] =	sst s0;
	s0 =	simm.s32 @!p2 $0x0  }
0x16: {  	s3 =	sld [smem:$0x3FDB];
	s0 =	simm.s32 @p2 $0x1  }
0x17: {  	s4 =	simm.s32 $0x1BF5;
	[smem:$0x3FB9] =	sst s0  }
0x18: {  	s0 =	sld [smem:$0x3F9C];
	_ =	swait.ge [sflag:s4], $0x0  }
0x19: {  	s7 =	sld [smem:$0x3F9D]  }
0x1a: {  	s8 =	sadd.s32 $0xFFFFE003, lr  }
0x1b: {  	s9 =	sadd.s32 $0xFFFFFEF7, lr;
	s5 =	simm.s32 $0xFFFFFFFF;
	p2 =	slt.u32 s8, $0xFFFFF086  }
0x1c: {  	p1 =	slt.u32 s9, $0xF7A;
	s5 =	simm.s32 @!p2 $0x0  }
0x1d: {  	s5 =	simm.s32 @p1 $0x1;
	p0 =	seq.s32 s7, s2  }
0x1e: {  	s7 =	smul.u32 @!p0 $0xF7A, s2;
	p2 =	seq.s32 @!p0 s5, $0x0  }
0x1f: {  	s9 =	smul.u32 $0xF7A, s1;
	s8 =	simm.s32 @!p0 $0x1BF5;
	p2 =	por !p2, p0  }
0x20: {  	[sflag:s8] =	ssyncset.s32 @!p0 $0xFFFFF086;
	s6 =	sadd.s32 @!p0 s3, s7;
	s7 =	simm.s32 @!p0 $0x108  }
0x21: {  	s3 =	sadd.s32 s3, s9;
	s6 =	sadd.s32 @!p0 $0x88, s6;
	s7 =	simm.s32 @p2 $0x1082  }
0x22: {  	[simem:s7], [sflag:s8] =	dma.local @!p0 [hbm:s6], $0xF7A  }
0x23: {  	s9 =	sor.u32 $0xD0000000, s2;
	s6 =	simm.s32 $0x108;
	_ =	swait.ge @!p0 [sflag:s8], $0x0  }
0x24: {  	s3 =	sadd.s32 $0x88, s3;
	s6 =	simm.s32 @!p1 $0x1082;
	[sflag:s4] =	ssyncset.s32 $0xFFFFF086  }
0x25: {  	[simem:s6], [sflag:s4] =	dma.local [hbm:s3], $0xF7A  }
0x26: {  	[smem:$0x3F9D] =	sst s1;
	(tag) =	ssettag s2;
	_ =	strace s9  }
0x27: {  	s1 =	sld [smem:$0x3FAD]  }
0x28: {  	s2 =	sld [smem:$0x3FAE]  }
0x29: {  	s4 =	sld [smem:$0x3FB0]  }
0x2a: {  	p0 =	seq.s32 s5, $0x0;
	s5 =	sld [smem:$0x3FB1]  }
0x2b: {  	s6 =	sld [smem:$0x3FB2]  }
0x2c: {  	s7 =	sld [smem:$0x3FB3]  }
0x2d: {  	s3 =	simm.s32 $0x108;
	s8 =	sld [smem:$0x3FB4]  }
0x2e: {  	s3 =	simm.s32 @!p0 $0x1082;
	s9 =	sld [smem:$0x3FB5]  }
0x2f: {  	lr =	sadd.s32 s0, s3;
	s0 =	sld [smem:$0x3FAC]  }
0x30: {  	s3 =	sld [smem:$0x3FAF]  }
0x31: {  	[smem:$0x3FB8] =	sst s10  }
0x32: {  	s10 =	sld [smem:$0x3FB6];
	_ =	sdelay $0x3  }
0x33: {  	p0 =	seq.s32 s10, $0x1;
	s10 =	sld [smem:$0x3FB8];
	_ =	sdelay $0x3  }
0x34: {  	[smem:$0x3FB8] =	sst s10  }
0x35: {  	s10 =	sld [smem:$0x3FB7];
	_ =	sdelay $0x3  }
0x36: {  	p1 =	seq.s32 s10, $0x1;
	s10 =	sld [smem:$0x3FB8];
	_ =	sdelay $0x3  }
0x37: {  	[smem:$0x3FB8] =	sst s10  }
0x38: {  	s10 =	sld [smem:$0x3FB9]  }
0x39: {  	_ = 	snop;
	(pc) =	sbr.ind lr, $3  }
0x3a: {  	_ = 	snop  }
0x3b: {  	_ = 	snop  }
0x3c: {  	p2 =	seq.s32 s10, $0x1;
	s10 =	sld [smem:$0x3FB8]  }
0x3d: {  	_ =	shalt  }
0x3e: {  	_ =	shalt  }
0x3f: {  	_ =	shalt  }
0x40: {  	_ =	shalt  }
0x41: {  	_ =	shalt  }
0x42: {  	_ =	shalt  }
0x43: {  	_ =	shalt  }
0x44: {  	_ =	shalt  }
0x45: {  	_ =	shalt  }
0x46: {  	_ =	shalt  }
0x47: {  	_ =	shalt  }
0x48: {  	_ =	shalt  }
0x49: {  	_ =	shalt  }
0x4a: {  	_ =	shalt  }
0x4b: {  	_ =	shalt  }
0x4c: {  	_ =	shalt  }
0x4d: {  	_ =	shalt  }
0x4e: {  	_ =	shalt  }
0x4f: {  	_ =	shalt  }
0x50: {  	_ =	shalt  }
0x51: {  	_ =	shalt  }
0x52: {  	_ =	shalt  }
0x53: {  	_ =	shalt  }
0x54: {  	_ =	shalt  }
0x55: {  	_ =	shalt  }
0x56: {  	_ =	shalt  }
0x57: {  	_ =	shalt  }
0x58: {  	_ =	shalt  }
0x59: {  	_ =	shalt  }
0x5a: {  	_ =	shalt  }
0x5b: {  	_ =	shalt  }
0x5c: {  	_ =	shalt  }
0x5d: {  	_ =	shalt  }
0x5e: {  	_ =	shalt  }
0x5f: {  	_ =	shalt  }
0x60: {  	_ =	shalt  }
0x61: {  	_ =	shalt  }
0x62: {  	_ =	shalt  }
0x63: {  	_ =	shalt  }
0x64: {  	_ =	shalt  }
0x65: {  	_ =	shalt  }
0x66: {  	_ =	shalt  }
0x67: {  	_ =	shalt  }
0x68: {  	_ =	shalt  }
0x69: {  	_ =	shalt  }
0x6a: {  	_ =	shalt  }
0x6b: {  	_ =	shalt  }
0x6c: {  	_ =	shalt  }
0x6d: {  	_ =	shalt  }
0x6e: {  	_ =	shalt  }
0x6f: {  	_ =	shalt  }
0x70: {  	_ =	shalt  }
0x71: {  	_ =	shalt  }
0x72: {  	_ =	shalt  }
0x73: {  	_ =	shalt  }
0x74: {  	_ =	shalt  }
0x75: {  	_ =	shalt  }
0x76: {  	_ =	shalt  }
0x77: {  	_ =	shalt  }
0x78: {  	_ =	shalt  }
0x79: {  	_ =	shalt  }
0x7a: {  	_ =	shalt  }
0x7b: {  	_ =	shalt  }
0x7c: {  	_ =	shalt  }
0x7d: {  	_ =	shalt  }
0x7e: {  	_ =	shalt  }
0x7f: {  	_ =	shalt  }
0x80: {  	_ =	shalt  }
0x81: {  	_ =	shalt  }
0x82: {  	_ =	shalt  }
0x83: {  	_ =	shalt  }
0x84: {  	_ =	shalt  }
0x85: {  	_ =	shalt  }
0x86: {  	_ =	shalt  }
0x87: {  	_ =	shalt  }
.Lfunc_end0:
.L_simem_size_0:
called_computation.2_lowered:
.L_overlay_start_0:
0x88: {  	s2 =	sld [smem:$0x3FD9]  }
0x89: {  	s3 =	sld [smem:$0x3FFE];
	_ =	sdelay $0x1  }
0x8a: {  	s1 =	srdreg.scid  }
0x8b: {  	s0 =	sand.u32 $0x1, s1  }
0x8c: {  	s17 =	sshll.u32 s0, $0xA;
	s2 =	sadd.s32 s3, s2  }
0x8d: {  	s2 =	sadd.s32 s2, s17  }
0x8e: {  	[smem:$0x3FC4] =	sst s2  }
0x8f: {  	_ = 	snop  }
0x90: {  	s2 =	sld [smem:$0x3FC9]  }
0x91: {  	s18 =	sld [smem:$0x3FD0];
	(tm) =	ssettm $0x1  }
0x92: {  	s4 =	sld [smem:$0x3FFB];
	_ =	sdelay $0x3  }
0x93: {  	_ =	strace s4  }
0x94: {  	s4 =	sld [smem:$0x3FFC];
	_ =	sdelay $0x3  }
0x95: {  	_ =	strace s4  }
0x96: {  	s4 =	sld [smem:$0x3FFD];
	_ =	sdelay $0x3  }
0x97: {  	_ =	strace s4  }
0x98: {  	_ =	strace $0x8FFFFFFF  }
0x99: {  	s19 =	sld [smem:$0x3FDB];
	_ =	sdelay $0x1  }
0x9a: {  	s5 =	simm.s32 $_scs_section_size  }
0x9b: {  	s6 =	simm.s32 $_size__tile_overlayer_lowered;
	s7 =	simm.s32 $_tile_overlayer_lowered  }
0x9c: {  	s22 =	simm.s32 $0x1BFF;
	s21 =	sshll.u32 s7, $0x1;
	s4 =	sadd.s32 s5, s19  }
0x9d: {  	s8 =	simm.s32 $0x0;
	s20 =	sshll.u32 s6, $0x1;
	s6 =	sadd.s32 s21, s4  }
0x9e: {  	[timem:s8], [sflag:s22] =	dma.local [hbm:s6], s20  }
0x9f: {  	_ =	swait.ge [sflag:s22], s20  }
0xa0: {  	s5 =	ssub.s32 $0x0, s20;
	[sflag:s22] =	ssyncset.done $0x0  }
0xa1: {  	[sflag:s22] =	ssyncadd.s32 s5;
	_ =	sdelay $0x1  }
0xa2: {  	s23 =	simm.s32 $0x1B8B  }
0xa3: {  	_ =	swait.ge [sflag:s23], $0x1  }
0xa4: {  	[sflag:s23] =	ssyncset.done $0x0  }
0xa5: {  	s25 =	simm.s32 $0x1B8E;
	s24 =	sld [smem:$0x3FFE];
	[sflag:s23] =	ssyncadd.s32 $0xFFFFFFFF  }
0xa6: {  	s26 =	simm.s32 $execute0_lowered;
	[smem:$0x3FD2] =	sst s25  }
0xa7: {  	s6 =	sshll.u32 s26, $0x1;
	_ =	strace $0x80000049;
	[dreg:$0x1] =	wrdreg $0xFFFFFFFF  }
0xa8: {  	s28 =	simm.s32 $_size_execute0_lowered;
	s4 =	sadd.s32 s4, s6;
	[dreg:$0x0] =	wrdreg $0x0  }
0xa9: {  	s6 =	sshll.u32 s28, $0x1;
	[dreg:$0x2] =	wrdreg s4  }
0xaa: {  	[dreg:$0x3] =	wrdreg s6  }
0xab: {  	[dreg:$0x4] =	wrdreg $0xC0  }
0xac: {  	_ =	task [dreg:s8], $0x5FFFF  }
0xad: {  	[dreg:$0x1] =	wrdreg $0xFFFFFFFF  }
0xae: {  	[dreg:$0x0] =	wrdreg $0x60  }
0xaf: {  	[dreg:$0x2] =	wrdreg s2  }
0xb0: {  	[dreg:$0x3] =	wrdreg s24  }
0xb1: {  	[dreg:$0x4] =	wrdreg s18  }
0xb2: {  	[dreg:$0x5] =	wrdreg $0x9  }
0xb3: {  	_ =	task.clear_ibuf [dreg:s8], $0x6FFFF;
	_ =	strace $0x90000049  }
0xb4: {  	s29 =	simm.s32 $0x9;
	_ =	strace $0x8000004B  }
0xb5: {  	_ =	swait.ge [sflag:s29], $0x1  }
0xb6: {  	[sflag:s29] =	ssyncadd.s32 $0xFFFFFFFF  }
0xb7: {  	_ =	strace $0x9000004B  }
0xb8: {  	_ =	sfence  }
0xb9: {  	s30 =	sld [smem:$0x0];
	_ =	sdelay $0x2  }
0xba: {  	s31 =	sshll.u32 s1, $0xD;
	s1 =	sshrl.u32 s1, $0x2  }
0xbb: {  	s3 =	sand.u32 $0x4000, s31;
	s1 =	sadd.s32 s1, s30  }
0xbc: {  	s0 =	sor.u32 s3, s0;
	s1 =	sshll.u32 s1, $0x11  }
0xbd: {  	s0 =	sor.u32 s1, s0  }
0xbe: {  	s0 =	sadd.s32 $0x8F2B, s0  }
0xbf: {  	[sflag:s0] =	ssyncadd.remote.s32 $0x1  }
0xc0: {  	_ =	sfence.sel $0xFFFF  }
0xc1: {  	[dreg:$0x0] =	wrdreg $0xFFFFFFFF;
	(pc) =	sbr.abs _section_cstart, $3  }
0xc2: {  	[dreg:$0x1] =	wrdreg $0xFFFFFFFF  }
0xc3: {  	_ =	task.clear_ibuf [dreg:s8], $0x2FFFF;
	_ =	strace $0x9FFFFFFF  }
0xc4: {  	(tm) =	ssettm $0x7FFFFFFF  }
0xc5: {  	_ =	shalt  }
tec
execute0_lowered:
.L_overlay_start_1:
0x0: {  	(tag) =	ssettag $0x1  }
0x1: {  	s8 =	rddreg [dreg:$0x0]  }
0x2: {  	s7 =	rddreg [dreg:$0x1]  }
0x3: {  	s2 =	rddreg [dreg:$0x2]  }
0x4: {  	s0 =	rddreg [dreg:$0x3]  }
0x5: {  	s4 =	srdreg.scid;
	s3 =	simm.s32 $0x0;
	s1 =	stileid.u32  }
0x6: {  	s14 =	simm.s32 $0x80;
	s15 =	simm.s32 $0x1;
	s16 =	simm.s32 $0x50  }
0x7: {  	s17 =	simm.s32 $0x3880;
	s18 =	simm.s32 $0xD0;
	s19 =	simm.s32 $0xD880  }
0x8: {  	s20 =	simm.s32 $0x3;
	s21 =	simm.s32 $0x2;
	s22 =	simm.s32 $0x4  }
0x9: {  	s23 =	simm.s32 $0x0;
	s6 =	sand.u32 $0x1, s4;
	[smem:$0x7FF] =	sst s3  }
0xa: {  	s31 =	sshll.u32 s1, $0x8;
	s5 =	sshll.u32 s6, $0x7;
	_ =	strace $0x8000004A  }
0xb: {  	s9 =	ssub.s32 $0x2, s6;
	s6 =	sadd.s32 $0x305000, s7;
	s4 =	sor.u32 s5, s31  }
0xc: {  	s5 =	sadd.s32 $0xE00, s7;
	s7 =	sadd.s32 $0x304E00, s7;
	s10 =	smul.u32 $0x9A00, s4  }
0xd: {  	s11 =	sshrl.u32 s9, $0x1;
	s12 =	sshrl.u32 s4, $0x3;
	s13 =	smul.u32 $0x1340, s4  }
0xe: {  	s11 =	ssub.s32 s9, s11;
	s8 =	sadd.s32 s8, s12;
	s10 =	sshrl.u32 s10, $0x3  }
0xf: {  	s11 =	smax.u32 s11, $0x1;
	s12 =	simm.s32 $0x5;
	s10 =	sadd.s32 s2, s10  }
0x10: {  	s9 =	sadd.s32 s2, s13;
	s13 =	simm.s32 $0x2880;
	s10 =	sadd.s32 $0x98CC0, s10  }
.LBB2_1:
0x11: {  	[tilespmem:s3], [sflag:$0x5] =	stream.linear.gather [hbm4b:s8+s3], $0x80, $0x38;
	[tilespmem:$0x17880] =	vst v63  }
0x12: {  	_ =	swait.ge [sflag:s12], $0x80  }
0x13: {  	[sflag:s12] =	ssyncset.done $0x0  }
0x14: {  	[sflag:s12] =	ssyncadd.s32 $0xFFFFFF80  }
0x15: {  	[tilespmem:s13], [sflag:$0x5] =	stream.linear.gather [hbm4b:s7+s3], $0x1000, $0x38;
	[tilespmem:$0x17880] =	vst v63  }
0x16: {  	_ =	swait.ge [sflag:s12], $0x1000  }
0x17: {  	[sflag:s12] =	ssyncset.done $0x0  }
0x18: {  	[sflag:s12] =	ssyncadd.s32 $0xFFFFF000  }
0x19: {  	[tilespmem:s14], [sflag:$0x1] =	stream.indirect.gather [hbm4b:s6+s14], $0x50, s3, s14, $0xb8;
	[tilespmem:$0x17880] =	vst v63  }
0x1a: {  	_ =	swait.ge [sflag:s15], $0x2800  }
0x1b: {  	[sflag:s15] =	ssyncset.done $0x0  }
0x1c: {  	[sflag:s15] =	ssyncadd.s32 $0xFFFFD800  }
0x1d: {  	[tilespmem:s17], [sflag:$0x1] =	stream.indirect.gather [hbm4b:s5+s16], $0x200, s14, s16, $0xb8;
	[tilespmem:$0x17880] =	vst v63  }
0x1e: {  	_ = 	snop  }
0x1f: {  	[tilespmem:s19], [sflag:$0x2] =	stream.indirect.gather [hbm4b:s5+s16], $0x200, s18, s16, $0xb8;
	[tilespmem:$0x17880] =	vst v63  }
0x20: {  	_ =	swait.ge [sflag:s15], $0xA000  }
0x21: {  	[sflag:s15] =	ssyncset.done $0x0  }
0x22: {  	s24 =	simm.s32 $0x0;
	[sflag:s15] =	ssyncadd.s32 $0xFFFF6000  }
0x23: {  	v0 =	vld [tilespmem:s24+$0x2A70]  }
0x24: {  	v1 =	vld [tilespmem:s24+$0x2880]  }
0x25: {  	v2 =	vld [tilespmem:s24+$0x2890]  }
0x26: {  	v3 =	vld [tilespmem:s24+$0x28A0]  }
0x27: {  	v4 =	vld [tilespmem:s24+$0x28B0]  }
0x28: {  	v5 =	vld [tilespmem:s24+$0x28C0];
	[tilespmem:s24+$0x3C70] =	vst v0  }
0x29: {  	[tilespmem:s24+$0x3A80] =	vst v1;
	v0 =	vld [tilespmem:s24+$0x28D0]  }
0x2a: {  	[tilespmem:s24+$0x3A90] =	vst v2;
	v1 =	vld [tilespmem:s24+$0x28E0]  }
0x2b: {  	[tilespmem:s24+$0x3AA0] =	vst v3;
	v2 =	vld [tilespmem:s24+$0x28F0]  }
0x2c: {  	[tilespmem:s24+$0x3AB0] =	vst v4;
	v3 =	vld [tilespmem:s24+$0x2900]  }
0x2d: {  	[tilespmem:s24+$0x3AC0] =	vst v5;
	v4 =	vld [tilespmem:s24+$0x2910]  }
0x2e: {  	v5 =	vld [tilespmem:s24+$0x2A10];
	[tilespmem:s24+$0x3AD0] =	vst v0  }
0x2f: {  	v0 =	vld [tilespmem:s24+$0x2920];
	[tilespmem:s24+$0x3AE0] =	vst v1  }
0x30: {  	v1 =	vld [tilespmem:s24+$0x2930];
	[tilespmem:s24+$0x3AF0] =	vst v2  }
0x31: {  	v2 =	vld [tilespmem:s24+$0x2940];
	[tilespmem:s24+$0x3B00] =	vst v3  }
0x32: {  	v3 =	vld [tilespmem:s24+$0x2950];
	[tilespmem:s24+$0x3B10] =	vst v4  }
0x33: {  	v4 =	vld [tilespmem:s24+$0x2960];
	[tilespmem:s24+$0x3C10] =	vst v5  }
0x34: {  	[tilespmem:s24+$0x3B20] =	vst v0;
	v0 =	vld [tilespmem:s24+$0x2970]  }
0x35: {  	[tilespmem:s24+$0x3B30] =	vst v1;
	v1 =	vld [tilespmem:s24+$0x2980]  }
0x36: {  	[tilespmem:s24+$0x3B40] =	vst v2;
	v2 =	vld [tilespmem:s24+$0x2990]  }
0x37: {  	[tilespmem:s24+$0x3B50] =	vst v3;
	v3 =	vld [tilespmem:s24+$0x29A0]  }
0x38: {  	[tilespmem:s24+$0x3B60] =	vst v4;
	v4 =	vld [tilespmem:s24+$0x29B0]  }
0x39: {  	[tilespmem:s24+$0x3B70] =	vst v0;
	v0 =	vld [tilespmem:s24+$0x29C0]  }
0x3a: {  	[tilespmem:s24+$0x3B80] =	vst v1;
	v1 =	vld [tilespmem:s24+$0x29D0]  }
0x3b: {  	[tilespmem:s24+$0x3B90] =	vst v2;
	v2 =	vld [tilespmem:s24+$0x29E0]  }
0x3c: {  	[tilespmem:s24+$0x3BA0] =	vst v3;
	v3 =	vld [tilespmem:s24+$0x29F0]  }
0x3d: {  	[tilespmem:s24+$0x3BB0] =	vst v4;
	v4 =	vld [tilespmem:s24+$0x2A00]  }
0x3e: {  	[tilespmem:s24+$0x3BC0] =	vst v0;
	v0 =	vld [tilespmem:s24+$0x2A20]  }
0x3f: {  	[tilespmem:s24+$0x3BD0] =	vst v1;
	v1 =	vld [tilespmem:s24+$0x2A30]  }
0x40: {  	[tilespmem:s24+$0x3BE0] =	vst v2;
	v2 =	vld [tilespmem:s24+$0x2A40]  }
0x41: {  	[tilespmem:s24+$0x3BF0] =	vst v3;
	v3 =	vld [tilespmem:s24+$0x2A50]  }
0x42: {  	s26 =	simm.s32 $0x200;
	s25 =	simm.s32 $0x1000;
	[tilespmem:s24+$0x3C00] =	vst v4;
	v4 =	vld [tilespmem:s24+$0x2A60]  }
.LBB2_2:
0x43: {  	p0 =	sne.s32 s25, $0x3800;
	v5 =	vld [tilespmem:s26+$0x2A70];
	[tilespmem:s24+$0x3C20] =	vst v0  }
0x44: {  	v0 =	vld [tilespmem:s26+$0x2880];
	[tilespmem:s24+$0x3C30] =	vst v1  }
0x45: {  	v1 =	vld [tilespmem:s26+$0x2890];
	[tilespmem:s24+$0x3C40] =	vst v2  }
0x46: {  	v2 =	vld [tilespmem:s26+$0x28A0];
	[tilespmem:s24+$0x3C50] =	vst v3  }
0x47: {  	v3 =	vld [tilespmem:s26+$0x28B0];
	[tilespmem:s24+$0x3C60] =	vst v4;
	s24 =	smov.u32 s26  }
0x48: {  	v4 =	vld [tilespmem:s24+$0x28C0];
	[tilespmem:s24+$0x3C70] =	vst v5  }
0x49: {  	[tilespmem:s24+$0x3A80] =	vst v0;
	v0 =	vld [tilespmem:s24+$0x28D0]  }
0x4a: {  	[tilespmem:s24+$0x3A90] =	vst v1;
	v1 =	vld [tilespmem:s24+$0x28E0]  }
0x4b: {  	[tilespmem:s24+$0x3AA0] =	vst v2;
	v2 =	vld [tilespmem:s24+$0x28F0]  }
0x4c: {  	[tilespmem:s24+$0x3AB0] =	vst v3;
	v3 =	vld [tilespmem:s24+$0x2900]  }
0x4d: {  	[tilespmem:s24+$0x3AC0] =	vst v4;
	v4 =	vld [tilespmem:s24+$0x2910]  }
0x4e: {  	[tilespmem:s24+$0x3AD0] =	vst v0;
	v0 =	vld [tilespmem:s24+$0x2920]  }
0x4f: {  	[tilespmem:s24+$0x3AE0] =	vst v1;
	v1 =	vld [tilespmem:s24+$0x2930]  }
0x50: {  	[tilespmem:s24+$0x3AF0] =	vst v2;
	v2 =	vld [tilespmem:s24+$0x2940]  }
0x51: {  	[tilespmem:s24+$0x3B00] =	vst v3;
	v3 =	vld [tilespmem:s24+$0x2950]  }
0x52: {  	[tilespmem:s24+$0x3B10] =	vst v4;
	v4 =	vld [tilespmem:s24+$0x2960]  }
0x53: {  	[tilespmem:s24+$0x3B20] =	vst v0;
	v0 =	vld [tilespmem:s24+$0x2970]  }
0x54: {  	[tilespmem:s24+$0x3B30] =	vst v1;
	v1 =	vld [tilespmem:s24+$0x2980]  }
0x55: {  	[tilespmem:s24+$0x3B40] =	vst v2;
	v2 =	vld [tilespmem:s24+$0x2990]  }
0x56: {  	[tilespmem:s24+$0x3B50] =	vst v3;
	v3 =	vld [tilespmem:s24+$0x29A0]  }
0x57: {  	[tilespmem:s24+$0x3B60] =	vst v4;
	v4 =	vld [tilespmem:s24+$0x29B0]  }
0x58: {  	[tilespmem:s24+$0x3B70] =	vst v0;
	v0 =	vld [tilespmem:s24+$0x29C0]  }
0x59: {  	[tilespmem:s24+$0x3B80] =	vst v1;
	v1 =	vld [tilespmem:s24+$0x29D0]  }
0x5a: {  	[tilespmem:s24+$0x3B90] =	vst v2;
	v2 =	vld [tilespmem:s24+$0x29E0]  }
0x5b: {  	[tilespmem:s24+$0x3BA0] =	vst v3;
	v3 =	vld [tilespmem:s24+$0x29F0]  }
0x5c: {  	[tilespmem:s24+$0x3BB0] =	vst v4;
	v4 =	vld [tilespmem:s24+$0x2A00]  }
0x5d: {  	[tilespmem:s24+$0x3BC0] =	vst v0;
	v5 =	vld [tilespmem:s24+$0x2A10]  }
.Ltmp0:
0x5e: {  	[tilespmem:s24+$0x3BD0] =	vst v1;
	v0 =	vld [tilespmem:s24+$0x2A20];
	(pc) =	sbr.rel @p0 .LBB2_2-.Ltmp0, $4  }
0x5f: {  	[tilespmem:s24+$0x3BE0] =	vst v2;
	v1 =	vld [tilespmem:s24+$0x2A30]  }
0x60: {  	[tilespmem:s24+$0x3BF0] =	vst v3;
	v2 =	vld [tilespmem:s24+$0x2A40]  }
0x61: {  	[tilespmem:s24+$0x3C00] =	vst v4;
	v3 =	vld [tilespmem:s24+$0x2A50]  }
0x62: {  	s26 =	sshra.s32 s25, $0x2;
	s25 =	sadd.s32 $0x800, s25;
	[tilespmem:s24+$0x3C10] =	vst v5;
	v4 =	vld [tilespmem:s24+$0x2A60]  }
0x63: {  	v5 =	vld [tilespmem:s26+$0x2A70];
	[tilespmem:s24+$0x3C20] =	vst v0  }
0x64: {  	v0 =	vld [tilespmem:s26+$0x2880];
	[tilespmem:s24+$0x3C30] =	vst v1  }
0x65: {  	v1 =	vld [tilespmem:s26+$0x2890];
	[tilespmem:s24+$0x3C40] =	vst v2  }
0x66: {  	v2 =	vld [tilespmem:s26+$0x28A0];
	[tilespmem:s24+$0x3C50] =	vst v3  }
0x67: {  	v3 =	vld [tilespmem:s26+$0x28B0];
	[tilespmem:s24+$0x3C60] =	vst v4  }
0x68: {  	v4 =	vld [tilespmem:s26+$0x28C0];
	[tilespmem:s26+$0x3C70] =	vst v5  }
0x69: {  	v38 =	vld [tilespmem:s26+$0x28D0];
	[tilespmem:s26+$0x3A80] =	vst v0  }
0x6a: {  	v39 =	vld [tilespmem:s26+$0x28E0];
	[tilespmem:s26+$0x3A90] =	vst v1  }
0x6b: {  	v40 =	vld [tilespmem:s26+$0x28F0];
	[tilespmem:s26+$0x3AA0] =	vst v2  }
0x6c: {  	v41 =	vld [tilespmem:s26+$0x2900];
	[tilespmem:s26+$0x3AB0] =	vst v3  }
0x6d: {  	v42 =	vld [tilespmem:s26+$0x2910];
	[tilespmem:s26+$0x3AC0] =	vst v4  }
0x6e: {  	v43 =	vld [tilespmem:s26+$0x2920];
	[tilespmem:s26+$0x3AD0] =	vst v38  }
0x6f: {  	v44 =	vld [tilespmem:s26+$0x2930];
	[tilespmem:s26+$0x3AE0] =	vst v39  }
0x70: {  	v45 =	vld [tilespmem:s26+$0x2940];
	[tilespmem:s26+$0x3AF0] =	vst v40  }
0x71: {  	v46 =	vld [tilespmem:s26+$0x2950];
	[tilespmem:s26+$0x3B00] =	vst v41  }
0x72: {  	v47 =	vld [tilespmem:s26+$0x2960];
	[tilespmem:s26+$0x3B10] =	vst v42  }
0x73: {  	v48 =	vld [tilespmem:s26+$0x2970];
	[tilespmem:s26+$0x3B20] =	vst v43  }
0x74: {  	v49 =	vld [tilespmem:s26+$0x2980];
	[tilespmem:s26+$0x3B30] =	vst v44  }
0x75: {  	v50 =	vld [tilespmem:s26+$0x2990];
	[tilespmem:s26+$0x3B40] =	vst v45  }
0x76: {  	v51 =	vld [tilespmem:s26+$0x29A0];
	[tilespmem:s26+$0x3B50] =	vst v46  }
0x77: {  	v52 =	vld [tilespmem:s26+$0x29B0];
	[tilespmem:s26+$0x3B60] =	vst v47  }
0x78: {  	v53 =	vld [tilespmem:s26+$0x29C0];
	[tilespmem:s26+$0x3B70] =	vst v48  }
0x79: {  	v54 =	vld [tilespmem:s26+$0x29D0];
	[tilespmem:s26+$0x3B80] =	vst v49  }
0x7a: {  	v55 =	vld [tilespmem:s26+$0x29E0];
	[tilespmem:s26+$0x3B90] =	vst v50  }
0x7b: {  	v56 =	vld [tilespmem:s26+$0x29F0];
	[tilespmem:s26+$0x3BA0] =	vst v51  }
0x7c: {  	v57 =	vld [tilespmem:s26+$0x2A00];
	[tilespmem:s26+$0x3BB0] =	vst v52  }
0x7d: {  	v58 =	vld [tilespmem:s26+$0x2A10];
	[tilespmem:s26+$0x3BC0] =	vst v53  }
0x7e: {  	v59 =	vld [tilespmem:s26+$0x2A20];
	[tilespmem:s26+$0x3BD0] =	vst v54  }
0x7f: {  	v60 =	vld [tilespmem:s26+$0x2A30];
	[tilespmem:s26+$0x3BE0] =	vst v55  }
0x80: {  	v61 =	vld [tilespmem:s26+$0x2A40];
	[tilespmem:s26+$0x3BF0] =	vst v56  }
0x81: {  	v62 =	vld [tilespmem:s26+$0x2A50];
	[tilespmem:s26+$0x3C00] =	vst v57  }
0x82: {  	v63 =	vld [tilespmem:s26+$0x2A60];
	[tilespmem:s26+$0x3C10] =	vst v58  }
0x83: {  	[tilespmem:s26+$0x3C20] =	vst v59  }
0x84: {  	[tilespmem:s26+$0x3C30] =	vst v60  }
0x85: {  	[tilespmem:s26+$0x3C40] =	vst v61  }
0x86: {  	[tilespmem:s26+$0x3C50] =	vst v62  }
0x87: {  	s24 =	simm.s32 $0x0;
	[tilespmem:s26+$0x3C60] =	vst v63  }
0x88: {  	[hbm4b:s9+s24] =	stream.linear.scatter [tilespmem:s17], [sflag:$0x3], $0x9A00, $0x38;
	[tilespmem:$0x17880] =	vst v63  }
.LBB2_4:
0x89: {  	s26 =	sshll.u32 s24, $0x1  }
0x8a: {  	s25 =	sadd.s32 $0x2, s26  }
0x8b: {  	s28 =	smul.u32 $0x140, s25  }
0x8c: {  	_ =	swait.ge [sflag:s20], $0x9A00  }
0x8d: {  	[sflag:s20] =	ssyncset.done $0x0;
	s28 =	sshra.s32 s28, $0x2  }
0x8e: {  	[sflag:s20] =	ssyncadd.s32 $0xFFFF6600;
	s28 =	sadd.s32 $0x80, s28  }
0x8f: {  	[tilespmem:s17], [sflag:$0x1] =	stream.indirect.gather [hbm4b:s5+s16], $0x200, s28, s16, $0xb8;
	[tilespmem:$0x17880] =	vst v63  }
0x90: {  	_ =	swait.ge [sflag:s21], $0xA000  }
0x91: {  	[sflag:s21] =	ssyncset.done $0x0  }
0x92: {  	s28 =	simm.s32 $0x0;
	[sflag:s21] =	ssyncadd.s32 $0xFFFF6000  }
0x93: {  	v0 =	vld [tilespmem:s28+$0x2A70]  }
0x94: {  	v1 =	vld [tilespmem:s28+$0x2880]  }
0x95: {  	v2 =	vld [tilespmem:s28+$0x2890]  }
0x96: {  	v3 =	vld [tilespmem:s28+$0x28A0]  }
0x97: {  	v4 =	vld [tilespmem:s28+$0x28B0]  }
0x98: {  	v5 =	vld [tilespmem:s28+$0x28C0];
	[tilespmem:s28+$0xDC70] =	vst v0  }
0x99: {  	[tilespmem:s28+$0xDA80] =	vst v1;
	v0 =	vld [tilespmem:s28+$0x28D0]  }
0x9a: {  	[tilespmem:s28+$0xDA90] =	vst v2;
	v1 =	vld [tilespmem:s28+$0x28E0]  }
0x9b: {  	[tilespmem:s28+$0xDAA0] =	vst v3;
	v2 =	vld [tilespmem:s28+$0x28F0]  }
0x9c: {  	[tilespmem:s28+$0xDAB0] =	vst v4;
	v3 =	vld [tilespmem:s28+$0x2900]  }
0x9d: {  	[tilespmem:s28+$0xDAC0] =	vst v5;
	v4 =	vld [tilespmem:s28+$0x2910]  }
0x9e: {  	v5 =	vld [tilespmem:s28+$0x2A10];
	[tilespmem:s28+$0xDAD0] =	vst v0  }
0x9f: {  	v0 =	vld [tilespmem:s28+$0x2920];
	[tilespmem:s28+$0xDAE0] =	vst v1  }
0xa0: {  	v1 =	vld [tilespmem:s28+$0x2930];
	[tilespmem:s28+$0xDAF0] =	vst v2  }
0xa1: {  	v2 =	vld [tilespmem:s28+$0x2940];
	[tilespmem:s28+$0xDB00] =	vst v3  }
0xa2: {  	v3 =	vld [tilespmem:s28+$0x2950];
	[tilespmem:s28+$0xDB10] =	vst v4  }
0xa3: {  	v4 =	vld [tilespmem:s28+$0x2960];
	[tilespmem:s28+$0xDC10] =	vst v5  }
0xa4: {  	[tilespmem:s28+$0xDB20] =	vst v0;
	v0 =	vld [tilespmem:s28+$0x2970]  }
0xa5: {  	[tilespmem:s28+$0xDB30] =	vst v1;
	v1 =	vld [tilespmem:s28+$0x2980]  }
0xa6: {  	[tilespmem:s28+$0xDB40] =	vst v2;
	v2 =	vld [tilespmem:s28+$0x2990]  }
0xa7: {  	[tilespmem:s28+$0xDB50] =	vst v3;
	v3 =	vld [tilespmem:s28+$0x29A0]  }
0xa8: {  	[tilespmem:s28+$0xDB60] =	vst v4;
	v4 =	vld [tilespmem:s28+$0x29B0]  }
0xa9: {  	[tilespmem:s28+$0xDB70] =	vst v0;
	v0 =	vld [tilespmem:s28+$0x29C0]  }
0xaa: {  	[tilespmem:s28+$0xDB80] =	vst v1;
	v1 =	vld [tilespmem:s28+$0x29D0]  }
0xab: {  	[tilespmem:s28+$0xDB90] =	vst v2;
	v2 =	vld [tilespmem:s28+$0x29E0]  }
0xac: {  	[tilespmem:s28+$0xDBA0] =	vst v3;
	v3 =	vld [tilespmem:s28+$0x29F0]  }
0xad: {  	[tilespmem:s28+$0xDBB0] =	vst v4;
	v4 =	vld [tilespmem:s28+$0x2A00]  }
0xae: {  	[tilespmem:s28+$0xDBC0] =	vst v0;
	v0 =	vld [tilespmem:s28+$0x2A20]  }
0xaf: {  	[tilespmem:s28+$0xDBD0] =	vst v1;
	v1 =	vld [tilespmem:s28+$0x2A30]  }
0xb0: {  	[tilespmem:s28+$0xDBE0] =	vst v2;
	v2 =	vld [tilespmem:s28+$0x2A40]  }
0xb1: {  	[tilespmem:s28+$0xDBF0] =	vst v3;
	v3 =	vld [tilespmem:s28+$0x2A50]  }
0xb2: {  	s30 =	simm.s32 $0x200;
	s29 =	simm.s32 $0x1000;
	[tilespmem:s28+$0xDC00] =	vst v4;
	v4 =	vld [tilespmem:s28+$0x2A60]  }
.LBB2_5:
0xb3: {  	p0 =	sne.s32 s29, $0x3800;
	v5 =	vld [tilespmem:s30+$0x2A70];
	[tilespmem:s28+$0xDC20] =	vst v0  }
0xb4: {  	v0 =	vld [tilespmem:s30+$0x2880];
	[tilespmem:s28+$0xDC30] =	vst v1  }
0xb5: {  	v1 =	vld [tilespmem:s30+$0x2890];
	[tilespmem:s28+$0xDC40] =	vst v2  }
0xb6: {  	v2 =	vld [tilespmem:s30+$0x28A0];
	[tilespmem:s28+$0xDC50] =	vst v3  }
0xb7: {  	v3 =	vld [tilespmem:s30+$0x28B0];
	[tilespmem:s28+$0xDC60] =	vst v4;
	s28 =	smov.u32 s30  }
0xb8: {  	v4 =	vld [tilespmem:s28+$0x28C0];
	[tilespmem:s28+$0xDC70] =	vst v5  }
0xb9: {  	[tilespmem:s28+$0xDA80] =	vst v0;
	v0 =	vld [tilespmem:s28+$0x28D0]  }
0xba: {  	[tilespmem:s28+$0xDA90] =	vst v1;
	v1 =	vld [tilespmem:s28+$0x28E0]  }
0xbb: {  	[tilespmem:s28+$0xDAA0] =	vst v2;
	v2 =	vld [tilespmem:s28+$0x28F0]  }
0xbc: {  	[tilespmem:s28+$0xDAB0] =	vst v3;
	v3 =	vld [tilespmem:s28+$0x2900]  }
0xbd: {  	[tilespmem:s28+$0xDAC0] =	vst v4;
	v4 =	vld [tilespmem:s28+$0x2910]  }
0xbe: {  	[tilespmem:s28+$0xDAD0] =	vst v0;
	v0 =	vld [tilespmem:s28+$0x2920]  }
0xbf: {  	[tilespmem:s28+$0xDAE0] =	vst v1;
	v1 =	vld [tilespmem:s28+$0x2930]  }
0xc0: {  	[tilespmem:s28+$0xDAF0] =	vst v2;
	v2 =	vld [tilespmem:s28+$0x2940]  }
0xc1: {  	[tilespmem:s28+$0xDB00] =	vst v3;
	v3 =	vld [tilespmem:s28+$0x2950]  }
0xc2: {  	[tilespmem:s28+$0xDB10] =	vst v4;
	v4 =	vld [tilespmem:s28+$0x2960]  }
0xc3: {  	[tilespmem:s28+$0xDB20] =	vst v0;
	v0 =	vld [tilespmem:s28+$0x2970]  }
0xc4: {  	[tilespmem:s28+$0xDB30] =	vst v1;
	v1 =	vld [tilespmem:s28+$0x2980]  }
0xc5: {  	[tilespmem:s28+$0xDB40] =	vst v2;
	v2 =	vld [tilespmem:s28+$0x2990]  }
0xc6: {  	[tilespmem:s28+$0xDB50] =	vst v3;
	v3 =	vld [tilespmem:s28+$0x29A0]  }
0xc7: {  	[tilespmem:s28+$0xDB60] =	vst v4;
	v4 =	vld [tilespmem:s28+$0x29B0]  }
0xc8: {  	[tilespmem:s28+$0xDB70] =	vst v0;
	v0 =	vld [tilespmem:s28+$0x29C0]  }
0xc9: {  	[tilespmem:s28+$0xDB80] =	vst v1;
	v1 =	vld [tilespmem:s28+$0x29D0]  }
0xca: {  	[tilespmem:s28+$0xDB90] =	vst v2;
	v2 =	vld [tilespmem:s28+$0x29E0]  }
0xcb: {  	[tilespmem:s28+$0xDBA0] =	vst v3;
	v3 =	vld [tilespmem:s28+$0x29F0]  }
0xcc: {  	[tilespmem:s28+$0xDBB0] =	vst v4;
	v4 =	vld [tilespmem:s28+$0x2A00]  }
0xcd: {  	[tilespmem:s28+$0xDBC0] =	vst v0;
	v5 =	vld [tilespmem:s28+$0x2A10]  }
.Ltmp1:
0xce: {  	[tilespmem:s28+$0xDBD0] =	vst v1;
	v0 =	vld [tilespmem:s28+$0x2A20];
	(pc) =	sbr.rel @p0 .LBB2_5-.Ltmp1, $4  }
0xcf: {  	[tilespmem:s28+$0xDBE0] =	vst v2;
	v1 =	vld [tilespmem:s28+$0x2A30]  }
0xd0: {  	[tilespmem:s28+$0xDBF0] =	vst v3;
	v2 =	vld [tilespmem:s28+$0x2A40]  }
0xd1: {  	[tilespmem:s28+$0xDC00] =	vst v4;
	v3 =	vld [tilespmem:s28+$0x2A50]  }
0xd2: {  	s30 =	sshra.s32 s29, $0x2;
	s29 =	sadd.s32 $0x800, s29;
	[tilespmem:s28+$0xDC10] =	vst v5;
	v4 =	vld [tilespmem:s28+$0x2A60]  }
0xd3: {  	v5 =	vld [tilespmem:s30+$0x2A70];
	[tilespmem:s28+$0xDC20] =	vst v0  }
0xd4: {  	v0 =	vld [tilespmem:s30+$0x2880];
	[tilespmem:s28+$0xDC30] =	vst v1  }
0xd5: {  	v1 =	vld [tilespmem:s30+$0x2890];
	[tilespmem:s28+$0xDC40] =	vst v2  }
0xd6: {  	v2 =	vld [tilespmem:s30+$0x28A0];
	[tilespmem:s28+$0xDC50] =	vst v3  }
0xd7: {  	v3 =	vld [tilespmem:s30+$0x28B0];
	[tilespmem:s28+$0xDC60] =	vst v4  }
0xd8: {  	v4 =	vld [tilespmem:s30+$0x28C0];
	[tilespmem:s30+$0xDC70] =	vst v5  }
0xd9: {  	[tilespmem:s30+$0xDA80] =	vst v0;
	v0 =	vld [tilespmem:s30+$0x28D0]  }
0xda: {  	[tilespmem:s30+$0xDA90] =	vst v1;
	v1 =	vld [tilespmem:s30+$0x28E0]  }
0xdb: {  	[tilespmem:s30+$0xDAA0] =	vst v2;
	v2 =	vld [tilespmem:s30+$0x28F0]  }
0xdc: {  	[tilespmem:s30+$0xDAB0] =	vst v3;
	v3 =	vld [tilespmem:s30+$0x2900]  }
0xdd: {  	[tilespmem:s30+$0xDAC0] =	vst v4;
	v4 =	vld [tilespmem:s30+$0x2910]  }
0xde: {  	[tilespmem:s30+$0xDAD0] =	vst v0;
	v0 =	vld [tilespmem:s30+$0x2920]  }
0xdf: {  	[tilespmem:s30+$0xDAE0] =	vst v1;
	v1 =	vld [tilespmem:s30+$0x2930]  }
0xe0: {  	[tilespmem:s30+$0xDAF0] =	vst v2;
	v2 =	vld [tilespmem:s30+$0x2940]  }
0xe1: {  	[tilespmem:s30+$0xDB00] =	vst v3;
	v3 =	vld [tilespmem:s30+$0x2950]  }
0xe2: {  	[tilespmem:s30+$0xDB10] =	vst v4;
	v4 =	vld [tilespmem:s30+$0x2960]  }
0xe3: {  	[tilespmem:s30+$0xDB20] =	vst v0;
	v0 =	vld [tilespmem:s30+$0x2970]  }
0xe4: {  	[tilespmem:s30+$0xDB30] =	vst v1;
	v1 =	vld [tilespmem:s30+$0x2980]  }
0xe5: {  	[tilespmem:s30+$0xDB40] =	vst v2;
	v2 =	vld [tilespmem:s30+$0x2990]  }
0xe6: {  	[tilespmem:s30+$0xDB50] =	vst v3;
	v3 =	vld [tilespmem:s30+$0x29A0]  }
0xe7: {  	[tilespmem:s30+$0xDB60] =	vst v4;
	v4 =	vld [tilespmem:s30+$0x29B0]  }
0xe8: {  	[tilespmem:s30+$0xDB70] =	vst v0;
	v0 =	vld [tilespmem:s30+$0x29C0]  }
0xe9: {  	[tilespmem:s30+$0xDB80] =	vst v1;
	v1 =	vld [tilespmem:s30+$0x29D0]  }
0xea: {  	[tilespmem:s30+$0xDB90] =	vst v2;
	v2 =	vld [tilespmem:s30+$0x29E0]  }
0xeb: {  	[tilespmem:s30+$0xDBA0] =	vst v3;
	v3 =	vld [tilespmem:s30+$0x29F0]  }
0xec: {  	[tilespmem:s30+$0xDBB0] =	vst v4;
	v4 =	vld [tilespmem:s30+$0x2A00]  }
0xed: {  	[tilespmem:s30+$0xDBC0] =	vst v0;
	v0 =	vld [tilespmem:s30+$0x2A10]  }
0xee: {  	[tilespmem:s30+$0xDBD0] =	vst v1;
	v1 =	vld [tilespmem:s30+$0x2A20]  }
0xef: {  	[tilespmem:s30+$0xDBE0] =	vst v2;
	v2 =	vld [tilespmem:s30+$0x2A30]  }
0xf0: {  	[tilespmem:s30+$0xDBF0] =	vst v3;
	v3 =	vld [tilespmem:s30+$0x2A40]  }
0xf1: {  	[tilespmem:s30+$0xDC00] =	vst v4;
	v4 =	vld [tilespmem:s30+$0x2A50]  }
0xf2: {  	[tilespmem:s30+$0xDC10] =	vst v0;
	v0 =	vld [tilespmem:s30+$0x2A60]  }
0xf3: {  	s26 =	sadd.s32 s26, s4;
	[tilespmem:s30+$0xDC20] =	vst v1  }
0xf4: {  	s26 =	smul.u32 $0x1340, s26;
	[tilespmem:s30+$0xDC30] =	vst v2  }
0xf5: {  	[tilespmem:s30+$0xDC40] =	vst v3  }
0xf6: {  	s26 =	sadd.s32 s2, s26;
	[tilespmem:s30+$0xDC50] =	vst v4  }
0xf7: {  	s31 =	smul.u32 $0x280, s24;
	s26 =	sadd.s32 $0x1340, s26;
	s28 =	simm.s32 $0x0;
	[tilespmem:s30+$0xDC60] =	vst v0  }
0xf8: {  	[hbm4b:s26+s28] =	stream.linear.scatter [tilespmem:s19], [sflag:$0x4], $0x9A00, $0x38;
	[tilespmem:$0x17880] =	vst v63  }
0xf9: {  	_ =	swait.ge [sflag:s22], $0x9A00  }
0xfa: {  	s26 =	sshra.s32 s31, $0x2;
	[sflag:s22] =	ssyncset.done $0x0  }
0xfb: {  	s26 =	sadd.s32 $0x170, s26;
	[sflag:s22] =	ssyncadd.s32 $0xFFFF6600  }
0xfc: {  	[tilespmem:s19], [sflag:$0x2] =	stream.indirect.gather [hbm4b:s5+s16], $0x200, s26, s16, $0xb8;
	[tilespmem:$0x17880] =	vst v63  }
0xfd: {  	_ =	swait.ge [sflag:s15], $0xA000  }
0xfe: {  	[sflag:s15] =	ssyncset.done $0x0  }
0xff: {  	s26 =	simm.s32 $0x0;
	[sflag:s15] =	ssyncadd.s32 $0xFFFF6000  }
0x100: {  	v0 =	vld [tilespmem:s26+$0x2A70]  }
0x101: {  	v1 =	vld [tilespmem:s26+$0x2880]  }
0x102: {  	v2 =	vld [tilespmem:s26+$0x2890]  }
0x103: {  	v3 =	vld [tilespmem:s26+$0x28A0]  }
0x104: {  	v4 =	vld [tilespmem:s26+$0x28B0]  }
0x105: {  	v5 =	vld [tilespmem:s26+$0x28C0];
	[tilespmem:s26+$0x3C70] =	vst v0  }
0x106: {  	[tilespmem:s26+$0x3A80] =	vst v1;
	v0 =	vld [tilespmem:s26+$0x28D0]  }
0x107: {  	[tilespmem:s26+$0x3A90] =	vst v2;
	v1 =	vld [tilespmem:s26+$0x28E0]  }
0x108: {  	[tilespmem:s26+$0x3AA0] =	vst v3;
	v2 =	vld [tilespmem:s26+$0x28F0]  }
0x109: {  	[tilespmem:s26+$0x3AB0] =	vst v4;
	v3 =	vld [tilespmem:s26+$0x2900]  }
0x10a: {  	[tilespmem:s26+$0x3AC0] =	vst v5;
	v4 =	vld [tilespmem:s26+$0x2910]  }
0x10b: {  	v5 =	vld [tilespmem:s26+$0x2A10];
	[tilespmem:s26+$0x3AD0] =	vst v0  }
0x10c: {  	v0 =	vld [tilespmem:s26+$0x2920];
	[tilespmem:s26+$0x3AE0] =	vst v1  }
0x10d: {  	v1 =	vld [tilespmem:s26+$0x2930];
	[tilespmem:s26+$0x3AF0] =	vst v2  }
0x10e: {  	v2 =	vld [tilespmem:s26+$0x2940];
	[tilespmem:s26+$0x3B00] =	vst v3  }
0x10f: {  	v3 =	vld [tilespmem:s26+$0x2950];
	[tilespmem:s26+$0x3B10] =	vst v4  }
0x110: {  	v4 =	vld [tilespmem:s26+$0x2960];
	[tilespmem:s26+$0x3C10] =	vst v5  }
0x111: {  	[tilespmem:s26+$0x3B20] =	vst v0;
	v0 =	vld [tilespmem:s26+$0x2970]  }
0x112: {  	[tilespmem:s26+$0x3B30] =	vst v1;
	v1 =	vld [tilespmem:s26+$0x2980]  }
0x113: {  	[tilespmem:s26+$0x3B40] =	vst v2;
	v2 =	vld [tilespmem:s26+$0x2990]  }
0x114: {  	[tilespmem:s26+$0x3B50] =	vst v3;
	v3 =	vld [tilespmem:s26+$0x29A0]  }
0x115: {  	[tilespmem:s26+$0x3B60] =	vst v4;
	v4 =	vld [tilespmem:s26+$0x29B0]  }
0x116: {  	[tilespmem:s26+$0x3B70] =	vst v0;
	v0 =	vld [tilespmem:s26+$0x29C0]  }
0x117: {  	[tilespmem:s26+$0x3B80] =	vst v1;
	v1 =	vld [tilespmem:s26+$0x29D0]  }
0x118: {  	[tilespmem:s26+$0x3B90] =	vst v2;
	v2 =	vld [tilespmem:s26+$0x29E0]  }
0x119: {  	[tilespmem:s26+$0x3BA0] =	vst v3;
	v3 =	vld [tilespmem:s26+$0x29F0]  }
0x11a: {  	[tilespmem:s26+$0x3BB0] =	vst v4;
	v4 =	vld [tilespmem:s26+$0x2A00]  }
0x11b: {  	[tilespmem:s26+$0x3BC0] =	vst v0;
	v0 =	vld [tilespmem:s26+$0x2A20]  }
0x11c: {  	[tilespmem:s26+$0x3BD0] =	vst v1;
	v1 =	vld [tilespmem:s26+$0x2A30]  }
0x11d: {  	[tilespmem:s26+$0x3BE0] =	vst v2;
	v2 =	vld [tilespmem:s26+$0x2A40]  }
0x11e: {  	[tilespmem:s26+$0x3BF0] =	vst v3;
	v3 =	vld [tilespmem:s26+$0x2A50]  }
0x11f: {  	s29 =	simm.s32 $0x200;
	s28 =	simm.s32 $0x1000;
	[tilespmem:s26+$0x3C00] =	vst v4;
	v4 =	vld [tilespmem:s26+$0x2A60]  }
.LBB2_7:
0x120: {  	p0 =	sne.s32 s28, $0x3800;
	v5 =	vld [tilespmem:s29+$0x2A70];
	[tilespmem:s26+$0x3C20] =	vst v0  }
0x121: {  	v0 =	vld [tilespmem:s29+$0x2880];
	[tilespmem:s26+$0x3C30] =	vst v1  }
0x122: {  	v1 =	vld [tilespmem:s29+$0x2890];
	[tilespmem:s26+$0x3C40] =	vst v2  }
0x123: {  	v2 =	vld [tilespmem:s29+$0x28A0];
	[tilespmem:s26+$0x3C50] =	vst v3  }
0x124: {  	v3 =	vld [tilespmem:s29+$0x28B0];
	[tilespmem:s26+$0x3C60] =	vst v4;
	s26 =	smov.u32 s29  }
0x125: {  	v4 =	vld [tilespmem:s26+$0x28C0];
	[tilespmem:s26+$0x3C70] =	vst v5  }
0x126: {  	[tilespmem:s26+$0x3A80] =	vst v0;
	v0 =	vld [tilespmem:s26+$0x28D0]  }
0x127: {  	[tilespmem:s26+$0x3A90] =	vst v1;
	v1 =	vld [tilespmem:s26+$0x28E0]  }
0x128: {  	[tilespmem:s26+$0x3AA0] =	vst v2;
	v2 =	vld [tilespmem:s26+$0x28F0]  }
0x129: {  	[tilespmem:s26+$0x3AB0] =	vst v3;
	v3 =	vld [tilespmem:s26+$0x2900]  }
0x12a: {  	[tilespmem:s26+$0x3AC0] =	vst v4;
	v4 =	vld [tilespmem:s26+$0x2910]  }
0x12b: {  	[tilespmem:s26+$0x3AD0] =	vst v0;
	v0 =	vld [tilespmem:s26+$0x2920]  }
0x12c: {  	[tilespmem:s26+$0x3AE0] =	vst v1;
	v1 =	vld [tilespmem:s26+$0x2930]  }
0x12d: {  	[tilespmem:s26+$0x3AF0] =	vst v2;
	v2 =	vld [tilespmem:s26+$0x2940]  }
0x12e: {  	[tilespmem:s26+$0x3B00] =	vst v3;
	v3 =	vld [tilespmem:s26+$0x2950]  }
0x12f: {  	[tilespmem:s26+$0x3B10] =	vst v4;
	v4 =	vld [tilespmem:s26+$0x2960]  }
0x130: {  	[tilespmem:s26+$0x3B20] =	vst v0;
	v0 =	vld [tilespmem:s26+$0x2970]  }
0x131: {  	[tilespmem:s26+$0x3B30] =	vst v1;
	v1 =	vld [tilespmem:s26+$0x2980]  }
0x132: {  	[tilespmem:s26+$0x3B40] =	vst v2;
	v2 =	vld [tilespmem:s26+$0x2990]  }
0x133: {  	[tilespmem:s26+$0x3B50] =	vst v3;
	v3 =	vld [tilespmem:s26+$0x29A0]  }
0x134: {  	[tilespmem:s26+$0x3B60] =	vst v4;
	v4 =	vld [tilespmem:s26+$0x29B0]  }
0x135: {  	[tilespmem:s26+$0x3B70] =	vst v0;
	v0 =	vld [tilespmem:s26+$0x29C0]  }
0x136: {  	[tilespmem:s26+$0x3B80] =	vst v1;
	v1 =	vld [tilespmem:s26+$0x29D0]  }
0x137: {  	[tilespmem:s26+$0x3B90] =	vst v2;
	v2 =	vld [tilespmem:s26+$0x29E0]  }
0x138: {  	[tilespmem:s26+$0x3BA0] =	vst v3;
	v3 =	vld [tilespmem:s26+$0x29F0]  }
0x139: {  	[tilespmem:s26+$0x3BB0] =	vst v4;
	v4 =	vld [tilespmem:s26+$0x2A00]  }
0x13a: {  	[tilespmem:s26+$0x3BC0] =	vst v0;
	v5 =	vld [tilespmem:s26+$0x2A10]  }
.Ltmp2:
0x13b: {  	[tilespmem:s26+$0x3BD0] =	vst v1;
	v0 =	vld [tilespmem:s26+$0x2A20];
	(pc) =	sbr.rel @p0 .LBB2_7-.Ltmp2, $4  }
0x13c: {  	[tilespmem:s26+$0x3BE0] =	vst v2;
	v1 =	vld [tilespmem:s26+$0x2A30]  }
0x13d: {  	[tilespmem:s26+$0x3BF0] =	vst v3;
	v2 =	vld [tilespmem:s26+$0x2A40]  }
0x13e: {  	[tilespmem:s26+$0x3C00] =	vst v4;
	v3 =	vld [tilespmem:s26+$0x2A50]  }
0x13f: {  	s29 =	sshra.s32 s28, $0x2;
	s28 =	sadd.s32 $0x800, s28;
	[tilespmem:s26+$0x3C10] =	vst v5;
	v4 =	vld [tilespmem:s26+$0x2A60]  }
0x140: {  	v5 =	vld [tilespmem:s29+$0x2A70];
	[tilespmem:s26+$0x3C20] =	vst v0  }
0x141: {  	v0 =	vld [tilespmem:s29+$0x2880];
	[tilespmem:s26+$0x3C30] =	vst v1  }
0x142: {  	v1 =	vld [tilespmem:s29+$0x2890];
	[tilespmem:s26+$0x3C40] =	vst v2  }
0x143: {  	v2 =	vld [tilespmem:s29+$0x28A0];
	[tilespmem:s26+$0x3C50] =	vst v3  }
0x144: {  	v3 =	vld [tilespmem:s29+$0x28B0];
	[tilespmem:s26+$0x3C60] =	vst v4  }
0x145: {  	v4 =	vld [tilespmem:s29+$0x28C0];
	[tilespmem:s29+$0x3C70] =	vst v5  }
0x146: {  	v38 =	vld [tilespmem:s29+$0x28D0];
	[tilespmem:s29+$0x3A80] =	vst v0  }
0x147: {  	v39 =	vld [tilespmem:s29+$0x28E0];
	[tilespmem:s29+$0x3A90] =	vst v1  }
0x148: {  	v40 =	vld [tilespmem:s29+$0x28F0];
	[tilespmem:s29+$0x3AA0] =	vst v2  }
0x149: {  	v41 =	vld [tilespmem:s29+$0x2900];
	[tilespmem:s29+$0x3AB0] =	vst v3  }
0x14a: {  	v42 =	vld [tilespmem:s29+$0x2910];
	[tilespmem:s29+$0x3AC0] =	vst v4  }
0x14b: {  	v43 =	vld [tilespmem:s29+$0x2920];
	[tilespmem:s29+$0x3AD0] =	vst v38  }
0x14c: {  	v44 =	vld [tilespmem:s29+$0x2930];
	[tilespmem:s29+$0x3AE0] =	vst v39  }
0x14d: {  	v45 =	vld [tilespmem:s29+$0x2940];
	[tilespmem:s29+$0x3AF0] =	vst v40  }
0x14e: {  	v46 =	vld [tilespmem:s29+$0x2950];
	[tilespmem:s29+$0x3B00] =	vst v41  }
0x14f: {  	v47 =	vld [tilespmem:s29+$0x2960];
	[tilespmem:s29+$0x3B10] =	vst v42  }
0x150: {  	v48 =	vld [tilespmem:s29+$0x2970];
	[tilespmem:s29+$0x3B20] =	vst v43  }
0x151: {  	v49 =	vld [tilespmem:s29+$0x2980];
	[tilespmem:s29+$0x3B30] =	vst v44  }
0x152: {  	v50 =	vld [tilespmem:s29+$0x2990];
	[tilespmem:s29+$0x3B40] =	vst v45  }
0x153: {  	v51 =	vld [tilespmem:s29+$0x29A0];
	[tilespmem:s29+$0x3B50] =	vst v46  }
0x154: {  	v52 =	vld [tilespmem:s29+$0x29B0];
	[tilespmem:s29+$0x3B60] =	vst v47  }
0x155: {  	v53 =	vld [tilespmem:s29+$0x29C0];
	[tilespmem:s29+$0x3B70] =	vst v48  }
0x156: {  	v54 =	vld [tilespmem:s29+$0x29D0];
	[tilespmem:s29+$0x3B80] =	vst v49  }
0x157: {  	v55 =	vld [tilespmem:s29+$0x29E0];
	[tilespmem:s29+$0x3B90] =	vst v50  }
0x158: {  	v56 =	vld [tilespmem:s29+$0x29F0];
	[tilespmem:s29+$0x3BA0] =	vst v51  }
0x159: {  	v57 =	vld [tilespmem:s29+$0x2A00];
	[tilespmem:s29+$0x3BB0] =	vst v52  }
0x15a: {  	v58 =	vld [tilespmem:s29+$0x2A10];
	[tilespmem:s29+$0x3BC0] =	vst v53  }
0x15b: {  	v59 =	vld [tilespmem:s29+$0x2A20];
	[tilespmem:s29+$0x3BD0] =	vst v54  }
0x15c: {  	v60 =	vld [tilespmem:s29+$0x2A30];
	[tilespmem:s29+$0x3BE0] =	vst v55  }
0x15d: {  	v61 =	vld [tilespmem:s29+$0x2A40];
	[tilespmem:s29+$0x3BF0] =	vst v56  }
0x15e: {  	v62 =	vld [tilespmem:s29+$0x2A50];
	[tilespmem:s29+$0x3C00] =	vst v57  }
0x15f: {  	s24 =	sadd.s32 $0x1, s24;
	v63 =	vld [tilespmem:s29+$0x2A60];
	[tilespmem:s29+$0x3C10] =	vst v58  }
0x160: {  	p0 =	sne.s32 s24, $0x3F;
	[tilespmem:s29+$0x3C20] =	vst v59  }
.Ltmp3:
0x161: {  	s25 =	sadd.s32 s4, s25;
	[tilespmem:s29+$0x3C30] =	vst v60;
	(pc) =	sbr.rel @p0 .LBB2_4-.Ltmp3, $4  }
0x162: {  	s25 =	smul.u32 $0x1340, s25;
	[tilespmem:s29+$0x3C40] =	vst v61  }
0x163: {  	[tilespmem:s29+$0x3C50] =	vst v62  }
0x164: {  	s25 =	sadd.s32 s2, s25;
	[tilespmem:s29+$0x3C60] =	vst v63  }
0x165: {  	[hbm4b:s25+s3] =	stream.linear.scatter [tilespmem:s17], [sflag:$0x3], $0x9A00, $0x38;
	[tilespmem:$0x17880] =	vst v63  }
0x166: {  	_ =	swait.ge [sflag:s20], $0x9A00  }
0x167: {  	[sflag:s20] =	ssyncset.done $0x0  }
0x168: {  	[sflag:s20] =	ssyncadd.s32 $0xFFFF6600  }
0x169: {  	_ =	swait.ge [sflag:s21], $0xA000  }
0x16a: {  	[sflag:s21] =	ssyncset.done $0x0  }
0x16b: {  	s24 =	simm.s32 $0x0;
	[sflag:s21] =	ssyncadd.s32 $0xFFFF6000  }
0x16c: {  	v0 =	vld [tilespmem:s24+$0x2A70]  }
0x16d: {  	v1 =	vld [tilespmem:s24+$0x2880]  }
0x16e: {  	v2 =	vld [tilespmem:s24+$0x2890]  }
0x16f: {  	v3 =	vld [tilespmem:s24+$0x28A0]  }
0x170: {  	v4 =	vld [tilespmem:s24+$0x28B0]  }
0x171: {  	v5 =	vld [tilespmem:s24+$0x28C0];
	[tilespmem:s24+$0xDC70] =	vst v0  }
0x172: {  	[tilespmem:s24+$0xDA80] =	vst v1;
	v0 =	vld [tilespmem:s24+$0x28D0]  }
0x173: {  	[tilespmem:s24+$0xDA90] =	vst v2;
	v1 =	vld [tilespmem:s24+$0x28E0]  }
0x174: {  	[tilespmem:s24+$0xDAA0] =	vst v3;
	v2 =	vld [tilespmem:s24+$0x28F0]  }
0x175: {  	[tilespmem:s24+$0xDAB0] =	vst v4;
	v3 =	vld [tilespmem:s24+$0x2900]  }
0x176: {  	[tilespmem:s24+$0xDAC0] =	vst v5;
	v4 =	vld [tilespmem:s24+$0x2910]  }
0x177: {  	v5 =	vld [tilespmem:s24+$0x2A10];
	[tilespmem:s24+$0xDAD0] =	vst v0  }
0x178: {  	v0 =	vld [tilespmem:s24+$0x2920];
	[tilespmem:s24+$0xDAE0] =	vst v1  }
0x179: {  	v1 =	vld [tilespmem:s24+$0x2930];
	[tilespmem:s24+$0xDAF0] =	vst v2  }
0x17a: {  	v2 =	vld [tilespmem:s24+$0x2940];
	[tilespmem:s24+$0xDB00] =	vst v3  }
0x17b: {  	v3 =	vld [tilespmem:s24+$0x2950];
	[tilespmem:s24+$0xDB10] =	vst v4  }
0x17c: {  	v4 =	vld [tilespmem:s24+$0x2960];
	[tilespmem:s24+$0xDC10] =	vst v5  }
0x17d: {  	[tilespmem:s24+$0xDB20] =	vst v0;
	v0 =	vld [tilespmem:s24+$0x2970]  }
0x17e: {  	[tilespmem:s24+$0xDB30] =	vst v1;
	v1 =	vld [tilespmem:s24+$0x2980]  }
0x17f: {  	[tilespmem:s24+$0xDB40] =	vst v2;
	v2 =	vld [tilespmem:s24+$0x2990]  }
0x180: {  	[tilespmem:s24+$0xDB50] =	vst v3;
	v3 =	vld [tilespmem:s24+$0x29A0]  }
0x181: {  	[tilespmem:s24+$0xDB60] =	vst v4;
	v4 =	vld [tilespmem:s24+$0x29B0]  }
0x182: {  	[tilespmem:s24+$0xDB70] =	vst v0;
	v0 =	vld [tilespmem:s24+$0x29C0]  }
0x183: {  	[tilespmem:s24+$0xDB80] =	vst v1;
	v1 =	vld [tilespmem:s24+$0x29D0]  }
0x184: {  	[tilespmem:s24+$0xDB90] =	vst v2;
	v2 =	vld [tilespmem:s24+$0x29E0]  }
0x185: {  	[tilespmem:s24+$0xDBA0] =	vst v3;
	v3 =	vld [tilespmem:s24+$0x29F0]  }
0x186: {  	[tilespmem:s24+$0xDBB0] =	vst v4;
	v4 =	vld [tilespmem:s24+$0x2A00]  }
0x187: {  	[tilespmem:s24+$0xDBC0] =	vst v0;
	v0 =	vld [tilespmem:s24+$0x2A20]  }
0x188: {  	[tilespmem:s24+$0xDBD0] =	vst v1;
	v1 =	vld [tilespmem:s24+$0x2A30]  }
0x189: {  	[tilespmem:s24+$0xDBE0] =	vst v2;
	v2 =	vld [tilespmem:s24+$0x2A40]  }
0x18a: {  	[tilespmem:s24+$0xDBF0] =	vst v3;
	v3 =	vld [tilespmem:s24+$0x2A50]  }
0x18b: {  	s26 =	simm.s32 $0x200;
	s25 =	simm.s32 $0x1000;
	[tilespmem:s24+$0xDC00] =	vst v4;
	v4 =	vld [tilespmem:s24+$0x2A60]  }
.LBB2_10:
0x18c: {  	p0 =	sne.s32 s25, $0x3800;
	v5 =	vld [tilespmem:s26+$0x2A70];
	[tilespmem:s24+$0xDC20] =	vst v0  }
0x18d: {  	v0 =	vld [tilespmem:s26+$0x2880];
	[tilespmem:s24+$0xDC30] =	vst v1  }
0x18e: {  	v1 =	vld [tilespmem:s26+$0x2890];
	[tilespmem:s24+$0xDC40] =	vst v2  }
0x18f: {  	v2 =	vld [tilespmem:s26+$0x28A0];
	[tilespmem:s24+$0xDC50] =	vst v3  }
0x190: {  	v3 =	vld [tilespmem:s26+$0x28B0];
	[tilespmem:s24+$0xDC60] =	vst v4;
	s24 =	smov.u32 s26  }
0x191: {  	v4 =	vld [tilespmem:s24+$0x28C0];
	[tilespmem:s24+$0xDC70] =	vst v5  }
0x192: {  	[tilespmem:s24+$0xDA80] =	vst v0;
	v0 =	vld [tilespmem:s24+$0x28D0]  }
0x193: {  	[tilespmem:s24+$0xDA90] =	vst v1;
	v1 =	vld [tilespmem:s24+$0x28E0]  }
0x194: {  	[tilespmem:s24+$0xDAA0] =	vst v2;
	v2 =	vld [tilespmem:s24+$0x28F0]  }
0x195: {  	[tilespmem:s24+$0xDAB0] =	vst v3;
	v3 =	vld [tilespmem:s24+$0x2900]  }
0x196: {  	[tilespmem:s24+$0xDAC0] =	vst v4;
	v4 =	vld [tilespmem:s24+$0x2910]  }
0x197: {  	[tilespmem:s24+$0xDAD0] =	vst v0;
	v0 =	vld [tilespmem:s24+$0x2920]  }
0x198: {  	[tilespmem:s24+$0xDAE0] =	vst v1;
	v1 =	vld [tilespmem:s24+$0x2930]  }
0x199: {  	[tilespmem:s24+$0xDAF0] =	vst v2;
	v2 =	vld [tilespmem:s24+$0x2940]  }
0x19a: {  	[tilespmem:s24+$0xDB00] =	vst v3;
	v3 =	vld [tilespmem:s24+$0x2950]  }
0x19b: {  	[tilespmem:s24+$0xDB10] =	vst v4;
	v4 =	vld [tilespmem:s24+$0x2960]  }
0x19c: {  	[tilespmem:s24+$0xDB20] =	vst v0;
	v0 =	vld [tilespmem:s24+$0x2970]  }
0x19d: {  	[tilespmem:s24+$0xDB30] =	vst v1;
	v1 =	vld [tilespmem:s24+$0x2980]  }
0x19e: {  	[tilespmem:s24+$0xDB40] =	vst v2;
	v2 =	vld [tilespmem:s24+$0x2990]  }
0x19f: {  	[tilespmem:s24+$0xDB50] =	vst v3;
	v3 =	vld [tilespmem:s24+$0x29A0]  }
0x1a0: {  	[tilespmem:s24+$0xDB60] =	vst v4;
	v4 =	vld [tilespmem:s24+$0x29B0]  }
0x1a1: {  	[tilespmem:s24+$0xDB70] =	vst v0;
	v0 =	vld [tilespmem:s24+$0x29C0]  }
0x1a2: {  	[tilespmem:s24+$0xDB80] =	vst v1;
	v1 =	vld [tilespmem:s24+$0x29D0]  }
0x1a3: {  	[tilespmem:s24+$0xDB90] =	vst v2;
	v2 =	vld [tilespmem:s24+$0x29E0]  }
0x1a4: {  	[tilespmem:s24+$0xDBA0] =	vst v3;
	v3 =	vld [tilespmem:s24+$0x29F0]  }
0x1a5: {  	[tilespmem:s24+$0xDBB0] =	vst v4;
	v4 =	vld [tilespmem:s24+$0x2A00]  }
0x1a6: {  	[tilespmem:s24+$0xDBC0] =	vst v0;
	v5 =	vld [tilespmem:s24+$0x2A10]  }
.Ltmp4:
0x1a7: {  	[tilespmem:s24+$0xDBD0] =	vst v1;
	v0 =	vld [tilespmem:s24+$0x2A20];
	(pc) =	sbr.rel @p0 .LBB2_10-.Ltmp4, $4  }
0x1a8: {  	[tilespmem:s24+$0xDBE0] =	vst v2;
	v1 =	vld [tilespmem:s24+$0x2A30]  }
0x1a9: {  	[tilespmem:s24+$0xDBF0] =	vst v3;
	v2 =	vld [tilespmem:s24+$0x2A40]  }
0x1aa: {  	[tilespmem:s24+$0xDC00] =	vst v4;
	v3 =	vld [tilespmem:s24+$0x2A50]  }
0x1ab: {  	s26 =	sshra.s32 s25, $0x2;
	s25 =	sadd.s32 $0x800, s25;
	[tilespmem:s24+$0xDC10] =	vst v5;
	v4 =	vld [tilespmem:s24+$0x2A60]  }
0x1ac: {  	v5 =	vld [tilespmem:s26+$0x2A70];
	[tilespmem:s24+$0xDC20] =	vst v0  }
0x1ad: {  	v0 =	vld [tilespmem:s26+$0x2880];
	[tilespmem:s24+$0xDC30] =	vst v1  }
0x1ae: {  	v1 =	vld [tilespmem:s26+$0x2890];
	[tilespmem:s24+$0xDC40] =	vst v2  }
0x1af: {  	v2 =	vld [tilespmem:s26+$0x28A0];
	[tilespmem:s24+$0xDC50] =	vst v3  }
0x1b0: {  	v3 =	vld [tilespmem:s26+$0x28B0];
	[tilespmem:s24+$0xDC60] =	vst v4  }
0x1b1: {  	v4 =	vld [tilespmem:s26+$0x28C0];
	[tilespmem:s26+$0xDC70] =	vst v5  }
0x1b2: {  	v38 =	vld [tilespmem:s26+$0x28D0];
	[tilespmem:s26+$0xDA80] =	vst v0  }
0x1b3: {  	v39 =	vld [tilespmem:s26+$0x28E0];
	[tilespmem:s26+$0xDA90] =	vst v1  }
0x1b4: {  	v40 =	vld [tilespmem:s26+$0x28F0];
	[tilespmem:s26+$0xDAA0] =	vst v2  }
0x1b5: {  	v41 =	vld [tilespmem:s26+$0x2900];
	[tilespmem:s26+$0xDAB0] =	vst v3  }
0x1b6: {  	v42 =	vld [tilespmem:s26+$0x2910];
	[tilespmem:s26+$0xDAC0] =	vst v4  }
0x1b7: {  	v43 =	vld [tilespmem:s26+$0x2920];
	[tilespmem:s26+$0xDAD0] =	vst v38  }
0x1b8: {  	v44 =	vld [tilespmem:s26+$0x2930];
	[tilespmem:s26+$0xDAE0] =	vst v39  }
0x1b9: {  	v45 =	vld [tilespmem:s26+$0x2940];
	[tilespmem:s26+$0xDAF0] =	vst v40  }
0x1ba: {  	v46 =	vld [tilespmem:s26+$0x2950];
	[tilespmem:s26+$0xDB00] =	vst v41  }
0x1bb: {  	v47 =	vld [tilespmem:s26+$0x2960];
	[tilespmem:s26+$0xDB10] =	vst v42  }
0x1bc: {  	v48 =	vld [tilespmem:s26+$0x2970];
	[tilespmem:s26+$0xDB20] =	vst v43  }
0x1bd: {  	v49 =	vld [tilespmem:s26+$0x2980];
	[tilespmem:s26+$0xDB30] =	vst v44  }
0x1be: {  	v50 =	vld [tilespmem:s26+$0x2990];
	[tilespmem:s26+$0xDB40] =	vst v45  }
0x1bf: {  	v51 =	vld [tilespmem:s26+$0x29A0];
	[tilespmem:s26+$0xDB50] =	vst v46  }
0x1c0: {  	v52 =	vld [tilespmem:s26+$0x29B0];
	[tilespmem:s26+$0xDB60] =	vst v47  }
0x1c1: {  	v53 =	vld [tilespmem:s26+$0x29C0];
	[tilespmem:s26+$0xDB70] =	vst v48  }
0x1c2: {  	v54 =	vld [tilespmem:s26+$0x29D0];
	[tilespmem:s26+$0xDB80] =	vst v49  }
0x1c3: {  	v55 =	vld [tilespmem:s26+$0x29E0];
	[tilespmem:s26+$0xDB90] =	vst v50  }
0x1c4: {  	v56 =	vld [tilespmem:s26+$0x29F0];
	[tilespmem:s26+$0xDBA0] =	vst v51  }
0x1c5: {  	v57 =	vld [tilespmem:s26+$0x2A00];
	[tilespmem:s26+$0xDBB0] =	vst v52  }
0x1c6: {  	v58 =	vld [tilespmem:s26+$0x2A10];
	[tilespmem:s26+$0xDBC0] =	vst v53  }
0x1c7: {  	v59 =	vld [tilespmem:s26+$0x2A20];
	[tilespmem:s26+$0xDBD0] =	vst v54  }
0x1c8: {  	v60 =	vld [tilespmem:s26+$0x2A30];
	[tilespmem:s26+$0xDBE0] =	vst v55  }
0x1c9: {  	v61 =	vld [tilespmem:s26+$0x2A40];
	[tilespmem:s26+$0xDBF0] =	vst v56  }
0x1ca: {  	v62 =	vld [tilespmem:s26+$0x2A50];
	[tilespmem:s26+$0xDC00] =	vst v57  }
0x1cb: {  	v63 =	vld [tilespmem:s26+$0x2A60];
	[tilespmem:s26+$0xDC10] =	vst v58  }
0x1cc: {  	[tilespmem:s26+$0xDC20] =	vst v59  }
0x1cd: {  	[tilespmem:s26+$0xDC30] =	vst v60  }
0x1ce: {  	s23 =	sadd.s32 $0x1, s23;
	[tilespmem:s26+$0xDC40] =	vst v61  }
0x1cf: {  	p0 =	sne.s32 s23, s11;
	[tilespmem:s26+$0xDC50] =	vst v62  }
.Ltmp5:
0x1d0: {  	[tilespmem:s26+$0xDC60] =	vst v63;
	(pc) =	sbr.rel @p0 .LBB2_1-.Ltmp5, $4  }
0x1d1: {  	[hbm4b:s10+s3] =	stream.linear.scatter [tilespmem:s19], [sflag:$0x4], $0x9A00, $0x38;
	[tilespmem:$0x17880] =	vst v63  }
0x1d2: {  	_ =	swait.ge [sflag:s22], $0x9A00  }
0x1d3: {  	[sflag:s22] =	ssyncset.done $0x0  }
0x1d4: {  	[sflag:s22] =	ssyncadd.s32 $0xFFFF6600  }
0x1d5: {  	_ =	sfence.sel $0x180000  }
0x1d6: {  	[bflag:$0x0] =	sbarrier.arrive $0xFFFF  }
0x1d7: {  	p0 =	sne.s32 s1, $0x0;
	_ =	strace $0x9000004A  }
0x1d8: {  	s0 =	sadd.s32 @!p0 $0x100000, s0;
	[bflag:$0x2] =	sbarrier.arrive $0xFFFF  }
0x1d9: {  	[sflag:s0] =	ssyncadd.tile.s32 @!p0 $0x1;
	_ =	shalt  }
.Lfunc_end2:
_tile_overlayer_lowered:
.L_overlay_start_2:
0x1da: {  	(tag) =	ssettag $0x2  }
0x1db: {  	s0 =	rddreg [dreg:$0x0];
	s2 =	stileid.u32  }
0x1dc: {  	s1 =	rddreg [dreg:$0x1];
	p0 =	sne.s32 s2, $0x0  }
0x1dd: {  	s3 =	rddreg [dreg:$0x2];
	[bflag:$0x3] =	sbarrier.arrive $0xFFFF;
	s2 =	simm.s32 @!p0 $0x1C05  }
0x1de: {  	[timem:s3], [sflag:s2] =	dma.local @!p0 [hbm:s0], s1  }
0x1df: {  	s0 =	simm.s32 @!p0 $0x5  }
0x1e0: {  	_ =	swait.ge @!p0 [sflag:s0], s1  }
0x1e1: {  	s1 =	ssub.s32 @!p0 $0x0, s1;
	[sflag:s0] =	ssyncset.done @!p0 $0x0  }
0x1e2: {  	[sflag:s0] =	ssyncadd.s32 @!p0 s1  }
0x1e3: {  	[bflag:$0x3] =	sbarrier.arrive $0xFFFF  }
0x1e4: {  	_ =	shalt  }

// kernel: sparse-core-data-format-call.1.cloned.1.call-start
scs
called_computation.1_lowered:
.L_overlay_start_0:
0x0: {  	s2 =	sld [smem:$0x3FD9]  }
0x1: {  	s3 =	sld [smem:$0x3FFE];
	_ =	sdelay $0x1  }
0x2: {  	s1 =	srdreg.scid  }
0x3: {  	s0 =	sand.u32 $0x1, s1  }
0x4: {  	s18 =	sshll.u32 s0, $0xA;
	s2 =	sadd.s32 s3, s2  }
0x5: {  	s2 =	sadd.s32 s2, s18  }
0x6: {  	[smem:$0x3FC4] =	sst s2  }
0x7: {  	_ = 	snop  }
0x8: {  	s2 =	sld [smem:$0x3FC8];
	(tm) =	ssettm $0x1  }
0x9: {  	s19 =	sld [smem:$0x3FFB];
	_ =	sdelay $0x3  }
0xa: {  	_ =	strace s19  }
0xb: {  	s3 =	sld [smem:$0x3FFC];
	_ =	sdelay $0x3  }
0xc: {  	_ =	strace s3  }
0xd: {  	s3 =	sld [smem:$0x3FFD];
	_ =	sdelay $0x3  }
0xe: {  	_ =	strace s3  }
0xf: {  	_ =	strace $0x8FFFFFFF  }
0x10: {  	s20 =	sld [smem:$0x3FDB];
	_ =	sdelay $0x1  }
0x11: {  	s4 =	simm.s32 $_scs_section_size  }
0x12: {  	s5 =	simm.s32 $_size__tile_overlayer_lowered;
	s6 =	simm.s32 $_tile_overlayer_lowered  }
0x13: {  	s23 =	simm.s32 $0x1BFF;
	s22 =	sshll.u32 s6, $0x1;
	s3 =	sadd.s32 s4, s20  }
0x14: {  	s7 =	simm.s32 $0x0;
	s21 =	sshll.u32 s5, $0x1;
	s5 =	sadd.s32 s22, s3  }
0x15: {  	[timem:s7], [sflag:s23] =	dma.local [hbm:s5], s21  }
0x16: {  	_ =	swait.ge [sflag:s23], s21  }
0x17: {  	s4 =	ssub.s32 $0x0, s21;
	[sflag:s23] =	ssyncset.done $0x0  }
0x18: {  	[sflag:s23] =	ssyncadd.s32 s4;
	_ =	sdelay $0x1  }
0x19: {  	s24 =	simm.s32 $0x1B8B  }
0x1a: {  	_ =	swait.ge [sflag:s24], $0x1  }
0x1b: {  	[sflag:s24] =	ssyncset.done $0x0  }
0x1c: {  	s26 =	simm.s32 $0x1B8E;
	s25 =	sld [smem:$0x3FFE];
	[sflag:s24] =	ssyncadd.s32 $0xFFFFFFFF  }
0x1d: {  	s27 =	simm.s32 $execute0_lowered;
	[smem:$0x3FD2] =	sst s26  }
0x1e: {  	s5 =	sshll.u32 s27, $0x1;
	_ =	strace $0x80000046;
	[dreg:$0x1] =	wrdreg $0xFFFFFFFF  }
0x1f: {  	s28 =	simm.s32 $_size_execute0_lowered;
	s3 =	sadd.s32 s3, s5;
	[dreg:$0x0] =	wrdreg $0x0  }
0x20: {  	s5 =	sshll.u32 s28, $0x1;
	[dreg:$0x2] =	wrdreg s3  }
0x21: {  	[dreg:$0x3] =	wrdreg s5  }
0x22: {  	[dreg:$0x4] =	wrdreg $0xC0  }
0x23: {  	_ =	task [dreg:s7], $0x5FFFF  }
0x24: {  	[dreg:$0x1] =	wrdreg $0xFFFFFFFF  }
0x25: {  	[dreg:$0x0] =	wrdreg $0x60  }
0x26: {  	[dreg:$0x2] =	wrdreg s2  }
0x27: {  	[dreg:$0x3] =	wrdreg s25  }
0x28: {  	[dreg:$0x4] =	wrdreg $0x9  }
0x29: {  	_ =	task.clear_ibuf [dreg:s7], $0x5FFFF;
	_ =	strace $0x90000046  }
0x2a: {  	s29 =	simm.s32 $0x9;
	_ =	strace $0x80000048  }
0x2b: {  	_ =	swait.ge [sflag:s29], $0x1  }
0x2c: {  	[sflag:s29] =	ssyncadd.s32 $0xFFFFFFFF  }
0x2d: {  	_ =	strace $0x90000048  }
0x2e: {  	_ =	sfence  }
0x2f: {  	s30 =	sld [smem:$0x0];
	_ =	sdelay $0x2  }
0x30: {  	s31 =	sshll.u32 s1, $0xD;
	s1 =	sshrl.u32 s1, $0x2  }
0x31: {  	s3 =	sand.u32 $0x4000, s31;
	s1 =	sadd.s32 s1, s30  }
0x32: {  	s0 =	sor.u32 s3, s0;
	s1 =	sshll.u32 s1, $0x11  }
0x33: {  	s0 =	sor.u32 s1, s0  }
0x34: {  	s0 =	sadd.s32 $0x8F2B, s0  }
0x35: {  	[sflag:s0] =	ssyncadd.remote.s32 $0x1  }
0x36: {  	_ =	sfence.sel $0xFFFF  }
0x37: {  	[dreg:$0x0] =	wrdreg $0xFFFFFFFF;
	(pc) =	sbr.abs _section_cstart, $3  }
0x38: {  	[dreg:$0x1] =	wrdreg $0xFFFFFFFF  }
0x39: {  	_ =	task.clear_ibuf [dreg:s7], $0x2FFFF;
	_ =	strace $0x9FFFFFFF  }
0x3a: {  	(tm) =	ssettm $0x7FFFFFFF  }
0x3b: {  	_ =	shalt  }
tec
execute0_lowered:
.L_overlay_start_1:
0x0: {  	(tag) =	ssettag $0x1  }
0x1: {  	s0 =	srdreg.scid  }
0x2: {  	s1 =	sshll.u32 s0, $0x4  }
0x3: {  	s2 =	rddreg [dreg:$0x0];
	s0 =	stileid.u32;
	s1 =	sand.u32 $0x10, s1  }
0x4: {  	s4 =	rddreg [dreg:$0x1];
	s7 =	simm.s32 $0x1;
	s1 =	sor.u32 s0, s1  }
0x5: {  	s8 =	simm.s32 $0x2;
	s9 =	simm.s32 $0x0;
	s3 =	sshll.u32 s1, $0x2  }
0x6: {  	s12 =	simm.s32 $0x0;
	s11 =	simm.s32 $0x0;
	s6 =	ssub.s32 $0x1820, s3  }
.Ltmp0:
0x7: {  	s4 =	sadd.s32 $0xE00, s4;
	s5 =	sand.u32 $0x7C, s6;
	(pc) =	sbr.rel .LBB1_1-.Ltmp0, $4  }
0x8: {  	s1 =	rddreg [dreg:$0x2];
	_ =	strace $0x80000047;
	p0 =	sne.s32 s5, $0x0  }
0x9: {  	s6 =	sshrl.u32 s6, $0x7;
	s5 =	simm.s32 $0x1;
	s7 =	simm.s32 @!p0 $0x0  }
0xa: {  	s10 =	smov.u32 s3;
	[sflag:s5] =	ssyncpa.u1 $0x0;
	s6 =	sadd.s32 s7, s6  }
0xb: {  	[sflag:s8] =	ssyncpa.u1 $0x0;
	s8 =	simm.s32 $0x0;
	s7 =	sadd.s32 $0x1, s6  }
.LBB1_9:
0xc: {  	s14 =	sadd.s32 $0x80, s10  }
0xd: {  	p1 =	sgt.s32 s14, $0x181F  }
0xe: {  	s14 =	smov.u32 @p1 s3;
	p1 =	sne.s32 s11, s7  }
.Ltmp1:
0xf: {  	p0 =	slt.u32 s11, $0x2;
	(pc) =	sbr.rel @!p1 .LBB1_10-.Ltmp1, $4  }
0x10: {  	s13 =	simm.s32 @!p0 $0x2  }
0x11: {  	s15 =	sadd.s32 $0x1, s11;
	_ =	swait.ge @!p0 [sflag:s13], $0x4000  }
0x12: {  	s12 =	smov.u32 s10;
	s9 =	sadd.s32 $0x4000, s9;
	[sflag:s13] =	ssyncset.done @!p0 $0x0  }
0x13: {  	s11 =	smov.u32 s15;
	s10 =	smov.u32 s14;
	[sflag:s13] =	ssyncadd.s32 @!p0 $0xFFFFC000  }
.LBB1_1:
0x14: {  	p0 =	sge.u32 s11, s6  }
0x15: {  	s13 =	sxor.u32 @!p0 $0xFFFFFFFF, s11  }
0x16: {  	s31 =	sadd.s32 $0xFFFFFFFF, s11;
	s14 =	sshll.u32 @!p0 s10, $0x9;
	s13 =	sshll.u32 @!p0 s13, $0xE  }
0x17: {  	s15 =	simm.s32 @!p0 $0x0;
	s14 =	sadd.s32 @!p0 s2, s14;
	s13 =	sand.u32 @!p0 $0x4000, s13  }
0x18: {  	[tilespmem:s13], [sflag:$0x1] =	stream.linear.gather @!p0 [hbm4b:s14+s15], $0x4000, $0x38;
	[tilespmem:$0x10000] =	vst v63  }
0x19: {  	p0 =	sge.u32 s31, s6  }
.Ltmp2:
0x1a: {  	_ = 	snop;
	(pc) =	sbr.rel @p0 .LBB1_9-.Ltmp2, $1  }
0x1b: {  	_ =	sdelay $0x3  }
0x1c: {  	s14 =	sand.u32 $0x4000, s9  }
0x1d: {  	_ =	swait.ge [sflag:s5], $0x4000;
	s15 =	sshll.u32 s11, $0xE;
	s16 =	simm.s32 $0x0  }
0x1e: {  	s13 =	sor.u32 $0x40, s14;
	[sflag:s5] =	ssyncset.done $0x0;
	s15 =	sand.u32 $0x4000, s15  }
0x1f: {  	s14 =	sor.u32 $0x8040, s14;
	[sflag:s5] =	ssyncadd.s32 $0xFFFFC000;
	s15 =	sor.u32 $0x8000, s15  }
.LBB1_3:
0x20: {  	s17 =	smov.u32 s14;
	s18 =	smov.u32 s13;
	s19 =	simm.s32 $0x0  }
.LBB1_4:
0x21: {  	v0 =	vmov s17;
	v2 =	vld [tilespmem:s18+$0x30]  }
0x22: {  	v4 =	vld [tilespmem:s18+$0xFFFFFFD0]  }
0x23: {  	v6 =	vld [tilespmem:s18+$0xFFFFFFE0]  }
0x24: {  	v7 =	vld [tilespmem:s18+$0xFFFFFFF0]  }
0x25: {  	s20 =	simm.s32 $0x0;
	v1 =	vld [tilespmem:s18+$0x0]  }
0x26: {  	v3 =	vld [tilespmem:s18+$0x10];
	[tilespmem:v0+s20+$0x30 ss:$0x1] =	vst.idx.msk $0xffff, v2  }
0x27: {  	v5 =	vld [tilespmem:s18+$0x20];
	[tilespmem:v0+s20+$0xFFFFFFD0 ss:$0x1] =	vst.idx.msk $0xffff, v4  }
0x28: {  	s21 =	sadd.s32 $0x80, s18;
	v2 =	vld [tilespmem:s18+$0xFFFFFFC0];
	[tilespmem:v0+s20+$0xFFFFFFE0 ss:$0x1] =	vst.idx.msk $0xffff, v6  }
0x29: {  	s22 =	simm.s32 $0x800;
	s23 =	simm.s32 $0x1000;
	v4 =	vld [tilespmem:s21+$0x30];
	[tilespmem:v0+s20+$0xFFFFFFF0 ss:$0x1] =	vst.idx.msk $0xffff, v7  }
.LBB1_5:
0x2a: {  	p0 =	sne.s32 s23, $0x3800;
	v6 =	vld [tilespmem:s21+$0xFFFFFFD0];
	[tilespmem:v0+s20+$0x0 ss:$0x1] =	vst.idx.msk $0xffff, v1  }
0x2b: {  	v7 =	vld [tilespmem:s21+$0xFFFFFFE0];
	[tilespmem:v0+s20+$0x10 ss:$0x1] =	vst.idx.msk $0xffff, v3  }
0x2c: {  	v8 =	vld [tilespmem:s21+$0xFFFFFFF0];
	[tilespmem:v0+s20+$0x20 ss:$0x1] =	vst.idx.msk $0xffff, v5  }
.Ltmp3:
0x2d: {  	v1 =	vld [tilespmem:s21+$0x0];
	[tilespmem:v0+s20+$0xFFFFFFC0 ss:$0x1] =	vst.idx.msk $0xffff, v2;
	s20 =	sshra.s32 s22, $0x2;
	s22 =	smov.u32 s23;
	(pc) =	sbr.rel @p0 .LBB1_5-.Ltmp3, $4  }
0x2e: {  	v3 =	vld [tilespmem:s21+$0x10];
	[tilespmem:v0+s20+$0x30 ss:$0x1] =	vst.idx.msk $0xffff, v4  }
0x2f: {  	[tilespmem:v0+s20+$0xFFFFFFD0 ss:$0x1] =	vst.idx.msk $0xffff, v6;
	v5 =	vld [tilespmem:s21+$0x20]  }
0x30: {  	v2 =	vld [tilespmem:s21+$0xFFFFFFC0];
	[tilespmem:v0+s20+$0xFFFFFFE0 ss:$0x1] =	vst.idx.msk $0xffff, v7;
	s21 =	sadd.s32 $0x80, s21  }
0x31: {  	s23 =	sadd.s32 $0x800, s23;
	v4 =	vld [tilespmem:s21+$0x30];
	[tilespmem:v0+s20+$0xFFFFFFF0 ss:$0x1] =	vst.idx.msk $0xffff, v8  }
0x32: {  	_ =	sdelay $0x3  }
0x33: {  	v6 =	vld [tilespmem:s21+$0xFFFFFFD0];
	[tilespmem:v0+s20+$0x0 ss:$0x1] =	vst.idx.msk $0xffff, v1  }
0x34: {  	v58 =	vld [tilespmem:s21+$0xFFFFFFE0];
	[tilespmem:v0+s20+$0x10 ss:$0x1] =	vst.idx.msk $0xffff, v3  }
0x35: {  	v59 =	vld [tilespmem:s21+$0xFFFFFFF0];
	[tilespmem:v0+s20+$0x20 ss:$0x1] =	vst.idx.msk $0xffff, v5  }
0x36: {  	s22 =	sshra.s32 s22, $0x2;
	v60 =	vld [tilespmem:s21+$0x0];
	[tilespmem:v0+s20+$0xFFFFFFC0 ss:$0x1] =	vst.idx.msk $0xffff, v2  }
0x37: {  	v61 =	vld [tilespmem:s21+$0x10];
	[tilespmem:v0+s22+$0x30 ss:$0x1] =	vst.idx.msk $0xffff, v4  }
0x38: {  	v62 =	vld [tilespmem:s21+$0x20];
	s19 =	sadd.s32 $0x1, s19;
	[tilespmem:v0+s22+$0xFFFFFFD0 ss:$0x1] =	vst.idx.msk $0xffff, v6  }
0x39: {  	v63 =	vld [tilespmem:s21+$0xFFFFFFC0];
	p0 =	sne.s32 s19, $0x4;
	[tilespmem:v0+s22+$0xFFFFFFE0 ss:$0x1] =	vst.idx.msk $0xffff, v58  }
.Ltmp4:
0x3a: {  	[tilespmem:v0+s22+$0xFFFFFFF0 ss:$0x1] =	vst.idx.msk $0xffff, v59;
	(pc) =	sbr.rel @p0 .LBB1_4-.Ltmp4, $4  }
0x3b: {  	[tilespmem:v0+s22+$0x0 ss:$0x1] =	vst.idx.msk $0xffff, v60  }
0x3c: {  	[tilespmem:v0+s22+$0x10 ss:$0x1] =	vst.idx.msk $0xffff, v61  }
0x3d: {  	[tilespmem:v0+s22+$0x20 ss:$0x1] =	vst.idx.msk $0xffff, v62  }
0x3e: {  	s18 =	sadd.s32 $0x400, s18;
	s17 =	sadd.s32 $0x80, s17;
	[tilespmem:v0+s22+$0xFFFFFFC0 ss:$0x1] =	vst.idx.msk $0xffff, v63  }
0x3f: {  	s16 =	sadd.s32 $0x1, s16  }
0x40: {  	p0 =	sne.s32 s16, $0x4  }
.Ltmp5:
0x41: {  	_ = 	snop;
	(pc) =	sbr.rel @p0 .LBB1_3-.Ltmp5, $2  }
0x42: {  	_ =	sdelay $0x2  }
0x43: {  	s13 =	sadd.s32 $0x1000, s13;
	s14 =	sadd.s32 $0x1000, s14  }
.Ltmp6:
0x44: {  	(pc) =	sbr.rel .LBB1_9-.Ltmp6, $4  }
0x45: {  	_ = 	snop  }
0x46: {  	s12 =	sshll.u32 s12, $0x9  }
0x47: {  	s12 =	sadd.s32 s4, s12  }
0x48: {  	[hbm4b:s12+s8] =	stream.linear.scatter [tilespmem:s15], [sflag:$0x2], $0x4000, $0x38;
	[tilespmem:$0x10000] =	vst v63  }
.LBB1_10:
0x49: {  	_ =	sfence.sel $0x180000  }
0x4a: {  	s2 =	simm.s32 $0x1;
	[bflag:$0x0] =	sbarrier.arrive $0xFFFF  }
0x4b: {  	s31 =	simm.s32 $0x2;
	[sflag:s2] =	ssyncpa.u1 $0x1  }
0x4c: {  	[sflag:s31] =	ssyncpa.u1 $0x1  }
0x4d: {  	p0 =	sne.s32 s0, $0x0;
	_ =	strace $0x90000047  }
0x4e: {  	s0 =	sadd.s32 @!p0 $0x100000, s1;
	[bflag:$0x2] =	sbarrier.arrive $0xFFFF  }
0x4f: {  	[sflag:s0] =	ssyncadd.tile.s32 @!p0 $0x1;
	_ =	shalt  }
.Lfunc_end1:
_tile_overlayer_lowered:
.L_overlay_start_2:
0x50: {  	(tag) =	ssettag $0x2  }
0x51: {  	s0 =	rddreg [dreg:$0x0];
	s2 =	stileid.u32  }
0x52: {  	s1 =	rddreg [dreg:$0x1];
	p0 =	sne.s32 s2, $0x0  }
0x53: {  	s3 =	rddreg [dreg:$0x2];
	[bflag:$0x3] =	sbarrier.arrive $0xFFFF;
	s2 =	simm.s32 @!p0 $0x1C01  }
0x54: {  	[timem:s3], [sflag:s2] =	dma.local @!p0 [hbm:s0], s1  }
0x55: {  	s0 =	simm.s32 @!p0 $0x1  }
0x56: {  	_ =	swait.ge @!p0 [sflag:s0], s1  }
0x57: {  	s1 =	ssub.s32 @!p0 $0x0, s1;
	[sflag:s0] =	ssyncset.done @!p0 $0x0  }
0x58: {  	[sflag:s0] =	ssyncadd.s32 @!p0 s1  }
0x59: {  	[bflag:$0x3] =	sbarrier.arrive $0xFFFF  }
0x5a: {  	_ =	shalt  }

// kernel: sparse-core-data-format-call.cloned.1.call-start
scs
called_computation_lowered:
.L_overlay_start_0:
0x0: {  	s2 =	sld [smem:$0x3FD9]  }
0x1: {  	s3 =	sld [smem:$0x3FFE];
	_ =	sdelay $0x1  }
0x2: {  	s1 =	srdreg.scid  }
0x3: {  	s0 =	sand.u32 $0x1, s1  }
0x4: {  	s18 =	sshll.u32 s0, $0xA;
	s2 =	sadd.s32 s3, s2  }
0x5: {  	s2 =	sadd.s32 s2, s18  }
0x6: {  	[smem:$0x3FC4] =	sst s2  }
0x7: {  	_ = 	snop  }
0x8: {  	s2 =	sld [smem:$0x3FD0];
	(tm) =	ssettm $0x1  }
0x9: {  	s19 =	sld [smem:$0x3FFB];
	_ =	sdelay $0x3  }
0xa: {  	_ =	strace s19  }
0xb: {  	s3 =	sld [smem:$0x3FFC];
	_ =	sdelay $0x3  }
0xc: {  	_ =	strace s3  }
0xd: {  	s3 =	sld [smem:$0x3FFD];
	_ =	sdelay $0x3  }
0xe: {  	_ =	strace s3  }
0xf: {  	_ =	strace $0x8FFFFFFF  }
0x10: {  	s20 =	sld [smem:$0x3FDB];
	_ =	sdelay $0x1  }
0x11: {  	s4 =	simm.s32 $_scs_section_size  }
0x12: {  	s5 =	simm.s32 $_size__tile_overlayer_lowered;
	s6 =	simm.s32 $_tile_overlayer_lowered  }
0x13: {  	s23 =	simm.s32 $0x1BFF;
	s22 =	sshll.u32 s6, $0x1;
	s3 =	sadd.s32 s4, s20  }
0x14: {  	s7 =	simm.s32 $0x0;
	s21 =	sshll.u32 s5, $0x1;
	s5 =	sadd.s32 s22, s3  }
0x15: {  	[timem:s7], [sflag:s23] =	dma.local [hbm:s5], s21  }
0x16: {  	_ =	swait.ge [sflag:s23], s21  }
0x17: {  	s4 =	ssub.s32 $0x0, s21;
	[sflag:s23] =	ssyncset.done $0x0  }
0x18: {  	[sflag:s23] =	ssyncadd.s32 s4;
	_ =	sdelay $0x1  }
0x19: {  	s24 =	simm.s32 $0x1B8B  }
0x1a: {  	_ =	swait.ge [sflag:s24], $0x1  }
0x1b: {  	[sflag:s24] =	ssyncset.done $0x0  }
0x1c: {  	s26 =	simm.s32 $0x1B8E;
	s25 =	sld [smem:$0x3FFE];
	[sflag:s24] =	ssyncadd.s32 $0xFFFFFFFF  }
0x1d: {  	s27 =	simm.s32 $execute0_lowered;
	[smem:$0x3FD2] =	sst s26  }
0x1e: {  	s5 =	sshll.u32 s27, $0x1;
	_ =	strace $0x8000004C;
	[dreg:$0x1] =	wrdreg $0xFFFFFFFF  }
0x1f: {  	s28 =	simm.s32 $_size_execute0_lowered;
	s3 =	sadd.s32 s3, s5;
	[dreg:$0x0] =	wrdreg $0x0  }
0x20: {  	s5 =	sshll.u32 s28, $0x1;
	[dreg:$0x2] =	wrdreg s3  }
0x21: {  	[dreg:$0x3] =	wrdreg s5  }
0x22: {  	[dreg:$0x4] =	wrdreg $0xC0  }
0x23: {  	_ =	task [dreg:s7], $0x5FFFF  }
0x24: {  	[dreg:$0x1] =	wrdreg $0xFFFFFFFF  }
0x25: {  	[dreg:$0x0] =	wrdreg $0x60  }
0x26: {  	[dreg:$0x2] =	wrdreg s25  }
0x27: {  	[dreg:$0x3] =	wrdreg s2  }
0x28: {  	[dreg:$0x4] =	wrdreg $0x9  }
0x29: {  	_ =	task.clear_ibuf [dreg:s7], $0x5FFFF;
	_ =	strace $0x9000004C  }
0x2a: {  	s29 =	simm.s32 $0x9;
	_ =	strace $0x8000004E  }
0x2b: {  	_ =	swait.ge [sflag:s29], $0x1  }
0x2c: {  	[sflag:s29] =	ssyncadd.s32 $0xFFFFFFFF  }
0x2d: {  	_ =	strace $0x9000004E  }
0x2e: {  	_ =	sfence  }
0x2f: {  	s30 =	sld [smem:$0x0];
	_ =	sdelay $0x2  }
0x30: {  	s31 =	sshll.u32 s1, $0xD;
	s1 =	sshrl.u32 s1, $0x2  }
0x31: {  	s3 =	sand.u32 $0x4000, s31;
	s1 =	sadd.s32 s1, s30  }
0x32: {  	s0 =	sor.u32 s3, s0;
	s1 =	sshll.u32 s1, $0x11  }
0x33: {  	s0 =	sor.u32 s1, s0  }
0x34: {  	s0 =	sadd.s32 $0x8F2B, s0  }
0x35: {  	[sflag:s0] =	ssyncadd.remote.s32 $0x1  }
0x36: {  	_ =	sfence.sel $0xFFFF  }
0x37: {  	[dreg:$0x0] =	wrdreg $0xFFFFFFFF;
	(pc) =	sbr.abs _section_cstart, $3  }
0x38: {  	[dreg:$0x1] =	wrdreg $0xFFFFFFFF  }
0x39: {  	_ =	task.clear_ibuf [dreg:s7], $0x2FFFF;
	_ =	strace $0x9FFFFFFF  }
0x3a: {  	(tm) =	ssettm $0x7FFFFFFF  }
0x3b: {  	_ =	shalt  }
tec
execute0_lowered:
.L_overlay_start_1:
0x0: {  	(tag) =	ssettag $0x1  }
0x1: {  	s0 =	srdreg.scid  }
0x2: {  	s1 =	sshll.u32 s0, $0x4  }
0x3: {  	s6 =	rddreg [dreg:$0x0];
	s0 =	stileid.u32;
	s1 =	sand.u32 $0x10, s1  }
0x4: {  	s3 =	rddreg [dreg:$0x1];
	s1 =	sor.u32 s0, s1  }
0x5: {  	s5 =	simm.s32 $0x1;
	s31 =	simm.s32 $0x2;
	s2 =	sshll.u32 s1, $0x7  }
0x6: {  	s14 =	simm.s32 $0x0;
	s8 =	simm.s32 $0x1000;
	s4 =	ssub.s32 $0x1000, s2  }
0x7: {  	s9 =	simm.s32 $0x0;
	s15 =	simm.s32 $0x0;
	s30 =	sand.u32 $0xF80, s4  }
0x8: {  	s16 =	simm.s32 $0x0;
	s10 =	simm.s32 $0x0;
	p0 =	sne.s32 s30, $0x0  }
.Ltmp0:
0x9: {  	s7 =	sshrl.u32 s4, $0xC;
	s5 =	simm.s32 @!p0 $0x0;
	(pc) =	sbr.rel .LBB1_1-.Ltmp0, $4  }
0xa: {  	s11 =	simm.s32 $0x0;
	s1 =	rddreg [dreg:$0x2];
	s5 =	sadd.s32 s5, s7  }
0xb: {  	_ =	strace $0x8000004D;
	s4 =	simm.s32 $0x1;
	s5 =	smul.u32 $0x134, s5  }
0xc: {  	s13 =	simm.s32 $0x0;
	s6 =	sadd.s32 $0xE00, s6;
	[sflag:s4] =	ssyncpa.u1 $0x0  }
0xd: {  	s12 =	smov.u32 s2;
	[sflag:s31] =	ssyncpa.u1 $0x0;
	s7 =	sor.u32 $0x1, s5  }
.LBB1_4:
0xe: {  	_ =	sdelay $0x3  }
0xf: {  	[tilespmem:v0+s19+$0xFFFFFFD0 ss:$0x1] =	vst.idx.msk $0xffff, v6  }
0x10: {  	v56 =	vld.idx.msk [tilespmem:v1+s18+$0x0 ss:$0x1], $0xffff;
	[tilespmem:v0+s19+$0xFFFFFFE0 ss:$0x1] =	vst.idx.msk $0xffff, v4  }
0x11: {  	v57 =	vld.idx.msk [tilespmem:v1+s18+$0xFFFFFF90 ss:$0x1], $0xffff;
	[tilespmem:v0+s19+$0xFFFFFFF0 ss:$0x1] =	vst.idx.msk $0xffff, v2  }
0x12: {  	v58 =	vld.idx.msk [tilespmem:v1+s18+$0xFFFFFFA0 ss:$0x1], $0xffff;
	[tilespmem:v0+s19+$0x0 ss:$0x1] =	vst.idx.msk $0xffff, v3  }
0x13: {  	v59 =	vld.idx.msk [tilespmem:v1+s18+$0xFFFFFFB0 ss:$0x1], $0xffff;
	[tilespmem:v0+s19+$0x10 ss:$0x1] =	vst.idx.msk $0xffff, v5  }
0x14: {  	v60 =	vld.idx.msk [tilespmem:v1+s18+$0xFFFFFFC0 ss:$0x1], $0xffff;
	[tilespmem:v0+s19+$0x20 ss:$0x1] =	vst.idx.msk $0xffff, v7  }
0x15: {  	v61 =	vld.idx.msk [tilespmem:v1+s18+$0xFFFFFFD0 ss:$0x1], $0xffff;
	s27 =	sshll.u32 s16, $0x9;
	[tilespmem:v0+s18+$0x30 ss:$0x1] =	vst.idx.msk $0xffff, v56  }
0x16: {  	s20 =	sshll.u32 s14, $0x3;
	v62 =	vld.idx.msk [tilespmem:v1+s18+$0xFFFFFFE0 ss:$0x1], $0xffff;
	s28 =	sshll.u32 s16, $0x7;
	s30 =	sand.u32 $0x78, s14;
	[tilespmem:v0+s18+$0xFFFFFFC0 ss:$0x1] =	vst.idx.msk $0xffff, v57  }
0x17: {  	v63 =	vld.idx.msk [tilespmem:v1+s18+$0xFFFFFFF0 ss:$0x1], $0xffff;
	s15 =	sshll.u32 s15, $0x12;
	s19 =	sand.u32 $0x1FF000, s27;
	s20 =	sand.u32 $0x1FFC00, s20;
	[tilespmem:v0+s18+$0xFFFFFFD0 ss:$0x1] =	vst.idx.msk $0xffff, v58  }
0x18: {  	s29 =	sand.u32 $0x200, s28;
	s16 =	sand.u32 $0x180, s28;
	s19 =	sadd.s32 s19, s20;
	[tilespmem:v0+s18+$0xFFFFFFE0 ss:$0x1] =	vst.idx.msk $0xffff, v59  }
0x19: {  	s31 =	sand.u32 $0x7, s14;
	s16 =	sor.u32 s16, s30;
	s19 =	sor.u32 s29, s19;
	[tilespmem:v0+s18+$0xFFFFFFF0 ss:$0x1] =	vst.idx.msk $0xffff, v60  }
0x1a: {  	s15 =	sadd.s32 s3, s15;
	s16 =	sshrl.u32 s16, $0x3;
	s19 =	sshrl.u32 s19, $0x3;
	[tilespmem:v0+s18+$0x0 ss:$0x1] =	vst.idx.msk $0xffff, v61  }
0x1b: {  	s14 =	sshll.u32 s31, $0x12;
	s15 =	sadd.s32 s16, s15;
	[tilespmem:v0+s18+$0x10 ss:$0x1] =	vst.idx.msk $0xffff, v62;
	s19 =	sand.u32 $0x3FFC0, s19  }
0x1c: {  	s14 =	sor.u32 $0x400, s14;
	[tilespmem:v0+s18+$0x20 ss:$0x1] =	vst.idx.msk $0xffff, v63;
	s15 =	sadd.s32 s19, s15  }
0x1d: {  	[hbm4b:s15+s14] =	stream.strided.scatter [tilespmem:s17], [sflag:$0x2], $0x4000, s8, s14, $0x38;
	[tilespmem:$0x10000] =	vst v63  }
.LBB1_5:
0x1e: {  	s17 =	sadd.s32 $0x80, s10  }
0x1f: {  	s14 =	simm.s32 $0x1;
	p1 =	sgt.s32 s17, $0x1FF  }
0x20: {  	s14 =	simm.s32 @!p1 $0x0  }
0x21: {  	s18 =	sadd.s32 s14, s11  }
0x22: {  	s20 =	smov.u32 s12;
	s14 =	sadd.s32 $0x1000, s12;
	p2 =	sgt.s32 s18, $0x4C  }
0x23: {  	s20 =	smov.u32 @p2 s14  }
0x24: {  	p0 =	slt.u32 s13, $0x2;
	s17 =	simm.s32 @p1 $0x0;
	p1 =	sgt.s32 s20, $0xFFF  }
0x25: {  	s19 =	simm.s32 @!p0 $0x2;
	s20 =	smov.u32 @p1 s2;
	p1 =	sne.s32 s13, s7  }
.Ltmp1:
0x26: {  	_ =	swait.ge @!p0 [sflag:s19], $0x4000;
	(pc) =	sbr.rel @!p1 .LBB1_6-.Ltmp1, $4  }
0x27: {  	s15 =	smov.u32 s11;
	[sflag:s19] =	ssyncset.done @!p0 $0x0  }
0x28: {  	s16 =	smov.u32 s12;
	s9 =	sadd.s32 $0x4000, s9;
	[sflag:s19] =	ssyncadd.s32 @!p0 $0xFFFFC000  }
0x29: {  	s18 =	simm.s32 @p2 $0x0;
	s14 =	smov.u32 s10;
	s10 =	smov.u32 s17  }
0x2a: {  	s11 =	smov.u32 s18;
	s13 =	sadd.s32 $0x1, s13;
	s12 =	smov.u32 s20  }
.LBB1_1:
0x2b: {  	p0 =	sge.u32 s13, s5  }
0x2c: {  	s17 =	sshll.u32 @!p0 s11, $0x9;
	s18 =	sshll.u32 @!p0 s10, $0x3  }
0x2d: {  	s19 =	sshll.u32 @!p0 s11, $0x7;
	s17 =	sand.u32 @!p0 $0xFFFFF000, s17;
	s18 =	sand.u32 @!p0 $0xFFFFFC00, s18  }
0x2e: {  	s17 =	sadd.s32 @!p0 s17, s18;
	s18 =	sand.u32 @!p0 $0x200, s19  }
0x2f: {  	s17 =	sor.u32 @!p0 s18, s17  }
0x30: {  	s17 =	sshrl.u32 @!p0 s17, $0x9  }
0x31: {  	s31 =	sadd.s32 $0xFFFFFFFF, s13;
	s18 =	smulhi.u32 @!p0 $0x3333334, s17  }
0x32: {  	s20 =	sxor.u32 @!p0 $0xFFFFFFFF, s13;
	s21 =	sand.u32 @!p0 $0x78, s10;
	s22 =	smul.u32 @!p0 $0x1400, s12  }
0x33: {  	s20 =	sshll.u32 @!p0 s20, $0xE;
	s19 =	sand.u32 @!p0 $0x180, s19;
	s18 =	smul.u32 @!p0 $0x50, s18  }
0x34: {  	s20 =	sand.u32 @!p0 $0x4000, s20;
	s19 =	sor.u32 @!p0 s21, s19;
	s21 =	sand.u32 @!p0 $0x7, s10  }
0x35: {  	s17 =	ssub.s32 @!p0 s17, s18;
	s18 =	sshrl.u32 @!p0 s19, $0x3;
	s19 =	sadd.s32 @!p0 s6, s22  }
0x36: {  	s17 =	sshll.u32 @!p0 s17, $0x6;
	s18 =	sadd.s32 @!p0 s18, s19;
	s19 =	sshll.u32 @!p0 s21, $0x12  }
0x37: {  	s17 =	sadd.s32 @!p0 s17, s18;
	s18 =	sor.u32 @!p0 $0x80, s19;
	s19 =	simm.s32 @!p0 $0xA000  }
0x38: {  	[tilespmem:s20], [sflag:$0x1] =	stream.strided.gather @!p0 [hbm4b:s17+s18], $0x4000, s19, s18, $0x38;
	[tilespmem:$0x10000] =	vst v63  }
0x39: {  	p0 =	sge.u32 s31, s5  }
.Ltmp2:
0x3a: {  	_ = 	snop;
	(pc) =	sbr.rel @p0 .LBB1_5-.Ltmp2, $1  }
0x3b: {  	_ =	sdelay $0x3  }
0x3c: {  	s17 =	sand.u32 $0x4000, s9  }
0x3d: {  	s18 =	sor.u32 $0x70, s17  }
0x3e: {  	v1 =	vmov s18;
	_ =	sdelay $0x1  }
0x3f: {  	_ =	swait.ge [sflag:s4], $0x4000  }
0x40: {  	[sflag:s4] =	ssyncset.done $0x0  }
0x41: {  	s19 =	simm.s32 $0x0;
	[sflag:s4] =	ssyncadd.s32 $0xFFFFC000  }
0x42: {  	s17 =	sor.u32 $0x8040, s17;
	v7 =	vld.idx.msk [tilespmem:v1+s19+$0x0 ss:$0x1], $0xffff  }
0x43: {  	v0 =	vmov s17;
	v8 =	vld.idx.msk [tilespmem:v1+s19+$0xFFFFFF90 ss:$0x1], $0xffff  }
0x44: {  	v6 =	vld.idx.msk [tilespmem:v1+s19+$0xFFFFFFA0 ss:$0x1], $0xffff  }
0x45: {  	v4 =	vld.idx.msk [tilespmem:v1+s19+$0xFFFFFFB0 ss:$0x1], $0xffff  }
0x46: {  	v2 =	vld.idx.msk [tilespmem:v1+s19+$0xFFFFFFC0 ss:$0x1], $0xffff  }
0x47: {  	s31 =	sshll.u32 s13, $0xE;
	v3 =	vld.idx.msk [tilespmem:v1+s19+$0xFFFFFFD0 ss:$0x1], $0xffff  }
0x48: {  	s17 =	sand.u32 $0x4000, s31;
	v5 =	vld.idx.msk [tilespmem:v1+s19+$0xFFFFFFE0 ss:$0x1], $0xffff;
	[tilespmem:v0+s19+$0x30 ss:$0x1] =	vst.idx.msk $0xffff, v7  }
0x49: {  	s20 =	simm.s32 $0x400;
	s18 =	simm.s32 $0x80;
	s17 =	sor.u32 $0x8000, s17;
	[tilespmem:v0+s19+$0xFFFFFFC0 ss:$0x1] =	vst.idx.msk $0xffff, v8;
	v7 =	vld.idx.msk [tilespmem:v1+s19+$0xFFFFFFF0 ss:$0x1], $0xffff  }
.LBB1_3:
0x4a: {  	p0 =	sne.s32 s20, $0xFE00;
	v8 =	vld.idx.msk [tilespmem:v1+s18+$0x0 ss:$0x1], $0xffff;
	[tilespmem:v0+s19+$0xFFFFFFD0 ss:$0x1] =	vst.idx.msk $0xffff, v6  }
0x4b: {  	v9 =	vld.idx.msk [tilespmem:v1+s18+$0xFFFFFF90 ss:$0x1], $0xffff;
	[tilespmem:v0+s19+$0xFFFFFFE0 ss:$0x1] =	vst.idx.msk $0xffff, v4  }
0x4c: {  	v6 =	vld.idx.msk [tilespmem:v1+s18+$0xFFFFFFA0 ss:$0x1], $0xffff;
	[tilespmem:v0+s19+$0xFFFFFFF0 ss:$0x1] =	vst.idx.msk $0xffff, v2  }
.Ltmp3:
0x4d: {  	v4 =	vld.idx.msk [tilespmem:v1+s18+$0xFFFFFFB0 ss:$0x1], $0xffff;
	[tilespmem:v0+s19+$0x0 ss:$0x1] =	vst.idx.msk $0xffff, v3;
	(pc) =	sbr.rel @p0 .LBB1_3-.Ltmp3, $4  }
0x4e: {  	v2 =	vld.idx.msk [tilespmem:v1+s18+$0xFFFFFFC0 ss:$0x1], $0xffff;
	[tilespmem:v0+s19+$0x10 ss:$0x1] =	vst.idx.msk $0xffff, v5  }
0x4f: {  	v3 =	vld.idx.msk [tilespmem:v1+s18+$0xFFFFFFD0 ss:$0x1], $0xffff;
	[tilespmem:v0+s19+$0x20 ss:$0x1] =	vst.idx.msk $0xffff, v7;
	s19 =	smov.u32 s18  }
0x50: {  	v5 =	vld.idx.msk [tilespmem:v1+s19+$0xFFFFFFE0 ss:$0x1], $0xffff;
	[tilespmem:v0+s19+$0x30 ss:$0x1] =	vst.idx.msk $0xffff, v8  }
0x51: {  	s18 =	sshra.s32 s20, $0x2;
	s20 =	sadd.s32 $0x200, s20;
	[tilespmem:v0+s19+$0xFFFFFFC0 ss:$0x1] =	vst.idx.msk $0xffff, v9;
	v7 =	vld.idx.msk [tilespmem:v1+s19+$0xFFFFFFF0 ss:$0x1], $0xffff  }
.Ltmp4:
0x52: {  	_ = 	snop;
	(pc) =	sbr.rel .LBB1_4-.Ltmp4, $1  }
0x53: {  	_ =	sdelay $0x3  }
.LBB1_6:
0x54: {  	_ =	sfence.sel $0x180000  }
0x55: {  	s2 =	simm.s32 $0x1;
	[bflag:$0x0] =	sbarrier.arrive $0xFFFF  }
0x56: {  	s31 =	simm.s32 $0x2;
	[sflag:s2] =	ssyncpa.u1 $0x1  }
0x57: {  	[sflag:s31] =	ssyncpa.u1 $0x1  }
0x58: {  	p0 =	sne.s32 s0, $0x0;
	_ =	strace $0x9000004D  }
0x59: {  	s0 =	sadd.s32 @!p0 $0x100000, s1;
	[bflag:$0x2] =	sbarrier.arrive $0xFFFF  }
0x5a: {  	[sflag:s0] =	ssyncadd.tile.s32 @!p0 $0x1;
	_ =	shalt  }
.Lfunc_end1:
_tile_overlayer_lowered:
.L_overlay_start_2:
0x5b: {  	(tag) =	ssettag $0x2  }
0x5c: {  	s0 =	rddreg [dreg:$0x0];
	s2 =	stileid.u32  }
0x5d: {  	s1 =	rddreg [dreg:$0x1];
	p0 =	sne.s32 s2, $0x0  }
0x5e: {  	s3 =	rddreg [dreg:$0x2];
	[bflag:$0x3] =	sbarrier.arrive $0xFFFF;
	s2 =	simm.s32 @!p0 $0x1C01  }
0x5f: {  	[timem:s3], [sflag:s2] =	dma.local @!p0 [hbm:s0], s1  }
0x60: {  	s0 =	simm.s32 @!p0 $0x1  }
0x61: {  	_ =	swait.ge @!p0 [sflag:s0], s1  }
0x62: {  	s1 =	ssub.s32 @!p0 $0x0, s1;
	[sflag:s0] =	ssyncset.done @!p0 $0x0  }
0x63: {  	[sflag:s0] =	ssyncadd.s32 @!p0 s1  }
0x64: {  	[bflag:$0x3] =	sbarrier.arrive $0xFFFF  }
0x65: {  	_ =	shalt  }

</sc_bundles>
